<compile_context>
chip_gen: v7x
topology: tpu7x:2x2x1
jax: 0.10.2.dev20260603
libtpu: 0.0.44.dev20260713+nightly
codegen_flags: <defaults>
</compile_context>

<pallas_src>
import functools

import jax
import jax.numpy as jnp
from jax import lax
from jax.experimental import pallas as pl
from jax.experimental.pallas import tpu as pltpu
from jax.experimental.pallas import tpu_sc as plsc

NEG = -1000000000.0
LN2 = 0.6931471805599453
SQRT2 = 1.4142135623730951


@functools.lru_cache(maxsize=None)
def _build(B, V):
    info = plsc.get_sparse_core_info()
    NC, NS = info.num_cores, info.num_subcores
    NW = NC * NS
    RPW = B // NW
    CH = 9088
    NCH = 11
    TAIL = V - NCH * CH
    NT = RPW * NCH
    NV = CH // 16
    NVM = (NV // 4) * 4

    mesh = plsc.VectorSubcoreMesh(core_axis_name="c", subcore_axis_name="s")

    @functools.partial(
        pl.kernel,
        out_type=jax.ShapeDtypeStruct((NW * 16,), jnp.float32),
        mesh=mesh,
        compiler_params=pltpu.CompilerParams(
            needs_layout_passes=False, use_tc_tiling_on_sc=True),
        scratch_types=[
            pltpu.VMEM((CH,), jnp.float32),
            pltpu.VMEM((CH,), jnp.float32),
            pltpu.VMEM((CH,), jnp.int32),
            pltpu.VMEM((CH,), jnp.int32),
            pltpu.VMEM((B,), jnp.int32),
            pltpu.VMEM((128,), jnp.float32),
            pltpu.VMEM((128,), jnp.int32),
            pltpu.VMEM((32,), jnp.float32),
            pltpu.VMEM((32,), jnp.int32),
            pltpu.VMEM((16,), jnp.float32),
            pltpu.SemaphoreType.DMA,
            pltpu.SemaphoreType.DMA,
            pltpu.SemaphoreType.DMA,
            pltpu.SemaphoreType.DMA,
        ],
    )
    def body(logits_hbm, mask_hbm, value_hbm, out_hbm,
             lb0, lb1, mb0, mb1, vbuf, gbuf, gmb, tb, tmb, obuf,
             semL0, semL1, semM0, semM1):
        wid = lax.axis_index("s") * NC + lax.axis_index("c")
        iota = lax.iota(jnp.int32, 16)
        negv = jnp.full((16,), NEG, jnp.float32)
        zerov = jnp.zeros((16,), jnp.float32)

        def rowci(t):
            return wid * RPW + t // NCH, t % NCH

        def start(t, lb, mb, semL, semM):
            row, ci = rowci(t)
            c0 = pl.multiple_of(ci * CH, 128)
            pltpu.async_copy(logits_hbm.at[row, pl.ds(c0, CH)], lb, semL)
            pltpu.async_copy(mask_hbm.at[row, pl.ds(c0, CH)], mb, semM)

        def wait(lb, mb, semL, semM):
            pltpu.make_async_copy(
                logits_hbm.at[0, pl.ds(0, CH)], lb, semL).wait()
            pltpu.make_async_copy(
                mask_hbm.at[0, pl.ds(0, CH)], mb, semM).wait()

        def masked_exp(x, mk, newm):
            xm = jnp.where(mk != 0, x, negv)
            return jnp.exp(xm - newm)

        def process(t, lb, mb, carry):
            Mv, Sv, m, s = carry
            row, ci = rowci(t)
            r = t // NCH
            first = ci == 0
            m = jnp.where(first, negv, m)
            s = jnp.where(first, zerov, s)

            @plsc.parallel_loop(0, NVM, step=4, unroll=8,
                                carry=(negv, negv, negv, negv))
            def p1(v, c):
                b = v * 16
                return (jnp.maximum(c[0], lb[pl.ds(b, 16)]),
                        jnp.maximum(c[1], lb[pl.ds(b + 16, 16)]),
                        jnp.maximum(c[2], lb[pl.ds(b + 32, 16)]),
                        jnp.maximum(c[3], lb[pl.ds(b + 48, 16)]))

            cmax = jnp.maximum(jnp.maximum(p1[0], p1[1]),
                               jnp.maximum(p1[2], p1[3]))
            @pl.when(ci == NCH - 1)
            def _():
                c0t = pl.multiple_of(NCH * CH, 128)
                pltpu.sync_copy(logits_hbm.at[row, pl.ds(c0t, TAIL)], tb)
                pltpu.sync_copy(mask_hbm.at[row, pl.ds(c0t, TAIL)], tmb)

            last = ci == NCH - 1
            tmax = jnp.maximum(tb[pl.ds(0, 16)], tb[pl.ds(16, 16)])
            cmax = jnp.where(last, jnp.maximum(cmax, tmax), cmax)
            newm = jnp.maximum(m, cmax)
            s = s * jnp.exp(m - newm)

            @plsc.parallel_loop(0, NVM, step=4, unroll=4,
                                carry=(zerov, zerov, zerov, zerov))
            def p2(v, a):
                b = v * 16
                return (
                    a[0] + masked_exp(lb[pl.ds(b, 16)],
                                      mb[pl.ds(b, 16)], newm),
                    a[1] + masked_exp(lb[pl.ds(b + 16, 16)],
                                      mb[pl.ds(b + 16, 16)], newm),
                    a[2] + masked_exp(lb[pl.ds(b + 32, 16)],
                                      mb[pl.ds(b + 32, 16)], newm),
                    a[3] + masked_exp(lb[pl.ds(b + 48, 16)],
                                      mb[pl.ds(b + 48, 16)], newm))

            s = s + ((p2[0] + p2[1]) + (p2[2] + p2[3]))
            tsum = (masked_exp(tb[pl.ds(0, 16)], tmb[pl.ds(0, 16)], newm)
                    + masked_exp(tb[pl.ds(16, 16)], tmb[pl.ds(16, 16)], newm))
            s = s + jnp.where(last, tsum, zerov)

            M = jnp.max(newm)
            Sg = jnp.sum(s * jnp.exp(newm - M))
            sel = last & (iota == r)
            Mv = jnp.where(sel, M, Mv)
            Sv = jnp.where(sel, Sg, Sv)
            return (Mv, Sv, newm, s)

        start(0, lb0, mb0, semL0, semM0)
        start(1, lb1, mb1, semL1, semM1)

        def loop_body(i, carry):
            t0 = 2 * i
            wait(lb0, mb0, semL0, semM0)
            carry = process(t0, lb0, mb0, carry)

            @pl.when(i < NT // 2 - 1)
            def _():
                start(t0 + 2, lb0, mb0, semL0, semM0)

            wait(lb1, mb1, semL1, semM1)
            carry = process(t0 + 1, lb1, mb1, carry)

            @pl.when(i < NT // 2 - 1)
            def _():
                start(t0 + 3, lb1, mb1, semL1, semM1)

            return carry

        Mv, Sv, _, _ = lax.fori_loop(
            0, NT // 2, loop_body,
            (zerov, jnp.ones((16,), jnp.float32), negv, zerov))

        pltpu.sync_copy(value_hbm, vbuf)
        vals = plsc.load_gather(vbuf, [wid * RPW + jnp.minimum(iota, RPW - 1)])
        Gv = negv
        for r in range(RPW):
            row = wid * RPW + r
            val = jnp.max(jnp.where(iota == r, vals, 0))
            va = pl.multiple_of((val // 128) * 128, 128)
            pltpu.sync_copy(logits_hbm.at[row, pl.ds(va, 128)], gbuf)
            pltpu.sync_copy(mask_hbm.at[row, pl.ds(va, 128)], gmb)
            off = val - va
            voff = (off // 16) * 16
            xv = gbuf[pl.ds(voff, 16)]
            mkv = gmb[pl.ds(voff, 16)]
            lane = off - voff
            hit = iota == lane
            g = jnp.max(jnp.where(hit & (mkv != 0), xv, negv))
            Gv = jnp.where(iota == r, g, Gv)

        bits = plsc.bitcast(Sv, jnp.int32)
        e = (lax.shift_right_logical(bits, 23) & 0xFF) - 127
        mant = plsc.bitcast((bits & 0x7FFFFF) | 0x3F800000, jnp.float32)
        big = mant > SQRT2
        mant = jnp.where(big, mant * 0.5, mant)
        e = jnp.where(big, e + 1, e)
        t = (mant - 1.0) / (mant + 1.0)
        t2 = t * t
        logm = 2.0 * t * (1.0 + t2 * (1.0 / 3.0 + t2 * (0.2 + t2 * (1.0 / 7.0))))
        logS = e.astype(jnp.float32) * LN2 + logm

        obuf[...] = Gv - (Mv + logS)
        pltpu.sync_copy(obuf, out_hbm.at[pl.ds(wid * 16, 16)])

    return body, RPW


def kernel(logits, mask, value):
    B, V = logits.shape
    body, rpw = _build(B, V)
    out = body(logits, mask, value.astype(jnp.int32))
    return out.reshape(B // rpw, 16)[:, :rpw].reshape(B)

# --- scband reference (transcript-rebuilt; emitter-appended) ---
"""Pipeline reference for scband-masked-categorical-80659485819436 (READ-ONLY COPY).

The authoritative reference and input builder live on the scoring server;
editing this copy changes nothing except your own understanding.
"""

import jax, jax.numpy as jnp
import numpy as np

NEG_INF = -1000000000.0

def setup_inputs(seed: int = 0) -> dict:
    key = jax.random.key(seed)
    k1, k2, k3 = jax.random.split(key, 3)
    B, V = 128, 100000
    logits = jax.random.normal(k1, (B, V), dtype=jnp.float32)
    mask = jax.random.randint(k2, (B, V), 0, 2).astype(jnp.bool_)
    value = jax.random.randint(k3, (B,), 0, V).astype(jnp.int64) if jax.config.read('jax_enable_x64') else jax.random.randint(k3, (B,), 0, V).astype(jnp.int32)
    return {"logits": logits, "mask": mask, "value": value}

def reference(logits, mask, value):
    # MaskedCategorical._mask_logits (dense mask path): masked_fill(~mask, neg_inf)
    masked_logits = jnp.where(mask, logits, jnp.asarray(NEG_INF, dtype=logits.dtype))
    # torch.distributions.Categorical normalizes: logits - logsumexp(logits)
    norm_logits = masked_logits - jax.nn.logsumexp(masked_logits, axis=-1, keepdims=True)
    # log_prob(value): gather along last dim
    logp = jnp.take_along_axis(norm_logits, value[:, None].astype(jnp.int32), axis=-1)
    return logp.squeeze(-1)

if __name__ == "__main__":
    import jax
    _d = setup_inputs()
    print(jax.jit(kernel)(*tuple(_d.values())))

</pallas_src>

<mosaic_0001>
#map = affine_map<(d0, d1) -> (0, 0)>
#map1 = affine_map<(d0, d1) -> (0)>
module attributes {stable_mosaic.version = 14 : i64} {
  func.func @body(%arg0: i32, %arg1: i32, %arg2: memref<128x100000xf32, #tpu.memory_space<hbm>>, %arg3: memref<128x100000xi32, #tpu.memory_space<hbm>>, %arg4: memref<128xi32, #tpu.memory_space<hbm>>, %arg5: memref<512xf32, #tpu.memory_space<hbm>>, %arg6: memref<9088xf32, #tpu.memory_space<vmem>>, %arg7: memref<9088xf32, #tpu.memory_space<vmem>>, %arg8: memref<9088xi32, #tpu.memory_space<vmem>>, %arg9: memref<9088xi32, #tpu.memory_space<vmem>>, %arg10: memref<128xi32, #tpu.memory_space<vmem>>, %arg11: memref<128xf32, #tpu.memory_space<vmem>>, %arg12: memref<128xi32, #tpu.memory_space<vmem>>, %arg13: memref<32xf32, #tpu.memory_space<vmem>>, %arg14: memref<32xi32, #tpu.memory_space<vmem>>, %arg15: memref<16xf32, #tpu.memory_space<vmem>>, %arg16: memref<!tpu.dma_semaphore, #tpu.memory_space<semaphore_mem>>, %arg17: memref<!tpu.dma_semaphore, #tpu.memory_space<semaphore_mem>>, %arg18: memref<!tpu.dma_semaphore, #tpu.memory_space<semaphore_mem>>, %arg19: memref<!tpu.dma_semaphore, #tpu.memory_space<semaphore_mem>>) attributes {dimension_semantics = [#tpu.dimension_semantics<core_parallel>, #tpu.dimension_semantics<subcore_parallel>], iteration_bounds = array<i64: 2, 16>, scalar_prefetch = 0 : i64, scratch_operands = 14 : i64, tpu.core_type = #tpu.core_type<sc_vector_subcore>, window_params = [{transform_indices = #map}, {transform_indices = #map}, {transform_indices = #map1}, {transform_indices = #map1}]} {
    %mul3A = arith.constant 2 : i32
    %mul3A_0 = arith.muli %arg1, %mul3A : i32
    %add3A = arith.addi %mul3A_0, %arg0 : i32
    %iota3A = tpu.iota {dimensions = array<i32: 0>} : vector<16xi32>
    %broadcast_in_dim3A = arith.constant -1.000000e+09 : f32
    %broadcast_in_dim3A_1 = vector.broadcast %broadcast_in_dim3A : f32 to vector<16xf32>
    %broadcast_in_dim3A_2 = arith.constant 0.000000e+00 : f32
    %broadcast_in_dim3A_3 = vector.broadcast %broadcast_in_dim3A_2 : f32 to vector<16xf32>
    %mul3A_4 = arith.constant 4 : i32
    %mul3A_5 = arith.muli %add3A, %mul3A_4 : i32
    %add3A_6 = arith.constant 0 : i32
    %add3A_7 = arith.addi %mul3A_5, %add3A_6 : i32
    %multiple_of3A = arith.constant 0 : i32
    %multiple_of3A_8 = tpu.assume_multiple %multiple_of3A, 128 : i32
    %dma_start3A = tpu.memref_slice %arg2[%add3A_7, %multiple_of3A_8] : memref<128x100000xf32, #tpu.memory_space<hbm>> -> memref<1x9088xf32, #tpu.memory_space<hbm>>
    %dma_start3A_9 = tpu.memref_squeeze %dma_start3A : memref<1x9088xf32, #tpu.memory_space<hbm>> -> memref<9088xf32, #tpu.memory_space<hbm>>
    %dma_start3A_10 = tpu.memref_slice %arg2[%add3A_7, %multiple_of3A_8] : memref<128x100000xf32, #tpu.memory_space<hbm>> -> memref<1x9088xf32, #tpu.memory_space<hbm>>
    %dma_start3A_11 = tpu.memref_squeeze %dma_start3A_10 : memref<1x9088xf32, #tpu.memory_space<hbm>> -> memref<9088xf32, #tpu.memory_space<hbm>>
    tpu.enqueue_dma source(%dma_start3A_11 : memref<9088xf32, #tpu.memory_space<hbm>>) target(%arg6 : memref<9088xf32, #tpu.memory_space<vmem>>) target_semaphore(%arg16 : memref<!tpu.dma_semaphore, #tpu.memory_space<semaphore_mem>>)
    %dma_start3A_12 = tpu.memref_slice %arg3[%add3A_7, %multiple_of3A_8] : memref<128x100000xi32, #tpu.memory_space<hbm>> -> memref<1x9088xi32, #tpu.memory_space<hbm>>
    %dma_start3A_13 = tpu.memref_squeeze %dma_start3A_12 : memref<1x9088xi32, #tpu.memory_space<hbm>> -> memref<9088xi32, #tpu.memory_space<hbm>>
    %dma_start3A_14 = tpu.memref_slice %arg3[%add3A_7, %multiple_of3A_8] : memref<128x100000xi32, #tpu.memory_space<hbm>> -> memref<1x9088xi32, #tpu.memory_space<hbm>>
    %dma_start3A_15 = tpu.memref_squeeze %dma_start3A_14 : memref<1x9088xi32, #tpu.memory_space<hbm>> -> memref<9088xi32, #tpu.memory_space<hbm>>
    tpu.enqueue_dma source(%dma_start3A_15 : memref<9088xi32, #tpu.memory_space<hbm>>) target(%arg8 : memref<9088xi32, #tpu.memory_space<vmem>>) target_semaphore(%arg18 : memref<!tpu.dma_semaphore, #tpu.memory_space<semaphore_mem>>)
    %mul3A_16 = arith.constant 4 : i32
    %mul3A_17 = arith.muli %add3A, %mul3A_16 : i32
    %add3A_18 = arith.constant 0 : i32
    %add3A_19 = arith.addi %mul3A_17, %add3A_18 : i32
    %multiple_of3A_20 = arith.constant 9088 : i32
    %multiple_of3A_21 = tpu.assume_multiple %multiple_of3A_20, 128 : i32
    %dma_start3A_22 = tpu.memref_slice %arg2[%add3A_19, %multiple_of3A_21] : memref<128x100000xf32, #tpu.memory_space<hbm>> -> memref<1x9088xf32, #tpu.memory_space<hbm>>
    %dma_start3A_23 = tpu.memref_squeeze %dma_start3A_22 : memref<1x9088xf32, #tpu.memory_space<hbm>> -> memref<9088xf32, #tpu.memory_space<hbm>>
    %dma_start3A_24 = tpu.memref_slice %arg2[%add3A_19, %multiple_of3A_21] : memref<128x100000xf32, #tpu.memory_space<hbm>> -> memref<1x9088xf32, #tpu.memory_space<hbm>>
    %dma_start3A_25 = tpu.memref_squeeze %dma_start3A_24 : memref<1x9088xf32, #tpu.memory_space<hbm>> -> memref<9088xf32, #tpu.memory_space<hbm>>
    tpu.enqueue_dma source(%dma_start3A_25 : memref<9088xf32, #tpu.memory_space<hbm>>) target(%arg7 : memref<9088xf32, #tpu.memory_space<vmem>>) target_semaphore(%arg17 : memref<!tpu.dma_semaphore, #tpu.memory_space<semaphore_mem>>)
    %dma_start3A_26 = tpu.memref_slice %arg3[%add3A_19, %multiple_of3A_21] : memref<128x100000xi32, #tpu.memory_space<hbm>> -> memref<1x9088xi32, #tpu.memory_space<hbm>>
    %dma_start3A_27 = tpu.memref_squeeze %dma_start3A_26 : memref<1x9088xi32, #tpu.memory_space<hbm>> -> memref<9088xi32, #tpu.memory_space<hbm>>
    %dma_start3A_28 = tpu.memref_slice %arg3[%add3A_19, %multiple_of3A_21] : memref<128x100000xi32, #tpu.memory_space<hbm>> -> memref<1x9088xi32, #tpu.memory_space<hbm>>
    %dma_start3A_29 = tpu.memref_squeeze %dma_start3A_28 : memref<1x9088xi32, #tpu.memory_space<hbm>> -> memref<9088xi32, #tpu.memory_space<hbm>>
    tpu.enqueue_dma source(%dma_start3A_29 : memref<9088xi32, #tpu.memory_space<hbm>>) target(%arg9 : memref<9088xi32, #tpu.memory_space<vmem>>) target_semaphore(%arg19 : memref<!tpu.dma_semaphore, #tpu.memory_space<semaphore_mem>>)
    %broadcast_in_dim3A_30 = arith.constant 1.000000e+00 : f32
    %broadcast_in_dim3A_31 = vector.broadcast %broadcast_in_dim3A_30 : f32 to vector<16xf32>
    %scan3A = arith.constant 0 : i32
    %scan3A_32 = arith.constant 22 : i32
    %scan3A_33 = arith.addi %scan3A, %scan3A_32 : i32
    %scan3A_34 = arith.constant 1 : i32
    %scan3A_35:4 = scf.for %scan3A_463 = %scan3A to %scan3A_33 step %scan3A_34 iter_args(%scan3A_464 = %broadcast_in_dim3A_3, %scan3A_465 = %broadcast_in_dim3A_31, %scan3A_466 = %broadcast_in_dim3A_1, %scan3A_467 = %broadcast_in_dim3A_3) -> (vector<16xf32>, vector<16xf32>, vector<16xf32>, vector<16xf32>)  : i32 {
      %mul3A_468 = arith.constant 2 : i32
      %mul3A_469 = arith.muli %mul3A_468, %scan3A_463 : i32
      %dma_wait3A = arith.constant 0 : i32
      %dma_wait3A_470 = arith.constant 0 : i32
      %dma_wait3A_471 = tpu.memref_slice %arg2[%dma_wait3A, %dma_wait3A_470] : memref<128x100000xf32, #tpu.memory_space<hbm>> -> memref<1x9088xf32, #tpu.memory_space<hbm>>
      %dma_wait3A_472 = tpu.memref_squeeze %dma_wait3A_471 : memref<1x9088xf32, #tpu.memory_space<hbm>> -> memref<9088xf32, #tpu.memory_space<hbm>>
      %dma_wait3A_473 = arith.constant 0 : i32
      %dma_wait3A_474 = tpu.memref_slice %arg2[%dma_wait3A, %dma_wait3A_473] : memref<128x100000xf32, #tpu.memory_space<hbm>> -> memref<1x9088xf32, #tpu.memory_space<hbm>>
      %dma_wait3A_475 = tpu.memref_squeeze %dma_wait3A_474 : memref<1x9088xf32, #tpu.memory_space<hbm>> -> memref<9088xf32, #tpu.memory_space<hbm>>
      tpu.wait_dma2 semaphore(%arg16 : memref<!tpu.dma_semaphore, #tpu.memory_space<semaphore_mem>>) src(%dma_wait3A_475 : memref<9088xf32, #tpu.memory_space<hbm>>) dst(%arg6 : memref<9088xf32, #tpu.memory_space<vmem>>)
      %dma_wait3A_476 = arith.constant 0 : i32
      %dma_wait3A_477 = arith.constant 0 : i32
      %dma_wait3A_478 = tpu.memref_slice %arg3[%dma_wait3A_476, %dma_wait3A_477] : memref<128x100000xi32, #tpu.memory_space<hbm>> -> memref<1x9088xi32, #tpu.memory_space<hbm>>
      %dma_wait3A_479 = tpu.memref_squeeze %dma_wait3A_478 : memref<1x9088xi32, #tpu.memory_space<hbm>> -> memref<9088xi32, #tpu.memory_space<hbm>>
      %dma_wait3A_480 = arith.constant 0 : i32
      %dma_wait3A_481 = tpu.memref_slice %arg3[%dma_wait3A_476, %dma_wait3A_480] : memref<128x100000xi32, #tpu.memory_space<hbm>> -> memref<1x9088xi32, #tpu.memory_space<hbm>>
      %dma_wait3A_482 = tpu.memref_squeeze %dma_wait3A_481 : memref<1x9088xi32, #tpu.memory_space<hbm>> -> memref<9088xi32, #tpu.memory_space<hbm>>
      tpu.wait_dma2 semaphore(%arg18 : memref<!tpu.dma_semaphore, #tpu.memory_space<semaphore_mem>>) src(%dma_wait3A_482 : memref<9088xi32, #tpu.memory_space<hbm>>) dst(%arg8 : memref<9088xi32, #tpu.memory_space<vmem>>)
      %mul3A_483 = arith.constant 4 : i32
      %mul3A_484 = arith.muli %add3A, %mul3A_483 : i32
      %jit3A_485 = arith.constant 11 : i32
      %div3A_486 = arith.divsi %mul3A_469, %jit3A_485 : i32
      %sign3A_487 = arith.constant 0 : i32
      %sign3A_488 = arith.cmpi sgt, %mul3A_469, %sign3A_487 : i32
      %sign3A_489 = arith.extui %sign3A_488 : i1 to i32
      %sign3A_490 = arith.constant 0 : i32
      %sign3A_491 = arith.cmpi slt, %mul3A_469, %sign3A_490 : i32
      %sign3A_492 = arith.extui %sign3A_491 : i1 to i32
      %sign3A_493 = arith.subi %sign3A_489, %sign3A_492 : i32
      %sign3A_494 = arith.constant 0 : i32
      %sign3A_495 = arith.cmpi sgt, %jit3A_485, %sign3A_494 : i32
      %sign3A_496 = arith.extui %sign3A_495 : i1 to i32
      %sign3A_497 = arith.constant 0 : i32
      %sign3A_498 = arith.cmpi slt, %jit3A_485, %sign3A_497 : i32
      %sign3A_499 = arith.extui %sign3A_498 : i1 to i32
      %sign3A_500 = arith.subi %sign3A_496, %sign3A_499 : i32
      %ne3A_501 = arith.cmpi ne, %sign3A_493, %sign3A_500 : i32
      %rem3A_502 = arith.remsi %mul3A_469, %jit3A_485 : i32
      %ne3A_503 = arith.constant 0 : i32
      %ne3A_504 = arith.cmpi ne, %rem3A_502, %ne3A_503 : i32
      %and3A_505 = arith.andi %ne3A_501, %ne3A_504 : i1
      %sub3A_506 = arith.constant 1 : i32
      %sub3A_507 = arith.subi %div3A_486, %sub3A_506 : i32
      %select_n3A_508 = arith.select %and3A_505, %sub3A_507, %div3A_486 : i32
      %add3A_509 = arith.addi %mul3A_484, %select_n3A_508 : i32
      %jit3A_510 = arith.constant 11 : i32
      %eq3A_511 = arith.constant 0 : i32
      %eq3A_512 = arith.cmpi eq, %jit3A_510, %eq3A_511 : i32
      %jit3A_513 = arith.constant 1 : i32
      %select_n3A_514 = arith.select %eq3A_512, %jit3A_513, %jit3A_510 : i32
      %rem3A_515 = arith.remsi %mul3A_469, %select_n3A_514 : i32
      %ne3A_516 = arith.constant 0 : i32
      %ne3A_517 = arith.cmpi ne, %rem3A_515, %ne3A_516 : i32
      %lt3A = arith.constant 0 : i32
      %lt3A_518 = arith.cmpi slt, %rem3A_515, %lt3A : i32
      %lt3A_519 = arith.constant 0 : i32
      %lt3A_520 = arith.cmpi slt, %select_n3A_514, %lt3A_519 : i32
      %ne3A_521 = arith.xori %lt3A_518, %lt3A_520 : i1
      %and3A_522 = arith.andi %ne3A_521, %ne3A_517 : i1
      %add3A_523 = arith.addi %rem3A_515, %select_n3A_514 : i32
      %select_n3A_524 = arith.select %and3A_522, %add3A_523, %rem3A_515 : i32
      %jit3A_525 = arith.constant 11 : i32
      %div3A_526 = arith.divsi %mul3A_469, %jit3A_525 : i32
      %sign3A_527 = arith.constant 0 : i32
      %sign3A_528 = arith.cmpi sgt, %mul3A_469, %sign3A_527 : i32
      %sign3A_529 = arith.extui %sign3A_528 : i1 to i32
      %sign3A_530 = arith.constant 0 : i32
      %sign3A_531 = arith.cmpi slt, %mul3A_469, %sign3A_530 : i32
      %sign3A_532 = arith.extui %sign3A_531 : i1 to i32
      %sign3A_533 = arith.subi %sign3A_529, %sign3A_532 : i32
      %sign3A_534 = arith.constant 0 : i32
      %sign3A_535 = arith.cmpi sgt, %jit3A_525, %sign3A_534 : i32
      %sign3A_536 = arith.extui %sign3A_535 : i1 to i32
      %sign3A_537 = arith.constant 0 : i32
      %sign3A_538 = arith.cmpi slt, %jit3A_525, %sign3A_537 : i32
      %sign3A_539 = arith.extui %sign3A_538 : i1 to i32
      %sign3A_540 = arith.subi %sign3A_536, %sign3A_539 : i32
      %ne3A_541 = arith.cmpi ne, %sign3A_533, %sign3A_540 : i32
      %rem3A_542 = arith.remsi %mul3A_469, %jit3A_525 : i32
      %ne3A_543 = arith.constant 0 : i32
      %ne3A_544 = arith.cmpi ne, %rem3A_542, %ne3A_543 : i32
      %and3A_545 = arith.andi %ne3A_541, %ne3A_544 : i1
      %sub3A_546 = arith.constant 1 : i32
      %sub3A_547 = arith.subi %div3A_526, %sub3A_546 : i32
      %select_n3A_548 = arith.select %and3A_545, %sub3A_547, %div3A_526 : i32
      %eq3A_549 = arith.constant 0 : i32
      %eq3A_550 = arith.cmpi eq, %select_n3A_524, %eq3A_549 : i32
      %select_n3A_551 = arith.select %eq3A_550, %broadcast_in_dim3A_1, %scan3A_466 : vector<16xf32>
      %select_n3A_552 = arith.select %eq3A_550, %broadcast_in_dim3A_3, %scan3A_467 : vector<16xf32>
      %parallel_loop3A = arith.constant 0 : i32
      %parallel_loop3A_553 = arith.constant 568 : i32
      %parallel_loop3A_554 = arith.constant 4 : i32
      %parallel_loop3A_555:4 = scf.for %parallel_loop3A_797 = %parallel_loop3A to %parallel_loop3A_553 step %parallel_loop3A_554 iter_args(%parallel_loop3A_798 = %broadcast_in_dim3A_1, %parallel_loop3A_799 = %broadcast_in_dim3A_1, %parallel_loop3A_800 = %broadcast_in_dim3A_1, %parallel_loop3A_801 = %broadcast_in_dim3A_1) -> (vector<16xf32>, vector<16xf32>, vector<16xf32>, vector<16xf32>)  : i32 {
        %parallel_loop3A_802 = arith.constant 16 : i32
        %parallel_loop3A_803 = arith.muli %parallel_loop3A_797, %parallel_loop3A_802 : i32
        %parallel_loop3A_804 = arith.index_cast %parallel_loop3A_803 : i32 to index
        %parallel_loop3A_805 = tpu.vector_load %arg6[%parallel_loop3A_804] {strides = array<i32>} : memref<9088xf32, #tpu.memory_space<vmem>>, vector<16xf32>,
        %parallel_loop3A_806 = arith.maximumf %parallel_loop3A_798, %parallel_loop3A_805 : vector<16xf32>
        %parallel_loop3A_807 = arith.constant 16 : i32
        %parallel_loop3A_808 = arith.addi %parallel_loop3A_803, %parallel_loop3A_807 : i32
        %parallel_loop3A_809 = arith.index_cast %parallel_loop3A_808 : i32 to index
        %parallel_loop3A_810 = tpu.vector_load %arg6[%parallel_loop3A_809] {strides = array<i32>} : memref<9088xf32, #tpu.memory_space<vmem>>, vector<16xf32>,
        %parallel_loop3A_811 = arith.maximumf %parallel_loop3A_799, %parallel_loop3A_810 : vector<16xf32>
        %parallel_loop3A_812 = arith.constant 32 : i32
        %parallel_loop3A_813 = arith.addi %parallel_loop3A_803, %parallel_loop3A_812 : i32
        %parallel_loop3A_814 = arith.index_cast %parallel_loop3A_813 : i32 to index
        %parallel_loop3A_815 = tpu.vector_load %arg6[%parallel_loop3A_814] {strides = array<i32>} : memref<9088xf32, #tpu.memory_space<vmem>>, vector<16xf32>,
        %parallel_loop3A_816 = arith.maximumf %parallel_loop3A_800, %parallel_loop3A_815 : vector<16xf32>
        %parallel_loop3A_817 = arith.constant 48 : i32
        %parallel_loop3A_818 = arith.addi %parallel_loop3A_803, %parallel_loop3A_817 : i32
        %parallel_loop3A_819 = arith.index_cast %parallel_loop3A_818 : i32 to index
        %parallel_loop3A_820 = tpu.vector_load %arg6[%parallel_loop3A_819] {strides = array<i32>} : memref<9088xf32, #tpu.memory_space<vmem>>, vector<16xf32>,
        %parallel_loop3A_821 = arith.maximumf %parallel_loop3A_801, %parallel_loop3A_820 : vector<16xf32>
        scf.yield %parallel_loop3A_806, %parallel_loop3A_811, %parallel_loop3A_816, %parallel_loop3A_821 : vector<16xf32>, vector<16xf32>, vector<16xf32>, vector<16xf32>
      } {sc.loop_unroll_factor = 8 : i64, sc.parallel_access}
      %max3A = arith.maximumf %parallel_loop3A_555#0, %parallel_loop3A_555#1 : vector<16xf32>
      %max3A_556 = arith.maximumf %parallel_loop3A_555#2, %parallel_loop3A_555#3 : vector<16xf32>
      %max3A_557 = arith.maximumf %max3A, %max3A_556 : vector<16xf32>
      %eq3A_558 = arith.constant 10 : i32
      %eq3A_559 = arith.cmpi eq, %select_n3A_524, %eq3A_558 : i32
      %convert_element_type3A_560 = arith.extui %eq3A_559 : i1 to i32
      %cond3A = arith.constant 0 : i32
      %cond3A_561 = arith.cmpi ne, %convert_element_type3A_560, %cond3A : i32
      scf.if %cond3A_561 {
        %multiple_of3A_797 = arith.constant 99968 : i32
        %multiple_of3A_798 = tpu.assume_multiple %multiple_of3A_797, 128 : i32
        "tpu.region"() ({
          %run_scoped3A = tpu.sem_alloc : memref<!tpu.dma_semaphore, #tpu.memory_space<semaphore_mem>>
          %dma_start3A_799 = tpu.memref_slice %arg2[%add3A_509, %multiple_of3A_798] : memref<128x100000xf32, #tpu.memory_space<hbm>> -> memref<1x32xf32, #tpu.memory_space<hbm>>
          %dma_start3A_800 = tpu.memref_squeeze %dma_start3A_799 : memref<1x32xf32, #tpu.memory_space<hbm>> -> memref<32xf32, #tpu.memory_space<hbm>>
          %dma_start3A_801 = tpu.memref_slice %arg2[%add3A_509, %multiple_of3A_798] : memref<128x100000xf32, #tpu.memory_space<hbm>> -> memref<1x32xf32, #tpu.memory_space<hbm>>
          %dma_start3A_802 = tpu.memref_squeeze %dma_start3A_801 : memref<1x32xf32, #tpu.memory_space<hbm>> -> memref<32xf32, #tpu.memory_space<hbm>>
          tpu.enqueue_dma source(%dma_start3A_802 : memref<32xf32, #tpu.memory_space<hbm>>) target(%arg13 : memref<32xf32, #tpu.memory_space<vmem>>) target_semaphore(%run_scoped3A : memref<!tpu.dma_semaphore, #tpu.memory_space<semaphore_mem>>)
          %dma_wait3A_803 = tpu.memref_slice %arg2[%add3A_509, %multiple_of3A_798] : memref<128x100000xf32, #tpu.memory_space<hbm>> -> memref<1x32xf32, #tpu.memory_space<hbm>>
          %dma_wait3A_804 = tpu.memref_squeeze %dma_wait3A_803 : memref<1x32xf32, #tpu.memory_space<hbm>> -> memref<32xf32, #tpu.memory_space<hbm>>
          %dma_wait3A_805 = tpu.memref_slice %arg2[%add3A_509, %multiple_of3A_798] : memref<128x100000xf32, #tpu.memory_space<hbm>> -> memref<1x32xf32, #tpu.memory_space<hbm>>
          %dma_wait3A_806 = tpu.memref_squeeze %dma_wait3A_805 : memref<1x32xf32, #tpu.memory_space<hbm>> -> memref<32xf32, #tpu.memory_space<hbm>>
          tpu.wait_dma2 semaphore(%run_scoped3A : memref<!tpu.dma_semaphore, #tpu.memory_space<semaphore_mem>>) src(%dma_wait3A_806 : memref<32xf32, #tpu.memory_space<hbm>>) dst(%arg13 : memref<32xf32, #tpu.memory_space<vmem>>)
          tpu.yield
        }) : () -> ()
        "tpu.region"() ({
          %run_scoped3A = tpu.sem_alloc : memref<!tpu.dma_semaphore, #tpu.memory_space<semaphore_mem>>
          %dma_start3A_799 = tpu.memref_slice %arg3[%add3A_509, %multiple_of3A_798] : memref<128x100000xi32, #tpu.memory_space<hbm>> -> memref<1x32xi32, #tpu.memory_space<hbm>>
          %dma_start3A_800 = tpu.memref_squeeze %dma_start3A_799 : memref<1x32xi32, #tpu.memory_space<hbm>> -> memref<32xi32, #tpu.memory_space<hbm>>
          %dma_start3A_801 = tpu.memref_slice %arg3[%add3A_509, %multiple_of3A_798] : memref<128x100000xi32, #tpu.memory_space<hbm>> -> memref<1x32xi32, #tpu.memory_space<hbm>>
          %dma_start3A_802 = tpu.memref_squeeze %dma_start3A_801 : memref<1x32xi32, #tpu.memory_space<hbm>> -> memref<32xi32, #tpu.memory_space<hbm>>
          tpu.enqueue_dma source(%dma_start3A_802 : memref<32xi32, #tpu.memory_space<hbm>>) target(%arg14 : memref<32xi32, #tpu.memory_space<vmem>>) target_semaphore(%run_scoped3A : memref<!tpu.dma_semaphore, #tpu.memory_space<semaphore_mem>>)
          %dma_wait3A_803 = tpu.memref_slice %arg3[%add3A_509, %multiple_of3A_798] : memref<128x100000xi32, #tpu.memory_space<hbm>> -> memref<1x32xi32, #tpu.memory_space<hbm>>
          %dma_wait3A_804 = tpu.memref_squeeze %dma_wait3A_803 : memref<1x32xi32, #tpu.memory_space<hbm>> -> memref<32xi32, #tpu.memory_space<hbm>>
          %dma_wait3A_805 = tpu.memref_slice %arg3[%add3A_509, %multiple_of3A_798] : memref<128x100000xi32, #tpu.memory_space<hbm>> -> memref<1x32xi32, #tpu.memory_space<hbm>>
          %dma_wait3A_806 = tpu.memref_squeeze %dma_wait3A_805 : memref<1x32xi32, #tpu.memory_space<hbm>> -> memref<32xi32, #tpu.memory_space<hbm>>
          tpu.wait_dma2 semaphore(%run_scoped3A : memref<!tpu.dma_semaphore, #tpu.memory_space<semaphore_mem>>) src(%dma_wait3A_806 : memref<32xi32, #tpu.memory_space<hbm>>) dst(%arg14 : memref<32xi32, #tpu.memory_space<vmem>>)
          tpu.yield
        }) : () -> ()
      } else {
      }
      %eq3A_562 = arith.constant 10 : i32
      %eq3A_563 = arith.cmpi eq, %select_n3A_524, %eq3A_562 : i32
      %get3A_564 = arith.constant 0 : index
      %get3A_565 = tpu.vector_load %arg13[%get3A_564] {strides = array<i32>} : memref<32xf32, #tpu.memory_space<vmem>>, vector<16xf32>,
      %get3A_566 = arith.constant 16 : index
      %get3A_567 = tpu.vector_load %arg13[%get3A_566] {strides = array<i32>} : memref<32xf32, #tpu.memory_space<vmem>>, vector<16xf32>,
      %max3A_568 = arith.maximumf %get3A_565, %get3A_567 : vector<16xf32>
      %max3A_569 = arith.maximumf %max3A_557, %max3A_568 : vector<16xf32>
      %select_n3A_570 = arith.select %eq3A_563, %max3A_569, %max3A_557 : vector<16xf32>
      %max3A_571 = arith.maximumf %select_n3A_551, %select_n3A_570 : vector<16xf32>
      %sub3A_572 = arith.subf %select_n3A_551, %max3A_571 : vector<16xf32>
      %exp3A = math.exp %sub3A_572 : vector<16xf32>
      %mul3A_573 = arith.mulf %select_n3A_552, %exp3A : vector<16xf32>
      %parallel_loop3A_574 = arith.constant 0 : i32
      %parallel_loop3A_575 = arith.constant 568 : i32
      %parallel_loop3A_576 = arith.constant 4 : i32
      %parallel_loop3A_577:4 = scf.for %parallel_loop3A_797 = %parallel_loop3A_574 to %parallel_loop3A_575 step %parallel_loop3A_576 iter_args(%parallel_loop3A_798 = %broadcast_in_dim3A_3, %parallel_loop3A_799 = %broadcast_in_dim3A_3, %parallel_loop3A_800 = %broadcast_in_dim3A_3, %parallel_loop3A_801 = %broadcast_in_dim3A_3) -> (vector<16xf32>, vector<16xf32>, vector<16xf32>, vector<16xf32>)  : i32 {
        %parallel_loop3A_802 = arith.constant 16 : i32
        %parallel_loop3A_803 = arith.muli %parallel_loop3A_797, %parallel_loop3A_802 : i32
        %parallel_loop3A_804 = arith.index_cast %parallel_loop3A_803 : i32 to index
        %parallel_loop3A_805 = tpu.vector_load %arg6[%parallel_loop3A_804] {strides = array<i32>} : memref<9088xf32, #tpu.memory_space<vmem>>, vector<16xf32>,
        %parallel_loop3A_806 = arith.index_cast %parallel_loop3A_803 : i32 to index
        %parallel_loop3A_807 = tpu.vector_load %arg8[%parallel_loop3A_806] {strides = array<i32>} : memref<9088xi32, #tpu.memory_space<vmem>>, vector<16xi32>,
        %parallel_loop3A_808 = arith.constant 0 : i32
        %parallel_loop3A_809 = vector.broadcast %parallel_loop3A_808 : i32 to vector<16xi32>
        %parallel_loop3A_810 = arith.cmpi ne, %parallel_loop3A_807, %parallel_loop3A_809 : vector<16xi32>
        %parallel_loop3A_811 = arith.select %parallel_loop3A_810, %parallel_loop3A_805, %broadcast_in_dim3A_1 : vector<16xi1>, vector<16xf32>
        %parallel_loop3A_812 = arith.subf %parallel_loop3A_811, %max3A_571 : vector<16xf32>
        %parallel_loop3A_813 = math.exp %parallel_loop3A_812 : vector<16xf32>
        %parallel_loop3A_814 = arith.addf %parallel_loop3A_798, %parallel_loop3A_813 : vector<16xf32>
        %parallel_loop3A_815 = arith.constant 16 : i32
        %parallel_loop3A_816 = arith.addi %parallel_loop3A_803, %parallel_loop3A_815 : i32
        %parallel_loop3A_817 = arith.index_cast %parallel_loop3A_816 : i32 to index
        %parallel_loop3A_818 = tpu.vector_load %arg6[%parallel_loop3A_817] {strides = array<i32>} : memref<9088xf32, #tpu.memory_space<vmem>>, vector<16xf32>,
        %parallel_loop3A_819 = arith.constant 16 : i32
        %parallel_loop3A_820 = arith.addi %parallel_loop3A_803, %parallel_loop3A_819 : i32
        %parallel_loop3A_821 = arith.index_cast %parallel_loop3A_820 : i32 to index
        %parallel_loop3A_822 = tpu.vector_load %arg8[%parallel_loop3A_821] {strides = array<i32>} : memref<9088xi32, #tpu.memory_space<vmem>>, vector<16xi32>,
        %parallel_loop3A_823 = arith.constant 0 : i32
        %parallel_loop3A_824 = vector.broadcast %parallel_loop3A_823 : i32 to vector<16xi32>
        %parallel_loop3A_825 = arith.cmpi ne, %parallel_loop3A_822, %parallel_loop3A_824 : vector<16xi32>
        %parallel_loop3A_826 = arith.select %parallel_loop3A_825, %parallel_loop3A_818, %broadcast_in_dim3A_1 : vector<16xi1>, vector<16xf32>
        %parallel_loop3A_827 = arith.subf %parallel_loop3A_826, %max3A_571 : vector<16xf32>
        %parallel_loop3A_828 = math.exp %parallel_loop3A_827 : vector<16xf32>
        %parallel_loop3A_829 = arith.addf %parallel_loop3A_799, %parallel_loop3A_828 : vector<16xf32>
        %parallel_loop3A_830 = arith.constant 32 : i32
        %parallel_loop3A_831 = arith.addi %parallel_loop3A_803, %parallel_loop3A_830 : i32
        %parallel_loop3A_832 = arith.index_cast %parallel_loop3A_831 : i32 to index
        %parallel_loop3A_833 = tpu.vector_load %arg6[%parallel_loop3A_832] {strides = array<i32>} : memref<9088xf32, #tpu.memory_space<vmem>>, vector<16xf32>,
        %parallel_loop3A_834 = arith.constant 32 : i32
        %parallel_loop3A_835 = arith.addi %parallel_loop3A_803, %parallel_loop3A_834 : i32
        %parallel_loop3A_836 = arith.index_cast %parallel_loop3A_835 : i32 to index
        %parallel_loop3A_837 = tpu.vector_load %arg8[%parallel_loop3A_836] {strides = array<i32>} : memref<9088xi32, #tpu.memory_space<vmem>>, vector<16xi32>,
        %parallel_loop3A_838 = arith.constant 0 : i32
        %parallel_loop3A_839 = vector.broadcast %parallel_loop3A_838 : i32 to vector<16xi32>
        %parallel_loop3A_840 = arith.cmpi ne, %parallel_loop3A_837, %parallel_loop3A_839 : vector<16xi32>
        %parallel_loop3A_841 = arith.select %parallel_loop3A_840, %parallel_loop3A_833, %broadcast_in_dim3A_1 : vector<16xi1>, vector<16xf32>
        %parallel_loop3A_842 = arith.subf %parallel_loop3A_841, %max3A_571 : vector<16xf32>
        %parallel_loop3A_843 = math.exp %parallel_loop3A_842 : vector<16xf32>
        %parallel_loop3A_844 = arith.addf %parallel_loop3A_800, %parallel_loop3A_843 : vector<16xf32>
        %parallel_loop3A_845 = arith.constant 48 : i32
        %parallel_loop3A_846 = arith.addi %parallel_loop3A_803, %parallel_loop3A_845 : i32
        %parallel_loop3A_847 = arith.index_cast %parallel_loop3A_846 : i32 to index
        %parallel_loop3A_848 = tpu.vector_load %arg6[%parallel_loop3A_847] {strides = array<i32>} : memref<9088xf32, #tpu.memory_space<vmem>>, vector<16xf32>,
        %parallel_loop3A_849 = arith.constant 48 : i32
        %parallel_loop3A_850 = arith.addi %parallel_loop3A_803, %parallel_loop3A_849 : i32
        %parallel_loop3A_851 = arith.index_cast %parallel_loop3A_850 : i32 to index
        %parallel_loop3A_852 = tpu.vector_load %arg8[%parallel_loop3A_851] {strides = array<i32>} : memref<9088xi32, #tpu.memory_space<vmem>>, vector<16xi32>,
        %parallel_loop3A_853 = arith.constant 0 : i32
        %parallel_loop3A_854 = vector.broadcast %parallel_loop3A_853 : i32 to vector<16xi32>
        %parallel_loop3A_855 = arith.cmpi ne, %parallel_loop3A_852, %parallel_loop3A_854 : vector<16xi32>
        %parallel_loop3A_856 = arith.select %parallel_loop3A_855, %parallel_loop3A_848, %broadcast_in_dim3A_1 : vector<16xi1>, vector<16xf32>
        %parallel_loop3A_857 = arith.subf %parallel_loop3A_856, %max3A_571 : vector<16xf32>
        %parallel_loop3A_858 = math.exp %parallel_loop3A_857 : vector<16xf32>
        %parallel_loop3A_859 = arith.addf %parallel_loop3A_801, %parallel_loop3A_858 : vector<16xf32>
        scf.yield %parallel_loop3A_814, %parallel_loop3A_829, %parallel_loop3A_844, %parallel_loop3A_859 : vector<16xf32>, vector<16xf32>, vector<16xf32>, vector<16xf32>
      } {sc.loop_unroll_factor = 4 : i64, sc.parallel_access}
      %add3A_578 = arith.addf %parallel_loop3A_577#0, %parallel_loop3A_577#1 : vector<16xf32>
      %add3A_579 = arith.addf %parallel_loop3A_577#2, %parallel_loop3A_577#3 : vector<16xf32>
      %add3A_580 = arith.addf %add3A_578, %add3A_579 : vector<16xf32>
      %add3A_581 = arith.addf %mul3A_573, %add3A_580 : vector<16xf32>
      %get3A_582 = arith.constant 0 : index
      %get3A_583 = tpu.vector_load %arg13[%get3A_582] {strides = array<i32>} : memref<32xf32, #tpu.memory_space<vmem>>, vector<16xf32>,
      %get3A_584 = arith.constant 0 : index
      %get3A_585 = tpu.vector_load %arg14[%get3A_584] {strides = array<i32>} : memref<32xi32, #tpu.memory_space<vmem>>, vector<16xi32>,
      %ne3A_586 = arith.constant 0 : i32
      %ne3A_587 = vector.broadcast %ne3A_586 : i32 to vector<16xi32>
      %ne3A_588 = arith.cmpi ne, %get3A_585, %ne3A_587 : vector<16xi32>
      %select_n3A_589 = arith.select %ne3A_588, %get3A_583, %broadcast_in_dim3A_1 : vector<16xi1>, vector<16xf32>
      %sub3A_590 = arith.subf %select_n3A_589, %max3A_571 : vector<16xf32>
      %exp3A_591 = math.exp %sub3A_590 : vector<16xf32>
      %get3A_592 = arith.constant 16 : index
      %get3A_593 = tpu.vector_load %arg13[%get3A_592] {strides = array<i32>} : memref<32xf32, #tpu.memory_space<vmem>>, vector<16xf32>,
      %get3A_594 = arith.constant 16 : index
      %get3A_595 = tpu.vector_load %arg14[%get3A_594] {strides = array<i32>} : memref<32xi32, #tpu.memory_space<vmem>>, vector<16xi32>,
      %ne3A_596 = arith.constant 0 : i32
      %ne3A_597 = vector.broadcast %ne3A_596 : i32 to vector<16xi32>
      %ne3A_598 = arith.cmpi ne, %get3A_595, %ne3A_597 : vector<16xi32>
      %select_n3A_599 = arith.select %ne3A_598, %get3A_593, %broadcast_in_dim3A_1 : vector<16xi1>, vector<16xf32>
      %sub3A_600 = arith.subf %select_n3A_599, %max3A_571 : vector<16xf32>
      %exp3A_601 = math.exp %sub3A_600 : vector<16xf32>
      %add3A_602 = arith.addf %exp3A_591, %exp3A_601 : vector<16xf32>
      %select_n3A_603 = arith.select %eq3A_563, %add3A_602, %broadcast_in_dim3A_3 : vector<16xf32>
      %add3A_604 = arith.addf %add3A_581, %select_n3A_603 : vector<16xf32>
      %reduce_max3A_605 = arith.constant true
      %reduce_max3A_606 = vector.broadcast %reduce_max3A_605 : i1 to vector<16xi1>
      %reduce_max3A_607 = tpu.scan <max>, %max3A_571 masked %reduce_max3A_606 : vector<16xf32>, vector<16xi1> -> vector<16xf32>
      %reduce_max3A_608 = vector.extract %reduce_max3A_607[15] : f32 from vector<16xf32>
      %sub3A_609 = vector.broadcast %reduce_max3A_608 : f32 to vector<16xf32>
      %sub3A_610 = arith.subf %max3A_571, %sub3A_609 : vector<16xf32>
      %exp3A_611 = math.exp %sub3A_610 : vector<16xf32>
      %mul3A_612 = arith.mulf %add3A_604, %exp3A_611 : vector<16xf32>
      %reduce_sum3A = arith.constant true
      %reduce_sum3A_613 = vector.broadcast %reduce_sum3A : i1 to vector<16xi1>
      %reduce_sum3A_614 = tpu.scan <sum>, %mul3A_612 masked %reduce_sum3A_613 : vector<16xf32>, vector<16xi1> -> vector<16xf32>
      %reduce_sum3A_615 = vector.extract %reduce_sum3A_614[15] : f32 from vector<16xf32>
      %eq3A_616 = vector.broadcast %select_n3A_548 : i32 to vector<16xi32>
      %eq3A_617 = arith.cmpi eq, %iota3A, %eq3A_616 : vector<16xi32>
      %and3A_618 = vector.broadcast %eq3A_563 : i1 to vector<16xi1>
      %and3A_619 = arith.andi %and3A_618, %eq3A_617 : vector<16xi1>
      %broadcast_in_dim3A_620 = vector.broadcast %reduce_max3A_608 : f32 to vector<16xf32>
      %select_n3A_621 = arith.select %and3A_619, %broadcast_in_dim3A_620, %scan3A_464 : vector<16xi1>, vector<16xf32>
      %broadcast_in_dim3A_622 = vector.broadcast %reduce_sum3A_615 : f32 to vector<16xf32>
      %select_n3A_623 = arith.select %and3A_619, %broadcast_in_dim3A_622, %scan3A_465 : vector<16xi1>, vector<16xf32>
      %lt3A_624 = arith.constant 21 : i32
      %lt3A_625 = arith.cmpi slt, %scan3A_463, %lt3A_624 : i32
      %convert_element_type3A_626 = arith.extui %lt3A_625 : i1 to i32
      %cond3A_627 = arith.constant 0 : i32
      %cond3A_628 = arith.cmpi ne, %convert_element_type3A_626, %cond3A_627 : i32
      scf.if %cond3A_628 {
        %add3A_797 = arith.constant 2 : i32
        %add3A_798 = arith.addi %mul3A_469, %add3A_797 : i32
        %mul3A_799 = arith.constant 4 : i32
        %mul3A_800 = arith.muli %add3A, %mul3A_799 : i32
        %jit3A_801 = arith.constant 11 : i32
        %div3A_802 = arith.divsi %add3A_798, %jit3A_801 : i32
        %sign3A_803 = arith.constant 0 : i32
        %sign3A_804 = arith.cmpi sgt, %add3A_798, %sign3A_803 : i32
        %sign3A_805 = arith.extui %sign3A_804 : i1 to i32
        %sign3A_806 = arith.constant 0 : i32
        %sign3A_807 = arith.cmpi slt, %add3A_798, %sign3A_806 : i32
        %sign3A_808 = arith.extui %sign3A_807 : i1 to i32
        %sign3A_809 = arith.subi %sign3A_805, %sign3A_808 : i32
        %sign3A_810 = arith.constant 0 : i32
        %sign3A_811 = arith.cmpi sgt, %jit3A_801, %sign3A_810 : i32
        %sign3A_812 = arith.extui %sign3A_811 : i1 to i32
        %sign3A_813 = arith.constant 0 : i32
        %sign3A_814 = arith.cmpi slt, %jit3A_801, %sign3A_813 : i32
        %sign3A_815 = arith.extui %sign3A_814 : i1 to i32
        %sign3A_816 = arith.subi %sign3A_812, %sign3A_815 : i32
        %ne3A_817 = arith.cmpi ne, %sign3A_809, %sign3A_816 : i32
        %rem3A_818 = arith.remsi %add3A_798, %jit3A_801 : i32
        %ne3A_819 = arith.constant 0 : i32
        %ne3A_820 = arith.cmpi ne, %rem3A_818, %ne3A_819 : i32
        %and3A_821 = arith.andi %ne3A_817, %ne3A_820 : i1
        %sub3A_822 = arith.constant 1 : i32
        %sub3A_823 = arith.subi %div3A_802, %sub3A_822 : i32
        %select_n3A_824 = arith.select %and3A_821, %sub3A_823, %div3A_802 : i32
        %add3A_825 = arith.addi %mul3A_800, %select_n3A_824 : i32
        %jit3A_826 = arith.constant 11 : i32
        %eq3A_827 = arith.constant 0 : i32
        %eq3A_828 = arith.cmpi eq, %jit3A_826, %eq3A_827 : i32
        %jit3A_829 = arith.constant 1 : i32
        %select_n3A_830 = arith.select %eq3A_828, %jit3A_829, %jit3A_826 : i32
        %rem3A_831 = arith.remsi %add3A_798, %select_n3A_830 : i32
        %ne3A_832 = arith.constant 0 : i32
        %ne3A_833 = arith.cmpi ne, %rem3A_831, %ne3A_832 : i32
        %lt3A_834 = arith.constant 0 : i32
        %lt3A_835 = arith.cmpi slt, %rem3A_831, %lt3A_834 : i32
        %lt3A_836 = arith.constant 0 : i32
        %lt3A_837 = arith.cmpi slt, %select_n3A_830, %lt3A_836 : i32
        %ne3A_838 = arith.xori %lt3A_835, %lt3A_837 : i1
        %and3A_839 = arith.andi %ne3A_838, %ne3A_833 : i1
        %add3A_840 = arith.addi %rem3A_831, %select_n3A_830 : i32
        %select_n3A_841 = arith.select %and3A_839, %add3A_840, %rem3A_831 : i32
        %mul3A_842 = arith.constant 9088 : i32
        %mul3A_843 = arith.muli %select_n3A_841, %mul3A_842 : i32
        %multiple_of3A_844 = tpu.assume_multiple %mul3A_843, 128 : i32
        %dma_start3A_845 = tpu.memref_slice %arg2[%add3A_825, %multiple_of3A_844] : memref<128x100000xf32, #tpu.memory_space<hbm>> -> memref<1x9088xf32, #tpu.memory_space<hbm>>
        %dma_start3A_846 = tpu.memref_squeeze %dma_start3A_845 : memref<1x9088xf32, #tpu.memory_space<hbm>> -> memref<9088xf32, #tpu.memory_space<hbm>>
        %dma_start3A_847 = tpu.memref_slice %arg2[%add3A_825, %multiple_of3A_844] : memref<128x100000xf32, #tpu.memory_space<hbm>> -> memref<1x9088xf32, #tpu.memory_space<hbm>>
        %dma_start3A_848 = tpu.memref_squeeze %dma_start3A_847 : memref<1x9088xf32, #tpu.memory_space<hbm>> -> memref<9088xf32, #tpu.memory_space<hbm>>
        tpu.enqueue_dma source(%dma_start3A_848 : memref<9088xf32, #tpu.memory_space<hbm>>) target(%arg6 : memref<9088xf32, #tpu.memory_space<vmem>>) target_semaphore(%arg16 : memref<!tpu.dma_semaphore, #tpu.memory_space<semaphore_mem>>)
        %dma_start3A_849 = tpu.memref_slice %arg3[%add3A_825, %multiple_of3A_844] : memref<128x100000xi32, #tpu.memory_space<hbm>> -> memref<1x9088xi32, #tpu.memory_space<hbm>>
        %dma_start3A_850 = tpu.memref_squeeze %dma_start3A_849 : memref<1x9088xi32, #tpu.memory_space<hbm>> -> memref<9088xi32, #tpu.memory_space<hbm>>
        %dma_start3A_851 = tpu.memref_slice %arg3[%add3A_825, %multiple_of3A_844] : memref<128x100000xi32, #tpu.memory_space<hbm>> -> memref<1x9088xi32, #tpu.memory_space<hbm>>
        %dma_start3A_852 = tpu.memref_squeeze %dma_start3A_851 : memref<1x9088xi32, #tpu.memory_space<hbm>> -> memref<9088xi32, #tpu.memory_space<hbm>>
        tpu.enqueue_dma source(%dma_start3A_852 : memref<9088xi32, #tpu.memory_space<hbm>>) target(%arg8 : memref<9088xi32, #tpu.memory_space<vmem>>) target_semaphore(%arg18 : memref<!tpu.dma_semaphore, #tpu.memory_space<semaphore_mem>>)
      } else {
      }
      %dma_wait3A_629 = arith.constant 0 : i32
      %dma_wait3A_630 = arith.constant 0 : i32
      %dma_wait3A_631 = tpu.memref_slice %arg2[%dma_wait3A_629, %dma_wait3A_630] : memref<128x100000xf32, #tpu.memory_space<hbm>> -> memref<1x9088xf32, #tpu.memory_space<hbm>>
      %dma_wait3A_632 = tpu.memref_squeeze %dma_wait3A_631 : memref<1x9088xf32, #tpu.memory_space<hbm>> -> memref<9088xf32, #tpu.memory_space<hbm>>
      %dma_wait3A_633 = arith.constant 0 : i32
      %dma_wait3A_634 = tpu.memref_slice %arg2[%dma_wait3A_629, %dma_wait3A_633] : memref<128x100000xf32, #tpu.memory_space<hbm>> -> memref<1x9088xf32, #tpu.memory_space<hbm>>
      %dma_wait3A_635 = tpu.memref_squeeze %dma_wait3A_634 : memref<1x9088xf32, #tpu.memory_space<hbm>> -> memref<9088xf32, #tpu.memory_space<hbm>>
      tpu.wait_dma2 semaphore(%arg17 : memref<!tpu.dma_semaphore, #tpu.memory_space<semaphore_mem>>) src(%dma_wait3A_635 : memref<9088xf32, #tpu.memory_space<hbm>>) dst(%arg7 : memref<9088xf32, #tpu.memory_space<vmem>>)
      %dma_wait3A_636 = arith.constant 0 : i32
      %dma_wait3A_637 = arith.constant 0 : i32
      %dma_wait3A_638 = tpu.memref_slice %arg3[%dma_wait3A_636, %dma_wait3A_637] : memref<128x100000xi32, #tpu.memory_space<hbm>> -> memref<1x9088xi32, #tpu.memory_space<hbm>>
      %dma_wait3A_639 = tpu.memref_squeeze %dma_wait3A_638 : memref<1x9088xi32, #tpu.memory_space<hbm>> -> memref<9088xi32, #tpu.memory_space<hbm>>
      %dma_wait3A_640 = arith.constant 0 : i32
      %dma_wait3A_641 = tpu.memref_slice %arg3[%dma_wait3A_636, %dma_wait3A_640] : memref<128x100000xi32, #tpu.memory_space<hbm>> -> memref<1x9088xi32, #tpu.memory_space<hbm>>
      %dma_wait3A_642 = tpu.memref_squeeze %dma_wait3A_641 : memref<1x9088xi32, #tpu.memory_space<hbm>> -> memref<9088xi32, #tpu.memory_space<hbm>>
      tpu.wait_dma2 semaphore(%arg19 : memref<!tpu.dma_semaphore, #tpu.memory_space<semaphore_mem>>) src(%dma_wait3A_642 : memref<9088xi32, #tpu.memory_space<hbm>>) dst(%arg9 : memref<9088xi32, #tpu.memory_space<vmem>>)
      %add3A_643 = arith.constant 1 : i32
      %add3A_644 = arith.addi %mul3A_469, %add3A_643 : i32
      %mul3A_645 = arith.constant 4 : i32
      %mul3A_646 = arith.muli %add3A, %mul3A_645 : i32
      %jit3A_647 = arith.constant 11 : i32
      %div3A_648 = arith.divsi %add3A_644, %jit3A_647 : i32
      %sign3A_649 = arith.constant 0 : i32
      %sign3A_650 = arith.cmpi sgt, %add3A_644, %sign3A_649 : i32
      %sign3A_651 = arith.extui %sign3A_650 : i1 to i32
      %sign3A_652 = arith.constant 0 : i32
      %sign3A_653 = arith.cmpi slt, %add3A_644, %sign3A_652 : i32
      %sign3A_654 = arith.extui %sign3A_653 : i1 to i32
      %sign3A_655 = arith.subi %sign3A_651, %sign3A_654 : i32
      %sign3A_656 = arith.constant 0 : i32
      %sign3A_657 = arith.cmpi sgt, %jit3A_647, %sign3A_656 : i32
      %sign3A_658 = arith.extui %sign3A_657 : i1 to i32
      %sign3A_659 = arith.constant 0 : i32
      %sign3A_660 = arith.cmpi slt, %jit3A_647, %sign3A_659 : i32
      %sign3A_661 = arith.extui %sign3A_660 : i1 to i32
      %sign3A_662 = arith.subi %sign3A_658, %sign3A_661 : i32
      %ne3A_663 = arith.cmpi ne, %sign3A_655, %sign3A_662 : i32
      %rem3A_664 = arith.remsi %add3A_644, %jit3A_647 : i32
      %ne3A_665 = arith.constant 0 : i32
      %ne3A_666 = arith.cmpi ne, %rem3A_664, %ne3A_665 : i32
      %and3A_667 = arith.andi %ne3A_663, %ne3A_666 : i1
      %sub3A_668 = arith.constant 1 : i32
      %sub3A_669 = arith.subi %div3A_648, %sub3A_668 : i32
      %select_n3A_670 = arith.select %and3A_667, %sub3A_669, %div3A_648 : i32
      %add3A_671 = arith.addi %mul3A_646, %select_n3A_670 : i32
      %jit3A_672 = arith.constant 11 : i32
      %eq3A_673 = arith.constant 0 : i32
      %eq3A_674 = arith.cmpi eq, %jit3A_672, %eq3A_673 : i32
      %jit3A_675 = arith.constant 1 : i32
      %select_n3A_676 = arith.select %eq3A_674, %jit3A_675, %jit3A_672 : i32
      %rem3A_677 = arith.remsi %add3A_644, %select_n3A_676 : i32
      %ne3A_678 = arith.constant 0 : i32
      %ne3A_679 = arith.cmpi ne, %rem3A_677, %ne3A_678 : i32
      %lt3A_680 = arith.constant 0 : i32
      %lt3A_681 = arith.cmpi slt, %rem3A_677, %lt3A_680 : i32
      %lt3A_682 = arith.constant 0 : i32
      %lt3A_683 = arith.cmpi slt, %select_n3A_676, %lt3A_682 : i32
      %ne3A_684 = arith.xori %lt3A_681, %lt3A_683 : i1
      %and3A_685 = arith.andi %ne3A_684, %ne3A_679 : i1
      %add3A_686 = arith.addi %rem3A_677, %select_n3A_676 : i32
      %select_n3A_687 = arith.select %and3A_685, %add3A_686, %rem3A_677 : i32
      %jit3A_688 = arith.constant 11 : i32
      %div3A_689 = arith.divsi %add3A_644, %jit3A_688 : i32
      %sign3A_690 = arith.constant 0 : i32
      %sign3A_691 = arith.cmpi sgt, %add3A_644, %sign3A_690 : i32
      %sign3A_692 = arith.extui %sign3A_691 : i1 to i32
      %sign3A_693 = arith.constant 0 : i32
      %sign3A_694 = arith.cmpi slt, %add3A_644, %sign3A_693 : i32
      %sign3A_695 = arith.extui %sign3A_694 : i1 to i32
      %sign3A_696 = arith.subi %sign3A_692, %sign3A_695 : i32
      %sign3A_697 = arith.constant 0 : i32
      %sign3A_698 = arith.cmpi sgt, %jit3A_688, %sign3A_697 : i32
      %sign3A_699 = arith.extui %sign3A_698 : i1 to i32
      %sign3A_700 = arith.constant 0 : i32
      %sign3A_701 = arith.cmpi slt, %jit3A_688, %sign3A_700 : i32
      %sign3A_702 = arith.extui %sign3A_701 : i1 to i32
      %sign3A_703 = arith.subi %sign3A_699, %sign3A_702 : i32
      %ne3A_704 = arith.cmpi ne, %sign3A_696, %sign3A_703 : i32
      %rem3A_705 = arith.remsi %add3A_644, %jit3A_688 : i32
      %ne3A_706 = arith.constant 0 : i32
      %ne3A_707 = arith.cmpi ne, %rem3A_705, %ne3A_706 : i32
      %and3A_708 = arith.andi %ne3A_704, %ne3A_707 : i1
      %sub3A_709 = arith.constant 1 : i32
      %sub3A_710 = arith.subi %div3A_689, %sub3A_709 : i32
      %select_n3A_711 = arith.select %and3A_708, %sub3A_710, %div3A_689 : i32
      %eq3A_712 = arith.constant 0 : i32
      %eq3A_713 = arith.cmpi eq, %select_n3A_687, %eq3A_712 : i32
      %select_n3A_714 = arith.select %eq3A_713, %broadcast_in_dim3A_1, %max3A_571 : vector<16xf32>
      %select_n3A_715 = arith.select %eq3A_713, %broadcast_in_dim3A_3, %add3A_604 : vector<16xf32>
      %parallel_loop3A_716 = arith.constant 0 : i32
      %parallel_loop3A_717 = arith.constant 568 : i32
      %parallel_loop3A_718 = arith.constant 4 : i32
      %parallel_loop3A_719:4 = scf.for %parallel_loop3A_797 = %parallel_loop3A_716 to %parallel_loop3A_717 step %parallel_loop3A_718 iter_args(%parallel_loop3A_798 = %broadcast_in_dim3A_1, %parallel_loop3A_799 = %broadcast_in_dim3A_1, %parallel_loop3A_800 = %broadcast_in_dim3A_1, %parallel_loop3A_801 = %broadcast_in_dim3A_1) -> (vector<16xf32>, vector<16xf32>, vector<16xf32>, vector<16xf32>)  : i32 {
        %parallel_loop3A_802 = arith.constant 16 : i32
        %parallel_loop3A_803 = arith.muli %parallel_loop3A_797, %parallel_loop3A_802 : i32
        %parallel_loop3A_804 = arith.index_cast %parallel_loop3A_803 : i32 to index
        %parallel_loop3A_805 = tpu.vector_load %arg7[%parallel_loop3A_804] {strides = array<i32>} : memref<9088xf32, #tpu.memory_space<vmem>>, vector<16xf32>,
        %parallel_loop3A_806 = arith.maximumf %parallel_loop3A_798, %parallel_loop3A_805 : vector<16xf32>
        %parallel_loop3A_807 = arith.constant 16 : i32
        %parallel_loop3A_808 = arith.addi %parallel_loop3A_803, %parallel_loop3A_807 : i32
        %parallel_loop3A_809 = arith.index_cast %parallel_loop3A_808 : i32 to index
        %parallel_loop3A_810 = tpu.vector_load %arg7[%parallel_loop3A_809] {strides = array<i32>} : memref<9088xf32, #tpu.memory_space<vmem>>, vector<16xf32>,
        %parallel_loop3A_811 = arith.maximumf %parallel_loop3A_799, %parallel_loop3A_810 : vector<16xf32>
        %parallel_loop3A_812 = arith.constant 32 : i32
        %parallel_loop3A_813 = arith.addi %parallel_loop3A_803, %parallel_loop3A_812 : i32
        %parallel_loop3A_814 = arith.index_cast %parallel_loop3A_813 : i32 to index
        %parallel_loop3A_815 = tpu.vector_load %arg7[%parallel_loop3A_814] {strides = array<i32>} : memref<9088xf32, #tpu.memory_space<vmem>>, vector<16xf32>,
        %parallel_loop3A_816 = arith.maximumf %parallel_loop3A_800, %parallel_loop3A_815 : vector<16xf32>
        %parallel_loop3A_817 = arith.constant 48 : i32
        %parallel_loop3A_818 = arith.addi %parallel_loop3A_803, %parallel_loop3A_817 : i32
        %parallel_loop3A_819 = arith.index_cast %parallel_loop3A_818 : i32 to index
        %parallel_loop3A_820 = tpu.vector_load %arg7[%parallel_loop3A_819] {strides = array<i32>} : memref<9088xf32, #tpu.memory_space<vmem>>, vector<16xf32>,
        %parallel_loop3A_821 = arith.maximumf %parallel_loop3A_801, %parallel_loop3A_820 : vector<16xf32>
        scf.yield %parallel_loop3A_806, %parallel_loop3A_811, %parallel_loop3A_816, %parallel_loop3A_821 : vector<16xf32>, vector<16xf32>, vector<16xf32>, vector<16xf32>
      } {sc.loop_unroll_factor = 8 : i64, sc.parallel_access}
      %max3A_720 = arith.maximumf %parallel_loop3A_719#0, %parallel_loop3A_719#1 : vector<16xf32>
      %max3A_721 = arith.maximumf %parallel_loop3A_719#2, %parallel_loop3A_719#3 : vector<16xf32>
      %max3A_722 = arith.maximumf %max3A_720, %max3A_721 : vector<16xf32>
      %eq3A_723 = arith.constant 10 : i32
      %eq3A_724 = arith.cmpi eq, %select_n3A_687, %eq3A_723 : i32
      %convert_element_type3A_725 = arith.extui %eq3A_724 : i1 to i32
      %cond3A_726 = arith.constant 0 : i32
      %cond3A_727 = arith.cmpi ne, %convert_element_type3A_725, %cond3A_726 : i32
      scf.if %cond3A_727 {
        %multiple_of3A_797 = arith.constant 99968 : i32
        %multiple_of3A_798 = tpu.assume_multiple %multiple_of3A_797, 128 : i32
        "tpu.region"() ({
          %run_scoped3A = tpu.sem_alloc : memref<!tpu.dma_semaphore, #tpu.memory_space<semaphore_mem>>
          %dma_start3A_799 = tpu.memref_slice %arg2[%add3A_671, %multiple_of3A_798] : memref<128x100000xf32, #tpu.memory_space<hbm>> -> memref<1x32xf32, #tpu.memory_space<hbm>>
          %dma_start3A_800 = tpu.memref_squeeze %dma_start3A_799 : memref<1x32xf32, #tpu.memory_space<hbm>> -> memref<32xf32, #tpu.memory_space<hbm>>
          %dma_start3A_801 = tpu.memref_slice %arg2[%add3A_671, %multiple_of3A_798] : memref<128x100000xf32, #tpu.memory_space<hbm>> -> memref<1x32xf32, #tpu.memory_space<hbm>>
          %dma_start3A_802 = tpu.memref_squeeze %dma_start3A_801 : memref<1x32xf32, #tpu.memory_space<hbm>> -> memref<32xf32, #tpu.memory_space<hbm>>
          tpu.enqueue_dma source(%dma_start3A_802 : memref<32xf32, #tpu.memory_space<hbm>>) target(%arg13 : memref<32xf32, #tpu.memory_space<vmem>>) target_semaphore(%run_scoped3A : memref<!tpu.dma_semaphore, #tpu.memory_space<semaphore_mem>>)
          %dma_wait3A_803 = tpu.memref_slice %arg2[%add3A_671, %multiple_of3A_798] : memref<128x100000xf32, #tpu.memory_space<hbm>> -> memref<1x32xf32, #tpu.memory_space<hbm>>
          %dma_wait3A_804 = tpu.memref_squeeze %dma_wait3A_803 : memref<1x32xf32, #tpu.memory_space<hbm>> -> memref<32xf32, #tpu.memory_space<hbm>>
          %dma_wait3A_805 = tpu.memref_slice %arg2[%add3A_671, %multiple_of3A_798] : memref<128x100000xf32, #tpu.memory_space<hbm>> -> memref<1x32xf32, #tpu.memory_space<hbm>>
          %dma_wait3A_806 = tpu.memref_squeeze %dma_wait3A_805 : memref<1x32xf32, #tpu.memory_space<hbm>> -> memref<32xf32, #tpu.memory_space<hbm>>
          tpu.wait_dma2 semaphore(%run_scoped3A : memref<!tpu.dma_semaphore, #tpu.memory_space<semaphore_mem>>) src(%dma_wait3A_806 : memref<32xf32, #tpu.memory_space<hbm>>) dst(%arg13 : memref<32xf32, #tpu.memory_space<vmem>>)
          tpu.yield
        }) : () -> ()
        "tpu.region"() ({
          %run_scoped3A = tpu.sem_alloc : memref<!tpu.dma_semaphore, #tpu.memory_space<semaphore_mem>>
          %dma_start3A_799 = tpu.memref_slice %arg3[%add3A_671, %multiple_of3A_798] : memref<128x100000xi32, #tpu.memory_space<hbm>> -> memref<1x32xi32, #tpu.memory_space<hbm>>
          %dma_start3A_800 = tpu.memref_squeeze %dma_start3A_799 : memref<1x32xi32, #tpu.memory_space<hbm>> -> memref<32xi32, #tpu.memory_space<hbm>>
          %dma_start3A_801 = tpu.memref_slice %arg3[%add3A_671, %multiple_of3A_798] : memref<128x100000xi32, #tpu.memory_space<hbm>> -> memref<1x32xi32, #tpu.memory_space<hbm>>
          %dma_start3A_802 = tpu.memref_squeeze %dma_start3A_801 : memref<1x32xi32, #tpu.memory_space<hbm>> -> memref<32xi32, #tpu.memory_space<hbm>>
          tpu.enqueue_dma source(%dma_start3A_802 : memref<32xi32, #tpu.memory_space<hbm>>) target(%arg14 : memref<32xi32, #tpu.memory_space<vmem>>) target_semaphore(%run_scoped3A : memref<!tpu.dma_semaphore, #tpu.memory_space<semaphore_mem>>)
          %dma_wait3A_803 = tpu.memref_slice %arg3[%add3A_671, %multiple_of3A_798] : memref<128x100000xi32, #tpu.memory_space<hbm>> -> memref<1x32xi32, #tpu.memory_space<hbm>>
          %dma_wait3A_804 = tpu.memref_squeeze %dma_wait3A_803 : memref<1x32xi32, #tpu.memory_space<hbm>> -> memref<32xi32, #tpu.memory_space<hbm>>
          %dma_wait3A_805 = tpu.memref_slice %arg3[%add3A_671, %multiple_of3A_798] : memref<128x100000xi32, #tpu.memory_space<hbm>> -> memref<1x32xi32, #tpu.memory_space<hbm>>
          %dma_wait3A_806 = tpu.memref_squeeze %dma_wait3A_805 : memref<1x32xi32, #tpu.memory_space<hbm>> -> memref<32xi32, #tpu.memory_space<hbm>>
          tpu.wait_dma2 semaphore(%run_scoped3A : memref<!tpu.dma_semaphore, #tpu.memory_space<semaphore_mem>>) src(%dma_wait3A_806 : memref<32xi32, #tpu.memory_space<hbm>>) dst(%arg14 : memref<32xi32, #tpu.memory_space<vmem>>)
          tpu.yield
        }) : () -> ()
      } else {
      }
      %eq3A_728 = arith.constant 10 : i32
      %eq3A_729 = arith.cmpi eq, %select_n3A_687, %eq3A_728 : i32
      %get3A_730 = arith.constant 0 : index
      %get3A_731 = tpu.vector_load %arg13[%get3A_730] {strides = array<i32>} : memref<32xf32, #tpu.memory_space<vmem>>, vector<16xf32>,
      %get3A_732 = arith.constant 16 : index
      %get3A_733 = tpu.vector_load %arg13[%get3A_732] {strides = array<i32>} : memref<32xf32, #tpu.memory_space<vmem>>, vector<16xf32>,
      %max3A_734 = arith.maximumf %get3A_731, %get3A_733 : vector<16xf32>
      %max3A_735 = arith.maximumf %max3A_722, %max3A_734 : vector<16xf32>
      %select_n3A_736 = arith.select %eq3A_729, %max3A_735, %max3A_722 : vector<16xf32>
      %max3A_737 = arith.maximumf %select_n3A_714, %select_n3A_736 : vector<16xf32>
      %sub3A_738 = arith.subf %select_n3A_714, %max3A_737 : vector<16xf32>
      %exp3A_739 = math.exp %sub3A_738 : vector<16xf32>
      %mul3A_740 = arith.mulf %select_n3A_715, %exp3A_739 : vector<16xf32>
      %parallel_loop3A_741 = arith.constant 0 : i32
      %parallel_loop3A_742 = arith.constant 568 : i32
      %parallel_loop3A_743 = arith.constant 4 : i32
      %parallel_loop3A_744:4 = scf.for %parallel_loop3A_797 = %parallel_loop3A_741 to %parallel_loop3A_742 step %parallel_loop3A_743 iter_args(%parallel_loop3A_798 = %broadcast_in_dim3A_3, %parallel_loop3A_799 = %broadcast_in_dim3A_3, %parallel_loop3A_800 = %broadcast_in_dim3A_3, %parallel_loop3A_801 = %broadcast_in_dim3A_3) -> (vector<16xf32>, vector<16xf32>, vector<16xf32>, vector<16xf32>)  : i32 {
        %parallel_loop3A_802 = arith.constant 16 : i32
        %parallel_loop3A_803 = arith.muli %parallel_loop3A_797, %parallel_loop3A_802 : i32
        %parallel_loop3A_804 = arith.index_cast %parallel_loop3A_803 : i32 to index
        %parallel_loop3A_805 = tpu.vector_load %arg7[%parallel_loop3A_804] {strides = array<i32>} : memref<9088xf32, #tpu.memory_space<vmem>>, vector<16xf32>,
        %parallel_loop3A_806 = arith.index_cast %parallel_loop3A_803 : i32 to index
        %parallel_loop3A_807 = tpu.vector_load %arg9[%parallel_loop3A_806] {strides = array<i32>} : memref<9088xi32, #tpu.memory_space<vmem>>, vector<16xi32>,
        %parallel_loop3A_808 = arith.constant 0 : i32
        %parallel_loop3A_809 = vector.broadcast %parallel_loop3A_808 : i32 to vector<16xi32>
        %parallel_loop3A_810 = arith.cmpi ne, %parallel_loop3A_807, %parallel_loop3A_809 : vector<16xi32>
        %parallel_loop3A_811 = arith.select %parallel_loop3A_810, %parallel_loop3A_805, %broadcast_in_dim3A_1 : vector<16xi1>, vector<16xf32>
        %parallel_loop3A_812 = arith.subf %parallel_loop3A_811, %max3A_737 : vector<16xf32>
        %parallel_loop3A_813 = math.exp %parallel_loop3A_812 : vector<16xf32>
        %parallel_loop3A_814 = arith.addf %parallel_loop3A_798, %parallel_loop3A_813 : vector<16xf32>
        %parallel_loop3A_815 = arith.constant 16 : i32
        %parallel_loop3A_816 = arith.addi %parallel_loop3A_803, %parallel_loop3A_815 : i32
        %parallel_loop3A_817 = arith.index_cast %parallel_loop3A_816 : i32 to index
        %parallel_loop3A_818 = tpu.vector_load %arg7[%parallel_loop3A_817] {strides = array<i32>} : memref<9088xf32, #tpu.memory_space<vmem>>, vector<16xf32>,
        %parallel_loop3A_819 = arith.constant 16 : i32
        %parallel_loop3A_820 = arith.addi %parallel_loop3A_803, %parallel_loop3A_819 : i32
        %parallel_loop3A_821 = arith.index_cast %parallel_loop3A_820 : i32 to index
        %parallel_loop3A_822 = tpu.vector_load %arg9[%parallel_loop3A_821] {strides = array<i32>} : memref<9088xi32, #tpu.memory_space<vmem>>, vector<16xi32>,
        %parallel_loop3A_823 = arith.constant 0 : i32
        %parallel_loop3A_824 = vector.broadcast %parallel_loop3A_823 : i32 to vector<16xi32>
        %parallel_loop3A_825 = arith.cmpi ne, %parallel_loop3A_822, %parallel_loop3A_824 : vector<16xi32>
        %parallel_loop3A_826 = arith.select %parallel_loop3A_825, %parallel_loop3A_818, %broadcast_in_dim3A_1 : vector<16xi1>, vector<16xf32>
        %parallel_loop3A_827 = arith.subf %parallel_loop3A_826, %max3A_737 : vector<16xf32>
        %parallel_loop3A_828 = math.exp %parallel_loop3A_827 : vector<16xf32>
        %parallel_loop3A_829 = arith.addf %parallel_loop3A_799, %parallel_loop3A_828 : vector<16xf32>
        %parallel_loop3A_830 = arith.constant 32 : i32
        %parallel_loop3A_831 = arith.addi %parallel_loop3A_803, %parallel_loop3A_830 : i32
        %parallel_loop3A_832 = arith.index_cast %parallel_loop3A_831 : i32 to index
        %parallel_loop3A_833 = tpu.vector_load %arg7[%parallel_loop3A_832] {strides = array<i32>} : memref<9088xf32, #tpu.memory_space<vmem>>, vector<16xf32>,
        %parallel_loop3A_834 = arith.constant 32 : i32
        %parallel_loop3A_835 = arith.addi %parallel_loop3A_803, %parallel_loop3A_834 : i32
        %parallel_loop3A_836 = arith.index_cast %parallel_loop3A_835 : i32 to index
        %parallel_loop3A_837 = tpu.vector_load %arg9[%parallel_loop3A_836] {strides = array<i32>} : memref<9088xi32, #tpu.memory_space<vmem>>, vector<16xi32>,
        %parallel_loop3A_838 = arith.constant 0 : i32
        %parallel_loop3A_839 = vector.broadcast %parallel_loop3A_838 : i32 to vector<16xi32>
        %parallel_loop3A_840 = arith.cmpi ne, %parallel_loop3A_837, %parallel_loop3A_839 : vector<16xi32>
        %parallel_loop3A_841 = arith.select %parallel_loop3A_840, %parallel_loop3A_833, %broadcast_in_dim3A_1 : vector<16xi1>, vector<16xf32>
        %parallel_loop3A_842 = arith.subf %parallel_loop3A_841, %max3A_737 : vector<16xf32>
        %parallel_loop3A_843 = math.exp %parallel_loop3A_842 : vector<16xf32>
        %parallel_loop3A_844 = arith.addf %parallel_loop3A_800, %parallel_loop3A_843 : vector<16xf32>
        %parallel_loop3A_845 = arith.constant 48 : i32
        %parallel_loop3A_846 = arith.addi %parallel_loop3A_803, %parallel_loop3A_845 : i32
        %parallel_loop3A_847 = arith.index_cast %parallel_loop3A_846 : i32 to index
        %parallel_loop3A_848 = tpu.vector_load %arg7[%parallel_loop3A_847] {strides = array<i32>} : memref<9088xf32, #tpu.memory_space<vmem>>, vector<16xf32>,
        %parallel_loop3A_849 = arith.constant 48 : i32
        %parallel_loop3A_850 = arith.addi %parallel_loop3A_803, %parallel_loop3A_849 : i32
        %parallel_loop3A_851 = arith.index_cast %parallel_loop3A_850 : i32 to index
        %parallel_loop3A_852 = tpu.vector_load %arg9[%parallel_loop3A_851] {strides = array<i32>} : memref<9088xi32, #tpu.memory_space<vmem>>, vector<16xi32>,
        %parallel_loop3A_853 = arith.constant 0 : i32
        %parallel_loop3A_854 = vector.broadcast %parallel_loop3A_853 : i32 to vector<16xi32>
        %parallel_loop3A_855 = arith.cmpi ne, %parallel_loop3A_852, %parallel_loop3A_854 : vector<16xi32>
        %parallel_loop3A_856 = arith.select %parallel_loop3A_855, %parallel_loop3A_848, %broadcast_in_dim3A_1 : vector<16xi1>, vector<16xf32>
        %parallel_loop3A_857 = arith.subf %parallel_loop3A_856, %max3A_737 : vector<16xf32>
        %parallel_loop3A_858 = math.exp %parallel_loop3A_857 : vector<16xf32>
        %parallel_loop3A_859 = arith.addf %parallel_loop3A_801, %parallel_loop3A_858 : vector<16xf32>
        scf.yield %parallel_loop3A_814, %parallel_loop3A_829, %parallel_loop3A_844, %parallel_loop3A_859 : vector<16xf32>, vector<16xf32>, vector<16xf32>, vector<16xf32>
      } {sc.loop_unroll_factor = 4 : i64, sc.parallel_access}
      %add3A_745 = arith.addf %parallel_loop3A_744#0, %parallel_loop3A_744#1 : vector<16xf32>
      %add3A_746 = arith.addf %parallel_loop3A_744#2, %parallel_loop3A_744#3 : vector<16xf32>
      %add3A_747 = arith.addf %add3A_745, %add3A_746 : vector<16xf32>
      %add3A_748 = arith.addf %mul3A_740, %add3A_747 : vector<16xf32>
      %get3A_749 = arith.constant 0 : index
      %get3A_750 = tpu.vector_load %arg13[%get3A_749] {strides = array<i32>} : memref<32xf32, #tpu.memory_space<vmem>>, vector<16xf32>,
      %get3A_751 = arith.constant 0 : index
      %get3A_752 = tpu.vector_load %arg14[%get3A_751] {strides = array<i32>} : memref<32xi32, #tpu.memory_space<vmem>>, vector<16xi32>,
      %ne3A_753 = arith.constant 0 : i32
      %ne3A_754 = vector.broadcast %ne3A_753 : i32 to vector<16xi32>
      %ne3A_755 = arith.cmpi ne, %get3A_752, %ne3A_754 : vector<16xi32>
      %select_n3A_756 = arith.select %ne3A_755, %get3A_750, %broadcast_in_dim3A_1 : vector<16xi1>, vector<16xf32>
      %sub3A_757 = arith.subf %select_n3A_756, %max3A_737 : vector<16xf32>
      %exp3A_758 = math.exp %sub3A_757 : vector<16xf32>
      %get3A_759 = arith.constant 16 : index
      %get3A_760 = tpu.vector_load %arg13[%get3A_759] {strides = array<i32>} : memref<32xf32, #tpu.memory_space<vmem>>, vector<16xf32>,
      %get3A_761 = arith.constant 16 : index
      %get3A_762 = tpu.vector_load %arg14[%get3A_761] {strides = array<i32>} : memref<32xi32, #tpu.memory_space<vmem>>, vector<16xi32>,
      %ne3A_763 = arith.constant 0 : i32
      %ne3A_764 = vector.broadcast %ne3A_763 : i32 to vector<16xi32>
      %ne3A_765 = arith.cmpi ne, %get3A_762, %ne3A_764 : vector<16xi32>
      %select_n3A_766 = arith.select %ne3A_765, %get3A_760, %broadcast_in_dim3A_1 : vector<16xi1>, vector<16xf32>
      %sub3A_767 = arith.subf %select_n3A_766, %max3A_737 : vector<16xf32>
      %exp3A_768 = math.exp %sub3A_767 : vector<16xf32>
      %add3A_769 = arith.addf %exp3A_758, %exp3A_768 : vector<16xf32>
      %select_n3A_770 = arith.select %eq3A_729, %add3A_769, %broadcast_in_dim3A_3 : vector<16xf32>
      %add3A_771 = arith.addf %add3A_748, %select_n3A_770 : vector<16xf32>
      %reduce_max3A_772 = arith.constant true
      %reduce_max3A_773 = vector.broadcast %reduce_max3A_772 : i1 to vector<16xi1>
      %reduce_max3A_774 = tpu.scan <max>, %max3A_737 masked %reduce_max3A_773 : vector<16xf32>, vector<16xi1> -> vector<16xf32>
      %reduce_max3A_775 = vector.extract %reduce_max3A_774[15] : f32 from vector<16xf32>
      %sub3A_776 = vector.broadcast %reduce_max3A_775 : f32 to vector<16xf32>
      %sub3A_777 = arith.subf %max3A_737, %sub3A_776 : vector<16xf32>
      %exp3A_778 = math.exp %sub3A_777 : vector<16xf32>
      %mul3A_779 = arith.mulf %add3A_771, %exp3A_778 : vector<16xf32>
      %reduce_sum3A_780 = arith.constant true
      %reduce_sum3A_781 = vector.broadcast %reduce_sum3A_780 : i1 to vector<16xi1>
      %reduce_sum3A_782 = tpu.scan <sum>, %mul3A_779 masked %reduce_sum3A_781 : vector<16xf32>, vector<16xi1> -> vector<16xf32>
      %reduce_sum3A_783 = vector.extract %reduce_sum3A_782[15] : f32 from vector<16xf32>
      %eq3A_784 = vector.broadcast %select_n3A_711 : i32 to vector<16xi32>
      %eq3A_785 = arith.cmpi eq, %iota3A, %eq3A_784 : vector<16xi32>
      %and3A_786 = vector.broadcast %eq3A_729 : i1 to vector<16xi1>
      %and3A_787 = arith.andi %and3A_786, %eq3A_785 : vector<16xi1>
      %broadcast_in_dim3A_788 = vector.broadcast %reduce_max3A_775 : f32 to vector<16xf32>
      %select_n3A_789 = arith.select %and3A_787, %broadcast_in_dim3A_788, %select_n3A_621 : vector<16xi1>, vector<16xf32>
      %broadcast_in_dim3A_790 = vector.broadcast %reduce_sum3A_783 : f32 to vector<16xf32>
      %select_n3A_791 = arith.select %and3A_787, %broadcast_in_dim3A_790, %select_n3A_623 : vector<16xi1>, vector<16xf32>
      %lt3A_792 = arith.constant 21 : i32
      %lt3A_793 = arith.cmpi slt, %scan3A_463, %lt3A_792 : i32
      %convert_element_type3A_794 = arith.extui %lt3A_793 : i1 to i32
      %cond3A_795 = arith.constant 0 : i32
      %cond3A_796 = arith.cmpi ne, %convert_element_type3A_794, %cond3A_795 : i32
      scf.if %cond3A_796 {
        %add3A_797 = arith.constant 3 : i32
        %add3A_798 = arith.addi %mul3A_469, %add3A_797 : i32
        %mul3A_799 = arith.constant 4 : i32
        %mul3A_800 = arith.muli %add3A, %mul3A_799 : i32
        %jit3A_801 = arith.constant 11 : i32
        %div3A_802 = arith.divsi %add3A_798, %jit3A_801 : i32
        %sign3A_803 = arith.constant 0 : i32
        %sign3A_804 = arith.cmpi sgt, %add3A_798, %sign3A_803 : i32
        %sign3A_805 = arith.extui %sign3A_804 : i1 to i32
        %sign3A_806 = arith.constant 0 : i32
        %sign3A_807 = arith.cmpi slt, %add3A_798, %sign3A_806 : i32
        %sign3A_808 = arith.extui %sign3A_807 : i1 to i32
        %sign3A_809 = arith.subi %sign3A_805, %sign3A_808 : i32
        %sign3A_810 = arith.constant 0 : i32
        %sign3A_811 = arith.cmpi sgt, %jit3A_801, %sign3A_810 : i32
        %sign3A_812 = arith.extui %sign3A_811 : i1 to i32
        %sign3A_813 = arith.constant 0 : i32
        %sign3A_814 = arith.cmpi slt, %jit3A_801, %sign3A_813 : i32
        %sign3A_815 = arith.extui %sign3A_814 : i1 to i32
        %sign3A_816 = arith.subi %sign3A_812, %sign3A_815 : i32
        %ne3A_817 = arith.cmpi ne, %sign3A_809, %sign3A_816 : i32
        %rem3A_818 = arith.remsi %add3A_798, %jit3A_801 : i32
        %ne3A_819 = arith.constant 0 : i32
        %ne3A_820 = arith.cmpi ne, %rem3A_818, %ne3A_819 : i32
        %and3A_821 = arith.andi %ne3A_817, %ne3A_820 : i1
        %sub3A_822 = arith.constant 1 : i32
        %sub3A_823 = arith.subi %div3A_802, %sub3A_822 : i32
        %select_n3A_824 = arith.select %and3A_821, %sub3A_823, %div3A_802 : i32
        %add3A_825 = arith.addi %mul3A_800, %select_n3A_824 : i32
        %jit3A_826 = arith.constant 11 : i32
        %eq3A_827 = arith.constant 0 : i32
        %eq3A_828 = arith.cmpi eq, %jit3A_826, %eq3A_827 : i32
        %jit3A_829 = arith.constant 1 : i32
        %select_n3A_830 = arith.select %eq3A_828, %jit3A_829, %jit3A_826 : i32
        %rem3A_831 = arith.remsi %add3A_798, %select_n3A_830 : i32
        %ne3A_832 = arith.constant 0 : i32
        %ne3A_833 = arith.cmpi ne, %rem3A_831, %ne3A_832 : i32
        %lt3A_834 = arith.constant 0 : i32
        %lt3A_835 = arith.cmpi slt, %rem3A_831, %lt3A_834 : i32
        %lt3A_836 = arith.constant 0 : i32
        %lt3A_837 = arith.cmpi slt, %select_n3A_830, %lt3A_836 : i32
        %ne3A_838 = arith.xori %lt3A_835, %lt3A_837 : i1
        %and3A_839 = arith.andi %ne3A_838, %ne3A_833 : i1
        %add3A_840 = arith.addi %rem3A_831, %select_n3A_830 : i32
        %select_n3A_841 = arith.select %and3A_839, %add3A_840, %rem3A_831 : i32
        %mul3A_842 = arith.constant 9088 : i32
        %mul3A_843 = arith.muli %select_n3A_841, %mul3A_842 : i32
        %multiple_of3A_844 = tpu.assume_multiple %mul3A_843, 128 : i32
        %dma_start3A_845 = tpu.memref_slice %arg2[%add3A_825, %multiple_of3A_844] : memref<128x100000xf32, #tpu.memory_space<hbm>> -> memref<1x9088xf32, #tpu.memory_space<hbm>>
        %dma_start3A_846 = tpu.memref_squeeze %dma_start3A_845 : memref<1x9088xf32, #tpu.memory_space<hbm>> -> memref<9088xf32, #tpu.memory_space<hbm>>
        %dma_start3A_847 = tpu.memref_slice %arg2[%add3A_825, %multiple_of3A_844] : memref<128x100000xf32, #tpu.memory_space<hbm>> -> memref<1x9088xf32, #tpu.memory_space<hbm>>
        %dma_start3A_848 = tpu.memref_squeeze %dma_start3A_847 : memref<1x9088xf32, #tpu.memory_space<hbm>> -> memref<9088xf32, #tpu.memory_space<hbm>>
        tpu.enqueue_dma source(%dma_start3A_848 : memref<9088xf32, #tpu.memory_space<hbm>>) target(%arg7 : memref<9088xf32, #tpu.memory_space<vmem>>) target_semaphore(%arg17 : memref<!tpu.dma_semaphore, #tpu.memory_space<semaphore_mem>>)
        %dma_start3A_849 = tpu.memref_slice %arg3[%add3A_825, %multiple_of3A_844] : memref<128x100000xi32, #tpu.memory_space<hbm>> -> memref<1x9088xi32, #tpu.memory_space<hbm>>
        %dma_start3A_850 = tpu.memref_squeeze %dma_start3A_849 : memref<1x9088xi32, #tpu.memory_space<hbm>> -> memref<9088xi32, #tpu.memory_space<hbm>>
        %dma_start3A_851 = tpu.memref_slice %arg3[%add3A_825, %multiple_of3A_844] : memref<128x100000xi32, #tpu.memory_space<hbm>> -> memref<1x9088xi32, #tpu.memory_space<hbm>>
        %dma_start3A_852 = tpu.memref_squeeze %dma_start3A_851 : memref<1x9088xi32, #tpu.memory_space<hbm>> -> memref<9088xi32, #tpu.memory_space<hbm>>
        tpu.enqueue_dma source(%dma_start3A_852 : memref<9088xi32, #tpu.memory_space<hbm>>) target(%arg9 : memref<9088xi32, #tpu.memory_space<vmem>>) target_semaphore(%arg19 : memref<!tpu.dma_semaphore, #tpu.memory_space<semaphore_mem>>)
      } else {
      }
      scf.yield %select_n3A_789, %select_n3A_791, %max3A_737, %add3A_771 : vector<16xf32>, vector<16xf32>, vector<16xf32>, vector<16xf32>
    }
    %scan3A_36 = arith.constant 22 : i32
    "tpu.region"() ({
      %run_scoped3A = tpu.sem_alloc : memref<!tpu.dma_semaphore, #tpu.memory_space<semaphore_mem>>
      tpu.enqueue_dma source(%arg4 : memref<128xi32, #tpu.memory_space<hbm>>) target(%arg10 : memref<128xi32, #tpu.memory_space<vmem>>) target_semaphore(%run_scoped3A : memref<!tpu.dma_semaphore, #tpu.memory_space<semaphore_mem>>)
      tpu.wait_dma2 semaphore(%run_scoped3A : memref<!tpu.dma_semaphore, #tpu.memory_space<semaphore_mem>>) src(%arg4 : memref<128xi32, #tpu.memory_space<hbm>>) dst(%arg10 : memref<128xi32, #tpu.memory_space<vmem>>)
      tpu.yield
    }) : () -> ()
    %mul3A_37 = arith.constant 4 : i32
    %mul3A_38 = arith.muli %add3A, %mul3A_37 : i32
    %min3A = arith.constant 3 : i32
    %min3A_39 = vector.broadcast %min3A : i32 to vector<16xi32>
    %min3A_40 = arith.minsi %iota3A, %min3A_39 : vector<16xi32>
    %add3A_41 = vector.broadcast %mul3A_38 : i32 to vector<16xi32>
    %add3A_42 = arith.addi %add3A_41, %min3A_40 : vector<16xi32>
    %gather3A = tpu.vector_load_idx %arg10[%add3A_42] : memref<128xi32, #tpu.memory_space<vmem>>[vector<16xi32>], vector<16xi32>,
    %mul3A_43 = arith.constant 4 : i32
    %mul3A_44 = arith.muli %add3A, %mul3A_43 : i32
    %add3A_45 = arith.constant 0 : i32
    %add3A_46 = arith.addi %mul3A_44, %add3A_45 : i32
    %eq3A = arith.constant 0 : i32
    %eq3A_47 = vector.broadcast %eq3A : i32 to vector<16xi32>
    %eq3A_48 = arith.cmpi eq, %iota3A, %eq3A_47 : vector<16xi32>
    %jit3A = arith.constant 0 : i32
    %broadcast_in_dim3A_49 = vector.broadcast %jit3A : i32 to vector<16xi32>
    %select_n3A = arith.select %eq3A_48, %gather3A, %broadcast_in_dim3A_49 : vector<16xi1>, vector<16xi32>
    %reduce_max3A = arith.constant true
    %reduce_max3A_50 = vector.broadcast %reduce_max3A : i1 to vector<16xi1>
    %reduce_max3A_51 = arith.constant -2147483648 : i32
    %reduce_max3A_52 = vector.broadcast %reduce_max3A_51 : i32 to vector<16xi32>
    %reduce_max3A_53 = arith.xori %select_n3A, %reduce_max3A_52 : vector<16xi32>
    %reduce_max3A_54 = tpu.scan <max>, %reduce_max3A_53 masked %reduce_max3A_50 : vector<16xi32>, vector<16xi1> -> vector<16xi32>
    %reduce_max3A_55 = arith.xori %reduce_max3A_54, %reduce_max3A_52 : vector<16xi32>
    %reduce_max3A_56 = vector.extract %reduce_max3A_55[15] : i32 from vector<16xi32>
    %jit3A_57 = arith.constant 128 : i32
    %div3A = arith.divsi %reduce_max3A_56, %jit3A_57 : i32
    %sign3A = arith.constant 0 : i32
    %sign3A_58 = arith.cmpi sgt, %reduce_max3A_56, %sign3A : i32
    %sign3A_59 = arith.extui %sign3A_58 : i1 to i32
    %sign3A_60 = arith.constant 0 : i32
    %sign3A_61 = arith.cmpi slt, %reduce_max3A_56, %sign3A_60 : i32
    %sign3A_62 = arith.extui %sign3A_61 : i1 to i32
    %sign3A_63 = arith.subi %sign3A_59, %sign3A_62 : i32
    %sign3A_64 = arith.constant 0 : i32
    %sign3A_65 = arith.cmpi sgt, %jit3A_57, %sign3A_64 : i32
    %sign3A_66 = arith.extui %sign3A_65 : i1 to i32
    %sign3A_67 = arith.constant 0 : i32
    %sign3A_68 = arith.cmpi slt, %jit3A_57, %sign3A_67 : i32
    %sign3A_69 = arith.extui %sign3A_68 : i1 to i32
    %sign3A_70 = arith.subi %sign3A_66, %sign3A_69 : i32
    %ne3A = arith.cmpi ne, %sign3A_63, %sign3A_70 : i32
    %rem3A = arith.remsi %reduce_max3A_56, %jit3A_57 : i32
    %ne3A_71 = arith.constant 0 : i32
    %ne3A_72 = arith.cmpi ne, %rem3A, %ne3A_71 : i32
    %and3A = arith.andi %ne3A, %ne3A_72 : i1
    %sub3A = arith.constant 1 : i32
    %sub3A_73 = arith.subi %div3A, %sub3A : i32
    %select_n3A_74 = arith.select %and3A, %sub3A_73, %div3A : i32
    %mul3A_75 = arith.constant 128 : i32
    %mul3A_76 = arith.muli %select_n3A_74, %mul3A_75 : i32
    %multiple_of3A_77 = tpu.assume_multiple %mul3A_76, 128 : i32
    "tpu.region"() ({
      %run_scoped3A = tpu.sem_alloc : memref<!tpu.dma_semaphore, #tpu.memory_space<semaphore_mem>>
      %dma_start3A_463 = tpu.memref_slice %arg2[%add3A_46, %multiple_of3A_77] : memref<128x100000xf32, #tpu.memory_space<hbm>> -> memref<1x128xf32, #tpu.memory_space<hbm>>
      %dma_start3A_464 = tpu.memref_squeeze %dma_start3A_463 : memref<1x128xf32, #tpu.memory_space<hbm>> -> memref<128xf32, #tpu.memory_space<hbm>>
      %dma_start3A_465 = tpu.memref_slice %arg2[%add3A_46, %multiple_of3A_77] : memref<128x100000xf32, #tpu.memory_space<hbm>> -> memref<1x128xf32, #tpu.memory_space<hbm>>
      %dma_start3A_466 = tpu.memref_squeeze %dma_start3A_465 : memref<1x128xf32, #tpu.memory_space<hbm>> -> memref<128xf32, #tpu.memory_space<hbm>>
      tpu.enqueue_dma source(%dma_start3A_466 : memref<128xf32, #tpu.memory_space<hbm>>) target(%arg11 : memref<128xf32, #tpu.memory_space<vmem>>) target_semaphore(%run_scoped3A : memref<!tpu.dma_semaphore, #tpu.memory_space<semaphore_mem>>)
      %dma_wait3A = tpu.memref_slice %arg2[%add3A_46, %multiple_of3A_77] : memref<128x100000xf32, #tpu.memory_space<hbm>> -> memref<1x128xf32, #tpu.memory_space<hbm>>
      %dma_wait3A_467 = tpu.memref_squeeze %dma_wait3A : memref<1x128xf32, #tpu.memory_space<hbm>> -> memref<128xf32, #tpu.memory_space<hbm>>
      %dma_wait3A_468 = tpu.memref_slice %arg2[%add3A_46, %multiple_of3A_77] : memref<128x100000xf32, #tpu.memory_space<hbm>> -> memref<1x128xf32, #tpu.memory_space<hbm>>
      %dma_wait3A_469 = tpu.memref_squeeze %dma_wait3A_468 : memref<1x128xf32, #tpu.memory_space<hbm>> -> memref<128xf32, #tpu.memory_space<hbm>>
      tpu.wait_dma2 semaphore(%run_scoped3A : memref<!tpu.dma_semaphore, #tpu.memory_space<semaphore_mem>>) src(%dma_wait3A_469 : memref<128xf32, #tpu.memory_space<hbm>>) dst(%arg11 : memref<128xf32, #tpu.memory_space<vmem>>)
      tpu.yield
    }) : () -> ()
    "tpu.region"() ({
      %run_scoped3A = tpu.sem_alloc : memref<!tpu.dma_semaphore, #tpu.memory_space<semaphore_mem>>
      %dma_start3A_463 = tpu.memref_slice %arg3[%add3A_46, %multiple_of3A_77] : memref<128x100000xi32, #tpu.memory_space<hbm>> -> memref<1x128xi32, #tpu.memory_space<hbm>>
      %dma_start3A_464 = tpu.memref_squeeze %dma_start3A_463 : memref<1x128xi32, #tpu.memory_space<hbm>> -> memref<128xi32, #tpu.memory_space<hbm>>
      %dma_start3A_465 = tpu.memref_slice %arg3[%add3A_46, %multiple_of3A_77] : memref<128x100000xi32, #tpu.memory_space<hbm>> -> memref<1x128xi32, #tpu.memory_space<hbm>>
      %dma_start3A_466 = tpu.memref_squeeze %dma_start3A_465 : memref<1x128xi32, #tpu.memory_space<hbm>> -> memref<128xi32, #tpu.memory_space<hbm>>
      tpu.enqueue_dma source(%dma_start3A_466 : memref<128xi32, #tpu.memory_space<hbm>>) target(%arg12 : memref<128xi32, #tpu.memory_space<vmem>>) target_semaphore(%run_scoped3A : memref<!tpu.dma_semaphore, #tpu.memory_space<semaphore_mem>>)
      %dma_wait3A = tpu.memref_slice %arg3[%add3A_46, %multiple_of3A_77] : memref<128x100000xi32, #tpu.memory_space<hbm>> -> memref<1x128xi32, #tpu.memory_space<hbm>>
      %dma_wait3A_467 = tpu.memref_squeeze %dma_wait3A : memref<1x128xi32, #tpu.memory_space<hbm>> -> memref<128xi32, #tpu.memory_space<hbm>>
      %dma_wait3A_468 = tpu.memref_slice %arg3[%add3A_46, %multiple_of3A_77] : memref<128x100000xi32, #tpu.memory_space<hbm>> -> memref<1x128xi32, #tpu.memory_space<hbm>>
      %dma_wait3A_469 = tpu.memref_squeeze %dma_wait3A_468 : memref<1x128xi32, #tpu.memory_space<hbm>> -> memref<128xi32, #tpu.memory_space<hbm>>
      tpu.wait_dma2 semaphore(%run_scoped3A : memref<!tpu.dma_semaphore, #tpu.memory_space<semaphore_mem>>) src(%dma_wait3A_469 : memref<128xi32, #tpu.memory_space<hbm>>) dst(%arg12 : memref<128xi32, #tpu.memory_space<vmem>>)
      tpu.yield
    }) : () -> ()
    %sub3A_78 = arith.subi %reduce_max3A_56, %multiple_of3A_77 : i32
    %jit3A_79 = arith.constant 16 : i32
    %div3A_80 = arith.divsi %sub3A_78, %jit3A_79 : i32
    %sign3A_81 = arith.constant 0 : i32
    %sign3A_82 = arith.cmpi sgt, %sub3A_78, %sign3A_81 : i32
    %sign3A_83 = arith.extui %sign3A_82 : i1 to i32
    %sign3A_84 = arith.constant 0 : i32
    %sign3A_85 = arith.cmpi slt, %sub3A_78, %sign3A_84 : i32
    %sign3A_86 = arith.extui %sign3A_85 : i1 to i32
    %sign3A_87 = arith.subi %sign3A_83, %sign3A_86 : i32
    %sign3A_88 = arith.constant 0 : i32
    %sign3A_89 = arith.cmpi sgt, %jit3A_79, %sign3A_88 : i32
    %sign3A_90 = arith.extui %sign3A_89 : i1 to i32
    %sign3A_91 = arith.constant 0 : i32
    %sign3A_92 = arith.cmpi slt, %jit3A_79, %sign3A_91 : i32
    %sign3A_93 = arith.extui %sign3A_92 : i1 to i32
    %sign3A_94 = arith.subi %sign3A_90, %sign3A_93 : i32
    %ne3A_95 = arith.cmpi ne, %sign3A_87, %sign3A_94 : i32
    %rem3A_96 = arith.remsi %sub3A_78, %jit3A_79 : i32
    %ne3A_97 = arith.constant 0 : i32
    %ne3A_98 = arith.cmpi ne, %rem3A_96, %ne3A_97 : i32
    %and3A_99 = arith.andi %ne3A_95, %ne3A_98 : i1
    %sub3A_100 = arith.constant 1 : i32
    %sub3A_101 = arith.subi %div3A_80, %sub3A_100 : i32
    %select_n3A_102 = arith.select %and3A_99, %sub3A_101, %div3A_80 : i32
    %mul3A_103 = arith.constant 16 : i32
    %mul3A_104 = arith.muli %select_n3A_102, %mul3A_103 : i32
    %get3A = arith.index_cast %mul3A_104 : i32 to index
    %get3A_105 = tpu.vector_load %arg11[%get3A] {strides = array<i32>} : memref<128xf32, #tpu.memory_space<vmem>>, vector<16xf32>,
    %get3A_106 = arith.index_cast %mul3A_104 : i32 to index
    %get3A_107 = tpu.vector_load %arg12[%get3A_106] {strides = array<i32>} : memref<128xi32, #tpu.memory_space<vmem>>, vector<16xi32>,
    %sub3A_108 = arith.subi %sub3A_78, %mul3A_104 : i32
    %eq3A_109 = vector.broadcast %sub3A_108 : i32 to vector<16xi32>
    %eq3A_110 = arith.cmpi eq, %iota3A, %eq3A_109 : vector<16xi32>
    %ne3A_111 = arith.constant 0 : i32
    %ne3A_112 = vector.broadcast %ne3A_111 : i32 to vector<16xi32>
    %ne3A_113 = arith.cmpi ne, %get3A_107, %ne3A_112 : vector<16xi32>
    %and3A_114 = arith.andi %eq3A_110, %ne3A_113 : vector<16xi1>
    %select_n3A_115 = arith.select %and3A_114, %get3A_105, %broadcast_in_dim3A_1 : vector<16xi1>, vector<16xf32>
    %reduce_max3A_116 = arith.constant true
    %reduce_max3A_117 = vector.broadcast %reduce_max3A_116 : i1 to vector<16xi1>
    %reduce_max3A_118 = tpu.scan <max>, %select_n3A_115 masked %reduce_max3A_117 : vector<16xf32>, vector<16xi1> -> vector<16xf32>
    %reduce_max3A_119 = vector.extract %reduce_max3A_118[15] : f32 from vector<16xf32>
    %eq3A_120 = arith.constant 0 : i32
    %eq3A_121 = vector.broadcast %eq3A_120 : i32 to vector<16xi32>
    %eq3A_122 = arith.cmpi eq, %iota3A, %eq3A_121 : vector<16xi32>
    %broadcast_in_dim3A_123 = vector.broadcast %reduce_max3A_119 : f32 to vector<16xf32>
    %select_n3A_124 = arith.select %eq3A_122, %broadcast_in_dim3A_123, %broadcast_in_dim3A_1 : vector<16xi1>, vector<16xf32>
    %mul3A_125 = arith.constant 4 : i32
    %mul3A_126 = arith.muli %add3A, %mul3A_125 : i32
    %add3A_127 = arith.constant 1 : i32
    %add3A_128 = arith.addi %mul3A_126, %add3A_127 : i32
    %eq3A_129 = arith.constant 1 : i32
    %eq3A_130 = vector.broadcast %eq3A_129 : i32 to vector<16xi32>
    %eq3A_131 = arith.cmpi eq, %iota3A, %eq3A_130 : vector<16xi32>
    %jit3A_132 = arith.constant 0 : i32
    %broadcast_in_dim3A_133 = vector.broadcast %jit3A_132 : i32 to vector<16xi32>
    %select_n3A_134 = arith.select %eq3A_131, %gather3A, %broadcast_in_dim3A_133 : vector<16xi1>, vector<16xi32>
    %reduce_max3A_135 = arith.constant true
    %reduce_max3A_136 = vector.broadcast %reduce_max3A_135 : i1 to vector<16xi1>
    %reduce_max3A_137 = arith.constant -2147483648 : i32
    %reduce_max3A_138 = vector.broadcast %reduce_max3A_137 : i32 to vector<16xi32>
    %reduce_max3A_139 = arith.xori %select_n3A_134, %reduce_max3A_138 : vector<16xi32>
    %reduce_max3A_140 = tpu.scan <max>, %reduce_max3A_139 masked %reduce_max3A_136 : vector<16xi32>, vector<16xi1> -> vector<16xi32>
    %reduce_max3A_141 = arith.xori %reduce_max3A_140, %reduce_max3A_138 : vector<16xi32>
    %reduce_max3A_142 = vector.extract %reduce_max3A_141[15] : i32 from vector<16xi32>
    %jit3A_143 = arith.constant 128 : i32
    %div3A_144 = arith.divsi %reduce_max3A_142, %jit3A_143 : i32
    %sign3A_145 = arith.constant 0 : i32
    %sign3A_146 = arith.cmpi sgt, %reduce_max3A_142, %sign3A_145 : i32
    %sign3A_147 = arith.extui %sign3A_146 : i1 to i32
    %sign3A_148 = arith.constant 0 : i32
    %sign3A_149 = arith.cmpi slt, %reduce_max3A_142, %sign3A_148 : i32
    %sign3A_150 = arith.extui %sign3A_149 : i1 to i32
    %sign3A_151 = arith.subi %sign3A_147, %sign3A_150 : i32
    %sign3A_152 = arith.constant 0 : i32
    %sign3A_153 = arith.cmpi sgt, %jit3A_143, %sign3A_152 : i32
    %sign3A_154 = arith.extui %sign3A_153 : i1 to i32
    %sign3A_155 = arith.constant 0 : i32
    %sign3A_156 = arith.cmpi slt, %jit3A_143, %sign3A_155 : i32
    %sign3A_157 = arith.extui %sign3A_156 : i1 to i32
    %sign3A_158 = arith.subi %sign3A_154, %sign3A_157 : i32
    %ne3A_159 = arith.cmpi ne, %sign3A_151, %sign3A_158 : i32
    %rem3A_160 = arith.remsi %reduce_max3A_142, %jit3A_143 : i32
    %ne3A_161 = arith.constant 0 : i32
    %ne3A_162 = arith.cmpi ne, %rem3A_160, %ne3A_161 : i32
    %and3A_163 = arith.andi %ne3A_159, %ne3A_162 : i1
    %sub3A_164 = arith.constant 1 : i32
    %sub3A_165 = arith.subi %div3A_144, %sub3A_164 : i32
    %select_n3A_166 = arith.select %and3A_163, %sub3A_165, %div3A_144 : i32
    %mul3A_167 = arith.constant 128 : i32
    %mul3A_168 = arith.muli %select_n3A_166, %mul3A_167 : i32
    %multiple_of3A_169 = tpu.assume_multiple %mul3A_168, 128 : i32
    "tpu.region"() ({
      %run_scoped3A = tpu.sem_alloc : memref<!tpu.dma_semaphore, #tpu.memory_space<semaphore_mem>>
      %dma_start3A_463 = tpu.memref_slice %arg2[%add3A_128, %multiple_of3A_169] : memref<128x100000xf32, #tpu.memory_space<hbm>> -> memref<1x128xf32, #tpu.memory_space<hbm>>
      %dma_start3A_464 = tpu.memref_squeeze %dma_start3A_463 : memref<1x128xf32, #tpu.memory_space<hbm>> -> memref<128xf32, #tpu.memory_space<hbm>>
      %dma_start3A_465 = tpu.memref_slice %arg2[%add3A_128, %multiple_of3A_169] : memref<128x100000xf32, #tpu.memory_space<hbm>> -> memref<1x128xf32, #tpu.memory_space<hbm>>
      %dma_start3A_466 = tpu.memref_squeeze %dma_start3A_465 : memref<1x128xf32, #tpu.memory_space<hbm>> -> memref<128xf32, #tpu.memory_space<hbm>>
      tpu.enqueue_dma source(%dma_start3A_466 : memref<128xf32, #tpu.memory_space<hbm>>) target(%arg11 : memref<128xf32, #tpu.memory_space<vmem>>) target_semaphore(%run_scoped3A : memref<!tpu.dma_semaphore, #tpu.memory_space<semaphore_mem>>)
      %dma_wait3A = tpu.memref_slice %arg2[%add3A_128, %multiple_of3A_169] : memref<128x100000xf32, #tpu.memory_space<hbm>> -> memref<1x128xf32, #tpu.memory_space<hbm>>
      %dma_wait3A_467 = tpu.memref_squeeze %dma_wait3A : memref<1x128xf32, #tpu.memory_space<hbm>> -> memref<128xf32, #tpu.memory_space<hbm>>
      %dma_wait3A_468 = tpu.memref_slice %arg2[%add3A_128, %multiple_of3A_169] : memref<128x100000xf32, #tpu.memory_space<hbm>> -> memref<1x128xf32, #tpu.memory_space<hbm>>
      %dma_wait3A_469 = tpu.memref_squeeze %dma_wait3A_468 : memref<1x128xf32, #tpu.memory_space<hbm>> -> memref<128xf32, #tpu.memory_space<hbm>>
      tpu.wait_dma2 semaphore(%run_scoped3A : memref<!tpu.dma_semaphore, #tpu.memory_space<semaphore_mem>>) src(%dma_wait3A_469 : memref<128xf32, #tpu.memory_space<hbm>>) dst(%arg11 : memref<128xf32, #tpu.memory_space<vmem>>)
      tpu.yield
    }) : () -> ()
    "tpu.region"() ({
      %run_scoped3A = tpu.sem_alloc : memref<!tpu.dma_semaphore, #tpu.memory_space<semaphore_mem>>
      %dma_start3A_463 = tpu.memref_slice %arg3[%add3A_128, %multiple_of3A_169] : memref<128x100000xi32, #tpu.memory_space<hbm>> -> memref<1x128xi32, #tpu.memory_space<hbm>>
      %dma_start3A_464 = tpu.memref_squeeze %dma_start3A_463 : memref<1x128xi32, #tpu.memory_space<hbm>> -> memref<128xi32, #tpu.memory_space<hbm>>
      %dma_start3A_465 = tpu.memref_slice %arg3[%add3A_128, %multiple_of3A_169] : memref<128x100000xi32, #tpu.memory_space<hbm>> -> memref<1x128xi32, #tpu.memory_space<hbm>>
      %dma_start3A_466 = tpu.memref_squeeze %dma_start3A_465 : memref<1x128xi32, #tpu.memory_space<hbm>> -> memref<128xi32, #tpu.memory_space<hbm>>
      tpu.enqueue_dma source(%dma_start3A_466 : memref<128xi32, #tpu.memory_space<hbm>>) target(%arg12 : memref<128xi32, #tpu.memory_space<vmem>>) target_semaphore(%run_scoped3A : memref<!tpu.dma_semaphore, #tpu.memory_space<semaphore_mem>>)
      %dma_wait3A = tpu.memref_slice %arg3[%add3A_128, %multiple_of3A_169] : memref<128x100000xi32, #tpu.memory_space<hbm>> -> memref<1x128xi32, #tpu.memory_space<hbm>>
      %dma_wait3A_467 = tpu.memref_squeeze %dma_wait3A : memref<1x128xi32, #tpu.memory_space<hbm>> -> memref<128xi32, #tpu.memory_space<hbm>>
      %dma_wait3A_468 = tpu.memref_slice %arg3[%add3A_128, %multiple_of3A_169] : memref<128x100000xi32, #tpu.memory_space<hbm>> -> memref<1x128xi32, #tpu.memory_space<hbm>>
      %dma_wait3A_469 = tpu.memref_squeeze %dma_wait3A_468 : memref<1x128xi32, #tpu.memory_space<hbm>> -> memref<128xi32, #tpu.memory_space<hbm>>
      tpu.wait_dma2 semaphore(%run_scoped3A : memref<!tpu.dma_semaphore, #tpu.memory_space<semaphore_mem>>) src(%dma_wait3A_469 : memref<128xi32, #tpu.memory_space<hbm>>) dst(%arg12 : memref<128xi32, #tpu.memory_space<vmem>>)
      tpu.yield
    }) : () -> ()
    %sub3A_170 = arith.subi %reduce_max3A_142, %multiple_of3A_169 : i32
    %jit3A_171 = arith.constant 16 : i32
    %div3A_172 = arith.divsi %sub3A_170, %jit3A_171 : i32
    %sign3A_173 = arith.constant 0 : i32
    %sign3A_174 = arith.cmpi sgt, %sub3A_170, %sign3A_173 : i32
    %sign3A_175 = arith.extui %sign3A_174 : i1 to i32
    %sign3A_176 = arith.constant 0 : i32
    %sign3A_177 = arith.cmpi slt, %sub3A_170, %sign3A_176 : i32
    %sign3A_178 = arith.extui %sign3A_177 : i1 to i32
    %sign3A_179 = arith.subi %sign3A_175, %sign3A_178 : i32
    %sign3A_180 = arith.constant 0 : i32
    %sign3A_181 = arith.cmpi sgt, %jit3A_171, %sign3A_180 : i32
    %sign3A_182 = arith.extui %sign3A_181 : i1 to i32
    %sign3A_183 = arith.constant 0 : i32
    %sign3A_184 = arith.cmpi slt, %jit3A_171, %sign3A_183 : i32
    %sign3A_185 = arith.extui %sign3A_184 : i1 to i32
    %sign3A_186 = arith.subi %sign3A_182, %sign3A_185 : i32
    %ne3A_187 = arith.cmpi ne, %sign3A_179, %sign3A_186 : i32
    %rem3A_188 = arith.remsi %sub3A_170, %jit3A_171 : i32
    %ne3A_189 = arith.constant 0 : i32
    %ne3A_190 = arith.cmpi ne, %rem3A_188, %ne3A_189 : i32
    %and3A_191 = arith.andi %ne3A_187, %ne3A_190 : i1
    %sub3A_192 = arith.constant 1 : i32
    %sub3A_193 = arith.subi %div3A_172, %sub3A_192 : i32
    %select_n3A_194 = arith.select %and3A_191, %sub3A_193, %div3A_172 : i32
    %mul3A_195 = arith.constant 16 : i32
    %mul3A_196 = arith.muli %select_n3A_194, %mul3A_195 : i32
    %get3A_197 = arith.index_cast %mul3A_196 : i32 to index
    %get3A_198 = tpu.vector_load %arg11[%get3A_197] {strides = array<i32>} : memref<128xf32, #tpu.memory_space<vmem>>, vector<16xf32>,
    %get3A_199 = arith.index_cast %mul3A_196 : i32 to index
    %get3A_200 = tpu.vector_load %arg12[%get3A_199] {strides = array<i32>} : memref<128xi32, #tpu.memory_space<vmem>>, vector<16xi32>,
    %sub3A_201 = arith.subi %sub3A_170, %mul3A_196 : i32
    %eq3A_202 = vector.broadcast %sub3A_201 : i32 to vector<16xi32>
    %eq3A_203 = arith.cmpi eq, %iota3A, %eq3A_202 : vector<16xi32>
    %ne3A_204 = arith.constant 0 : i32
    %ne3A_205 = vector.broadcast %ne3A_204 : i32 to vector<16xi32>
    %ne3A_206 = arith.cmpi ne, %get3A_200, %ne3A_205 : vector<16xi32>
    %and3A_207 = arith.andi %eq3A_203, %ne3A_206 : vector<16xi1>
    %select_n3A_208 = arith.select %and3A_207, %get3A_198, %broadcast_in_dim3A_1 : vector<16xi1>, vector<16xf32>
    %reduce_max3A_209 = arith.constant true
    %reduce_max3A_210 = vector.broadcast %reduce_max3A_209 : i1 to vector<16xi1>
    %reduce_max3A_211 = tpu.scan <max>, %select_n3A_208 masked %reduce_max3A_210 : vector<16xf32>, vector<16xi1> -> vector<16xf32>
    %reduce_max3A_212 = vector.extract %reduce_max3A_211[15] : f32 from vector<16xf32>
    %eq3A_213 = arith.constant 1 : i32
    %eq3A_214 = vector.broadcast %eq3A_213 : i32 to vector<16xi32>
    %eq3A_215 = arith.cmpi eq, %iota3A, %eq3A_214 : vector<16xi32>
    %broadcast_in_dim3A_216 = vector.broadcast %reduce_max3A_212 : f32 to vector<16xf32>
    %select_n3A_217 = arith.select %eq3A_215, %broadcast_in_dim3A_216, %select_n3A_124 : vector<16xi1>, vector<16xf32>
    %mul3A_218 = arith.constant 4 : i32
    %mul3A_219 = arith.muli %add3A, %mul3A_218 : i32
    %add3A_220 = arith.constant 2 : i32
    %add3A_221 = arith.addi %mul3A_219, %add3A_220 : i32
    %eq3A_222 = arith.constant 2 : i32
    %eq3A_223 = vector.broadcast %eq3A_222 : i32 to vector<16xi32>
    %eq3A_224 = arith.cmpi eq, %iota3A, %eq3A_223 : vector<16xi32>
    %jit3A_225 = arith.constant 0 : i32
    %broadcast_in_dim3A_226 = vector.broadcast %jit3A_225 : i32 to vector<16xi32>
    %select_n3A_227 = arith.select %eq3A_224, %gather3A, %broadcast_in_dim3A_226 : vector<16xi1>, vector<16xi32>
    %reduce_max3A_228 = arith.constant true
    %reduce_max3A_229 = vector.broadcast %reduce_max3A_228 : i1 to vector<16xi1>
    %reduce_max3A_230 = arith.constant -2147483648 : i32
    %reduce_max3A_231 = vector.broadcast %reduce_max3A_230 : i32 to vector<16xi32>
    %reduce_max3A_232 = arith.xori %select_n3A_227, %reduce_max3A_231 : vector<16xi32>
    %reduce_max3A_233 = tpu.scan <max>, %reduce_max3A_232 masked %reduce_max3A_229 : vector<16xi32>, vector<16xi1> -> vector<16xi32>
    %reduce_max3A_234 = arith.xori %reduce_max3A_233, %reduce_max3A_231 : vector<16xi32>
    %reduce_max3A_235 = vector.extract %reduce_max3A_234[15] : i32 from vector<16xi32>
    %jit3A_236 = arith.constant 128 : i32
    %div3A_237 = arith.divsi %reduce_max3A_235, %jit3A_236 : i32
    %sign3A_238 = arith.constant 0 : i32
    %sign3A_239 = arith.cmpi sgt, %reduce_max3A_235, %sign3A_238 : i32
    %sign3A_240 = arith.extui %sign3A_239 : i1 to i32
    %sign3A_241 = arith.constant 0 : i32
    %sign3A_242 = arith.cmpi slt, %reduce_max3A_235, %sign3A_241 : i32
    %sign3A_243 = arith.extui %sign3A_242 : i1 to i32
    %sign3A_244 = arith.subi %sign3A_240, %sign3A_243 : i32
    %sign3A_245 = arith.constant 0 : i32
    %sign3A_246 = arith.cmpi sgt, %jit3A_236, %sign3A_245 : i32
    %sign3A_247 = arith.extui %sign3A_246 : i1 to i32
    %sign3A_248 = arith.constant 0 : i32
    %sign3A_249 = arith.cmpi slt, %jit3A_236, %sign3A_248 : i32
    %sign3A_250 = arith.extui %sign3A_249 : i1 to i32
    %sign3A_251 = arith.subi %sign3A_247, %sign3A_250 : i32
    %ne3A_252 = arith.cmpi ne, %sign3A_244, %sign3A_251 : i32
    %rem3A_253 = arith.remsi %reduce_max3A_235, %jit3A_236 : i32
    %ne3A_254 = arith.constant 0 : i32
    %ne3A_255 = arith.cmpi ne, %rem3A_253, %ne3A_254 : i32
    %and3A_256 = arith.andi %ne3A_252, %ne3A_255 : i1
    %sub3A_257 = arith.constant 1 : i32
    %sub3A_258 = arith.subi %div3A_237, %sub3A_257 : i32
    %select_n3A_259 = arith.select %and3A_256, %sub3A_258, %div3A_237 : i32
    %mul3A_260 = arith.constant 128 : i32
    %mul3A_261 = arith.muli %select_n3A_259, %mul3A_260 : i32
    %multiple_of3A_262 = tpu.assume_multiple %mul3A_261, 128 : i32
    "tpu.region"() ({
      %run_scoped3A = tpu.sem_alloc : memref<!tpu.dma_semaphore, #tpu.memory_space<semaphore_mem>>
      %dma_start3A_463 = tpu.memref_slice %arg2[%add3A_221, %multiple_of3A_262] : memref<128x100000xf32, #tpu.memory_space<hbm>> -> memref<1x128xf32, #tpu.memory_space<hbm>>
      %dma_start3A_464 = tpu.memref_squeeze %dma_start3A_463 : memref<1x128xf32, #tpu.memory_space<hbm>> -> memref<128xf32, #tpu.memory_space<hbm>>
      %dma_start3A_465 = tpu.memref_slice %arg2[%add3A_221, %multiple_of3A_262] : memref<128x100000xf32, #tpu.memory_space<hbm>> -> memref<1x128xf32, #tpu.memory_space<hbm>>
      %dma_start3A_466 = tpu.memref_squeeze %dma_start3A_465 : memref<1x128xf32, #tpu.memory_space<hbm>> -> memref<128xf32, #tpu.memory_space<hbm>>
      tpu.enqueue_dma source(%dma_start3A_466 : memref<128xf32, #tpu.memory_space<hbm>>) target(%arg11 : memref<128xf32, #tpu.memory_space<vmem>>) target_semaphore(%run_scoped3A : memref<!tpu.dma_semaphore, #tpu.memory_space<semaphore_mem>>)
      %dma_wait3A = tpu.memref_slice %arg2[%add3A_221, %multiple_of3A_262] : memref<128x100000xf32, #tpu.memory_space<hbm>> -> memref<1x128xf32, #tpu.memory_space<hbm>>
      %dma_wait3A_467 = tpu.memref_squeeze %dma_wait3A : memref<1x128xf32, #tpu.memory_space<hbm>> -> memref<128xf32, #tpu.memory_space<hbm>>
      %dma_wait3A_468 = tpu.memref_slice %arg2[%add3A_221, %multiple_of3A_262] : memref<128x100000xf32, #tpu.memory_space<hbm>> -> memref<1x128xf32, #tpu.memory_space<hbm>>
      %dma_wait3A_469 = tpu.memref_squeeze %dma_wait3A_468 : memref<1x128xf32, #tpu.memory_space<hbm>> -> memref<128xf32, #tpu.memory_space<hbm>>
      tpu.wait_dma2 semaphore(%run_scoped3A : memref<!tpu.dma_semaphore, #tpu.memory_space<semaphore_mem>>) src(%dma_wait3A_469 : memref<128xf32, #tpu.memory_space<hbm>>) dst(%arg11 : memref<128xf32, #tpu.memory_space<vmem>>)
      tpu.yield
    }) : () -> ()
    "tpu.region"() ({
      %run_scoped3A = tpu.sem_alloc : memref<!tpu.dma_semaphore, #tpu.memory_space<semaphore_mem>>
      %dma_start3A_463 = tpu.memref_slice %arg3[%add3A_221, %multiple_of3A_262] : memref<128x100000xi32, #tpu.memory_space<hbm>> -> memref<1x128xi32, #tpu.memory_space<hbm>>
      %dma_start3A_464 = tpu.memref_squeeze %dma_start3A_463 : memref<1x128xi32, #tpu.memory_space<hbm>> -> memref<128xi32, #tpu.memory_space<hbm>>
      %dma_start3A_465 = tpu.memref_slice %arg3[%add3A_221, %multiple_of3A_262] : memref<128x100000xi32, #tpu.memory_space<hbm>> -> memref<1x128xi32, #tpu.memory_space<hbm>>
      %dma_start3A_466 = tpu.memref_squeeze %dma_start3A_465 : memref<1x128xi32, #tpu.memory_space<hbm>> -> memref<128xi32, #tpu.memory_space<hbm>>
      tpu.enqueue_dma source(%dma_start3A_466 : memref<128xi32, #tpu.memory_space<hbm>>) target(%arg12 : memref<128xi32, #tpu.memory_space<vmem>>) target_semaphore(%run_scoped3A : memref<!tpu.dma_semaphore, #tpu.memory_space<semaphore_mem>>)
      %dma_wait3A = tpu.memref_slice %arg3[%add3A_221, %multiple_of3A_262] : memref<128x100000xi32, #tpu.memory_space<hbm>> -> memref<1x128xi32, #tpu.memory_space<hbm>>
      %dma_wait3A_467 = tpu.memref_squeeze %dma_wait3A : memref<1x128xi32, #tpu.memory_space<hbm>> -> memref<128xi32, #tpu.memory_space<hbm>>
      %dma_wait3A_468 = tpu.memref_slice %arg3[%add3A_221, %multiple_of3A_262] : memref<128x100000xi32, #tpu.memory_space<hbm>> -> memref<1x128xi32, #tpu.memory_space<hbm>>
      %dma_wait3A_469 = tpu.memref_squeeze %dma_wait3A_468 : memref<1x128xi32, #tpu.memory_space<hbm>> -> memref<128xi32, #tpu.memory_space<hbm>>
      tpu.wait_dma2 semaphore(%run_scoped3A : memref<!tpu.dma_semaphore, #tpu.memory_space<semaphore_mem>>) src(%dma_wait3A_469 : memref<128xi32, #tpu.memory_space<hbm>>) dst(%arg12 : memref<128xi32, #tpu.memory_space<vmem>>)
      tpu.yield
    }) : () -> ()
    %sub3A_263 = arith.subi %reduce_max3A_235, %multiple_of3A_262 : i32
    %jit3A_264 = arith.constant 16 : i32
    %div3A_265 = arith.divsi %sub3A_263, %jit3A_264 : i32
    %sign3A_266 = arith.constant 0 : i32
    %sign3A_267 = arith.cmpi sgt, %sub3A_263, %sign3A_266 : i32
    %sign3A_268 = arith.extui %sign3A_267 : i1 to i32
    %sign3A_269 = arith.constant 0 : i32
    %sign3A_270 = arith.cmpi slt, %sub3A_263, %sign3A_269 : i32
    %sign3A_271 = arith.extui %sign3A_270 : i1 to i32
    %sign3A_272 = arith.subi %sign3A_268, %sign3A_271 : i32
    %sign3A_273 = arith.constant 0 : i32
    %sign3A_274 = arith.cmpi sgt, %jit3A_264, %sign3A_273 : i32
    %sign3A_275 = arith.extui %sign3A_274 : i1 to i32
    %sign3A_276 = arith.constant 0 : i32
    %sign3A_277 = arith.cmpi slt, %jit3A_264, %sign3A_276 : i32
    %sign3A_278 = arith.extui %sign3A_277 : i1 to i32
    %sign3A_279 = arith.subi %sign3A_275, %sign3A_278 : i32
    %ne3A_280 = arith.cmpi ne, %sign3A_272, %sign3A_279 : i32
    %rem3A_281 = arith.remsi %sub3A_263, %jit3A_264 : i32
    %ne3A_282 = arith.constant 0 : i32
    %ne3A_283 = arith.cmpi ne, %rem3A_281, %ne3A_282 : i32
    %and3A_284 = arith.andi %ne3A_280, %ne3A_283 : i1
    %sub3A_285 = arith.constant 1 : i32
    %sub3A_286 = arith.subi %div3A_265, %sub3A_285 : i32
    %select_n3A_287 = arith.select %and3A_284, %sub3A_286, %div3A_265 : i32
    %mul3A_288 = arith.constant 16 : i32
    %mul3A_289 = arith.muli %select_n3A_287, %mul3A_288 : i32
    %get3A_290 = arith.index_cast %mul3A_289 : i32 to index
    %get3A_291 = tpu.vector_load %arg11[%get3A_290] {strides = array<i32>} : memref<128xf32, #tpu.memory_space<vmem>>, vector<16xf32>,
    %get3A_292 = arith.index_cast %mul3A_289 : i32 to index
    %get3A_293 = tpu.vector_load %arg12[%get3A_292] {strides = array<i32>} : memref<128xi32, #tpu.memory_space<vmem>>, vector<16xi32>,
    %sub3A_294 = arith.subi %sub3A_263, %mul3A_289 : i32
    %eq3A_295 = vector.broadcast %sub3A_294 : i32 to vector<16xi32>
    %eq3A_296 = arith.cmpi eq, %iota3A, %eq3A_295 : vector<16xi32>
    %ne3A_297 = arith.constant 0 : i32
    %ne3A_298 = vector.broadcast %ne3A_297 : i32 to vector<16xi32>
    %ne3A_299 = arith.cmpi ne, %get3A_293, %ne3A_298 : vector<16xi32>
    %and3A_300 = arith.andi %eq3A_296, %ne3A_299 : vector<16xi1>
    %select_n3A_301 = arith.select %and3A_300, %get3A_291, %broadcast_in_dim3A_1 : vector<16xi1>, vector<16xf32>
    %reduce_max3A_302 = arith.constant true
    %reduce_max3A_303 = vector.broadcast %reduce_max3A_302 : i1 to vector<16xi1>
    %reduce_max3A_304 = tpu.scan <max>, %select_n3A_301 masked %reduce_max3A_303 : vector<16xf32>, vector<16xi1> -> vector<16xf32>
    %reduce_max3A_305 = vector.extract %reduce_max3A_304[15] : f32 from vector<16xf32>
    %eq3A_306 = arith.constant 2 : i32
    %eq3A_307 = vector.broadcast %eq3A_306 : i32 to vector<16xi32>
    %eq3A_308 = arith.cmpi eq, %iota3A, %eq3A_307 : vector<16xi32>
    %broadcast_in_dim3A_309 = vector.broadcast %reduce_max3A_305 : f32 to vector<16xf32>
    %select_n3A_310 = arith.select %eq3A_308, %broadcast_in_dim3A_309, %select_n3A_217 : vector<16xi1>, vector<16xf32>
    %mul3A_311 = arith.constant 4 : i32
    %mul3A_312 = arith.muli %add3A, %mul3A_311 : i32
    %add3A_313 = arith.constant 3 : i32
    %add3A_314 = arith.addi %mul3A_312, %add3A_313 : i32
    %eq3A_315 = arith.constant 3 : i32
    %eq3A_316 = vector.broadcast %eq3A_315 : i32 to vector<16xi32>
    %eq3A_317 = arith.cmpi eq, %iota3A, %eq3A_316 : vector<16xi32>
    %jit3A_318 = arith.constant 0 : i32
    %broadcast_in_dim3A_319 = vector.broadcast %jit3A_318 : i32 to vector<16xi32>
    %select_n3A_320 = arith.select %eq3A_317, %gather3A, %broadcast_in_dim3A_319 : vector<16xi1>, vector<16xi32>
    %reduce_max3A_321 = arith.constant true
    %reduce_max3A_322 = vector.broadcast %reduce_max3A_321 : i1 to vector<16xi1>
    %reduce_max3A_323 = arith.constant -2147483648 : i32
    %reduce_max3A_324 = vector.broadcast %reduce_max3A_323 : i32 to vector<16xi32>
    %reduce_max3A_325 = arith.xori %select_n3A_320, %reduce_max3A_324 : vector<16xi32>
    %reduce_max3A_326 = tpu.scan <max>, %reduce_max3A_325 masked %reduce_max3A_322 : vector<16xi32>, vector<16xi1> -> vector<16xi32>
    %reduce_max3A_327 = arith.xori %reduce_max3A_326, %reduce_max3A_324 : vector<16xi32>
    %reduce_max3A_328 = vector.extract %reduce_max3A_327[15] : i32 from vector<16xi32>
    %jit3A_329 = arith.constant 128 : i32
    %div3A_330 = arith.divsi %reduce_max3A_328, %jit3A_329 : i32
    %sign3A_331 = arith.constant 0 : i32
    %sign3A_332 = arith.cmpi sgt, %reduce_max3A_328, %sign3A_331 : i32
    %sign3A_333 = arith.extui %sign3A_332 : i1 to i32
    %sign3A_334 = arith.constant 0 : i32
    %sign3A_335 = arith.cmpi slt, %reduce_max3A_328, %sign3A_334 : i32
    %sign3A_336 = arith.extui %sign3A_335 : i1 to i32
    %sign3A_337 = arith.subi %sign3A_333, %sign3A_336 : i32
    %sign3A_338 = arith.constant 0 : i32
    %sign3A_339 = arith.cmpi sgt, %jit3A_329, %sign3A_338 : i32
    %sign3A_340 = arith.extui %sign3A_339 : i1 to i32
    %sign3A_341 = arith.constant 0 : i32
    %sign3A_342 = arith.cmpi slt, %jit3A_329, %sign3A_341 : i32
    %sign3A_343 = arith.extui %sign3A_342 : i1 to i32
    %sign3A_344 = arith.subi %sign3A_340, %sign3A_343 : i32
    %ne3A_345 = arith.cmpi ne, %sign3A_337, %sign3A_344 : i32
    %rem3A_346 = arith.remsi %reduce_max3A_328, %jit3A_329 : i32
    %ne3A_347 = arith.constant 0 : i32
    %ne3A_348 = arith.cmpi ne, %rem3A_346, %ne3A_347 : i32
    %and3A_349 = arith.andi %ne3A_345, %ne3A_348 : i1
    %sub3A_350 = arith.constant 1 : i32
    %sub3A_351 = arith.subi %div3A_330, %sub3A_350 : i32
    %select_n3A_352 = arith.select %and3A_349, %sub3A_351, %div3A_330 : i32
    %mul3A_353 = arith.constant 128 : i32
    %mul3A_354 = arith.muli %select_n3A_352, %mul3A_353 : i32
    %multiple_of3A_355 = tpu.assume_multiple %mul3A_354, 128 : i32
    "tpu.region"() ({
      %run_scoped3A = tpu.sem_alloc : memref<!tpu.dma_semaphore, #tpu.memory_space<semaphore_mem>>
      %dma_start3A_463 = tpu.memref_slice %arg2[%add3A_314, %multiple_of3A_355] : memref<128x100000xf32, #tpu.memory_space<hbm>> -> memref<1x128xf32, #tpu.memory_space<hbm>>
      %dma_start3A_464 = tpu.memref_squeeze %dma_start3A_463 : memref<1x128xf32, #tpu.memory_space<hbm>> -> memref<128xf32, #tpu.memory_space<hbm>>
      %dma_start3A_465 = tpu.memref_slice %arg2[%add3A_314, %multiple_of3A_355] : memref<128x100000xf32, #tpu.memory_space<hbm>> -> memref<1x128xf32, #tpu.memory_space<hbm>>
      %dma_start3A_466 = tpu.memref_squeeze %dma_start3A_465 : memref<1x128xf32, #tpu.memory_space<hbm>> -> memref<128xf32, #tpu.memory_space<hbm>>
      tpu.enqueue_dma source(%dma_start3A_466 : memref<128xf32, #tpu.memory_space<hbm>>) target(%arg11 : memref<128xf32, #tpu.memory_space<vmem>>) target_semaphore(%run_scoped3A : memref<!tpu.dma_semaphore, #tpu.memory_space<semaphore_mem>>)
      %dma_wait3A = tpu.memref_slice %arg2[%add3A_314, %multiple_of3A_355] : memref<128x100000xf32, #tpu.memory_space<hbm>> -> memref<1x128xf32, #tpu.memory_space<hbm>>
      %dma_wait3A_467 = tpu.memref_squeeze %dma_wait3A : memref<1x128xf32, #tpu.memory_space<hbm>> -> memref<128xf32, #tpu.memory_space<hbm>>
      %dma_wait3A_468 = tpu.memref_slice %arg2[%add3A_314, %multiple_of3A_355] : memref<128x100000xf32, #tpu.memory_space<hbm>> -> memref<1x128xf32, #tpu.memory_space<hbm>>
      %dma_wait3A_469 = tpu.memref_squeeze %dma_wait3A_468 : memref<1x128xf32, #tpu.memory_space<hbm>> -> memref<128xf32, #tpu.memory_space<hbm>>
      tpu.wait_dma2 semaphore(%run_scoped3A : memref<!tpu.dma_semaphore, #tpu.memory_space<semaphore_mem>>) src(%dma_wait3A_469 : memref<128xf32, #tpu.memory_space<hbm>>) dst(%arg11 : memref<128xf32, #tpu.memory_space<vmem>>)
      tpu.yield
    }) : () -> ()
    "tpu.region"() ({
      %run_scoped3A = tpu.sem_alloc : memref<!tpu.dma_semaphore, #tpu.memory_space<semaphore_mem>>
      %dma_start3A_463 = tpu.memref_slice %arg3[%add3A_314, %multiple_of3A_355] : memref<128x100000xi32, #tpu.memory_space<hbm>> -> memref<1x128xi32, #tpu.memory_space<hbm>>
      %dma_start3A_464 = tpu.memref_squeeze %dma_start3A_463 : memref<1x128xi32, #tpu.memory_space<hbm>> -> memref<128xi32, #tpu.memory_space<hbm>>
      %dma_start3A_465 = tpu.memref_slice %arg3[%add3A_314, %multiple_of3A_355] : memref<128x100000xi32, #tpu.memory_space<hbm>> -> memref<1x128xi32, #tpu.memory_space<hbm>>
      %dma_start3A_466 = tpu.memref_squeeze %dma_start3A_465 : memref<1x128xi32, #tpu.memory_space<hbm>> -> memref<128xi32, #tpu.memory_space<hbm>>
      tpu.enqueue_dma source(%dma_start3A_466 : memref<128xi32, #tpu.memory_space<hbm>>) target(%arg12 : memref<128xi32, #tpu.memory_space<vmem>>) target_semaphore(%run_scoped3A : memref<!tpu.dma_semaphore, #tpu.memory_space<semaphore_mem>>)
      %dma_wait3A = tpu.memref_slice %arg3[%add3A_314, %multiple_of3A_355] : memref<128x100000xi32, #tpu.memory_space<hbm>> -> memref<1x128xi32, #tpu.memory_space<hbm>>
      %dma_wait3A_467 = tpu.memref_squeeze %dma_wait3A : memref<1x128xi32, #tpu.memory_space<hbm>> -> memref<128xi32, #tpu.memory_space<hbm>>
      %dma_wait3A_468 = tpu.memref_slice %arg3[%add3A_314, %multiple_of3A_355] : memref<128x100000xi32, #tpu.memory_space<hbm>> -> memref<1x128xi32, #tpu.memory_space<hbm>>
      %dma_wait3A_469 = tpu.memref_squeeze %dma_wait3A_468 : memref<1x128xi32, #tpu.memory_space<hbm>> -> memref<128xi32, #tpu.memory_space<hbm>>
      tpu.wait_dma2 semaphore(%run_scoped3A : memref<!tpu.dma_semaphore, #tpu.memory_space<semaphore_mem>>) src(%dma_wait3A_469 : memref<128xi32, #tpu.memory_space<hbm>>) dst(%arg12 : memref<128xi32, #tpu.memory_space<vmem>>)
      tpu.yield
    }) : () -> ()
    %sub3A_356 = arith.subi %reduce_max3A_328, %multiple_of3A_355 : i32
    %jit3A_357 = arith.constant 16 : i32
    %div3A_358 = arith.divsi %sub3A_356, %jit3A_357 : i32
    %sign3A_359 = arith.constant 0 : i32
    %sign3A_360 = arith.cmpi sgt, %sub3A_356, %sign3A_359 : i32
    %sign3A_361 = arith.extui %sign3A_360 : i1 to i32
    %sign3A_362 = arith.constant 0 : i32
    %sign3A_363 = arith.cmpi slt, %sub3A_356, %sign3A_362 : i32
    %sign3A_364 = arith.extui %sign3A_363 : i1 to i32
    %sign3A_365 = arith.subi %sign3A_361, %sign3A_364 : i32
    %sign3A_366 = arith.constant 0 : i32
    %sign3A_367 = arith.cmpi sgt, %jit3A_357, %sign3A_366 : i32
    %sign3A_368 = arith.extui %sign3A_367 : i1 to i32
    %sign3A_369 = arith.constant 0 : i32
    %sign3A_370 = arith.cmpi slt, %jit3A_357, %sign3A_369 : i32
    %sign3A_371 = arith.extui %sign3A_370 : i1 to i32
    %sign3A_372 = arith.subi %sign3A_368, %sign3A_371 : i32
    %ne3A_373 = arith.cmpi ne, %sign3A_365, %sign3A_372 : i32
    %rem3A_374 = arith.remsi %sub3A_356, %jit3A_357 : i32
    %ne3A_375 = arith.constant 0 : i32
    %ne3A_376 = arith.cmpi ne, %rem3A_374, %ne3A_375 : i32
    %and3A_377 = arith.andi %ne3A_373, %ne3A_376 : i1
    %sub3A_378 = arith.constant 1 : i32
    %sub3A_379 = arith.subi %div3A_358, %sub3A_378 : i32
    %select_n3A_380 = arith.select %and3A_377, %sub3A_379, %div3A_358 : i32
    %mul3A_381 = arith.constant 16 : i32
    %mul3A_382 = arith.muli %select_n3A_380, %mul3A_381 : i32
    %get3A_383 = arith.index_cast %mul3A_382 : i32 to index
    %get3A_384 = tpu.vector_load %arg11[%get3A_383] {strides = array<i32>} : memref<128xf32, #tpu.memory_space<vmem>>, vector<16xf32>,
    %get3A_385 = arith.index_cast %mul3A_382 : i32 to index
    %get3A_386 = tpu.vector_load %arg12[%get3A_385] {strides = array<i32>} : memref<128xi32, #tpu.memory_space<vmem>>, vector<16xi32>,
    %sub3A_387 = arith.subi %sub3A_356, %mul3A_382 : i32
    %eq3A_388 = vector.broadcast %sub3A_387 : i32 to vector<16xi32>
    %eq3A_389 = arith.cmpi eq, %iota3A, %eq3A_388 : vector<16xi32>
    %ne3A_390 = arith.constant 0 : i32
    %ne3A_391 = vector.broadcast %ne3A_390 : i32 to vector<16xi32>
    %ne3A_392 = arith.cmpi ne, %get3A_386, %ne3A_391 : vector<16xi32>
    %and3A_393 = arith.andi %eq3A_389, %ne3A_392 : vector<16xi1>
    %select_n3A_394 = arith.select %and3A_393, %get3A_384, %broadcast_in_dim3A_1 : vector<16xi1>, vector<16xf32>
    %reduce_max3A_395 = arith.constant true
    %reduce_max3A_396 = vector.broadcast %reduce_max3A_395 : i1 to vector<16xi1>
    %reduce_max3A_397 = tpu.scan <max>, %select_n3A_394 masked %reduce_max3A_396 : vector<16xf32>, vector<16xi1> -> vector<16xf32>
    %reduce_max3A_398 = vector.extract %reduce_max3A_397[15] : f32 from vector<16xf32>
    %eq3A_399 = arith.constant 3 : i32
    %eq3A_400 = vector.broadcast %eq3A_399 : i32 to vector<16xi32>
    %eq3A_401 = arith.cmpi eq, %iota3A, %eq3A_400 : vector<16xi32>
    %broadcast_in_dim3A_402 = vector.broadcast %reduce_max3A_398 : f32 to vector<16xf32>
    %select_n3A_403 = arith.select %eq3A_401, %broadcast_in_dim3A_402, %select_n3A_310 : vector<16xi1>, vector<16xf32>
    %bitcast3A = vector.bitcast %scan3A_35#1 : vector<16xf32> to vector<16xi32>
    %shift_right_logical3A = arith.constant 23 : i32
    %shift_right_logical3A_404 = vector.broadcast %shift_right_logical3A : i32 to vector<16xi32>
    %shift_right_logical3A_405 = arith.shrui %bitcast3A, %shift_right_logical3A_404 : vector<16xi32>
    %and3A_406 = arith.constant 255 : i32
    %and3A_407 = vector.broadcast %and3A_406 : i32 to vector<16xi32>
    %and3A_408 = arith.andi %shift_right_logical3A_405, %and3A_407 : vector<16xi32>
    %sub3A_409 = arith.constant 127 : i32
    %sub3A_410 = vector.broadcast %sub3A_409 : i32 to vector<16xi32>
    %sub3A_411 = arith.subi %and3A_408, %sub3A_410 : vector<16xi32>
    %and3A_412 = arith.constant 8388607 : i32
    %and3A_413 = vector.broadcast %and3A_412 : i32 to vector<16xi32>
    %and3A_414 = arith.andi %bitcast3A, %and3A_413 : vector<16xi32>
    %or3A = arith.constant 1065353216 : i32
    %or3A_415 = vector.broadcast %or3A : i32 to vector<16xi32>
    %or3A_416 = arith.ori %and3A_414, %or3A_415 : vector<16xi32>
    %bitcast3A_417 = vector.bitcast %or3A_416 : vector<16xi32> to vector<16xf32>
    %gt3A = arith.constant 1.41421354 : f32
    %gt3A_418 = vector.broadcast %gt3A : f32 to vector<16xf32>
    %gt3A_419 = arith.cmpf ogt, %bitcast3A_417, %gt3A_418 : vector<16xf32>
    %mul3A_420 = arith.constant 5.000000e-01 : f32
    %mul3A_421 = vector.broadcast %mul3A_420 : f32 to vector<16xf32>
    %mul3A_422 = arith.mulf %bitcast3A_417, %mul3A_421 : vector<16xf32>
    %select_n3A_423 = arith.select %gt3A_419, %mul3A_422, %bitcast3A_417 : vector<16xi1>, vector<16xf32>
    %add3A_424 = arith.constant 1 : i32
    %add3A_425 = vector.broadcast %add3A_424 : i32 to vector<16xi32>
    %add3A_426 = arith.addi %sub3A_411, %add3A_425 : vector<16xi32>
    %select_n3A_427 = arith.select %gt3A_419, %add3A_426, %sub3A_411 : vector<16xi1>, vector<16xi32>
    %sub3A_428 = arith.constant 1.000000e+00 : f32
    %sub3A_429 = vector.broadcast %sub3A_428 : f32 to vector<16xf32>
    %sub3A_430 = arith.subf %select_n3A_423, %sub3A_429 : vector<16xf32>
    %add3A_431 = arith.constant 1.000000e+00 : f32
    %add3A_432 = vector.broadcast %add3A_431 : f32 to vector<16xf32>
    %add3A_433 = arith.addf %select_n3A_423, %add3A_432 : vector<16xf32>
    %div3A_434 = arith.divf %sub3A_430, %add3A_433 : vector<16xf32>
    %mul3A_435 = arith.mulf %div3A_434, %div3A_434 : vector<16xf32>
    %mul3A_436 = arith.constant 2.000000e+00 : f32
    %mul3A_437 = vector.broadcast %mul3A_436 : f32 to vector<16xf32>
    %mul3A_438 = arith.mulf %mul3A_437, %div3A_434 : vector<16xf32>
    %mul3A_439 = arith.constant 0.142857149 : f32
    %mul3A_440 = vector.broadcast %mul3A_439 : f32 to vector<16xf32>
    %mul3A_441 = arith.mulf %mul3A_435, %mul3A_440 : vector<16xf32>
    %add3A_442 = arith.constant 2.000000e-01 : f32
    %add3A_443 = vector.broadcast %add3A_442 : f32 to vector<16xf32>
    %add3A_444 = arith.addf %add3A_443, %mul3A_441 : vector<16xf32>
    %mul3A_445 = arith.mulf %mul3A_435, %add3A_444 : vector<16xf32>
    %add3A_446 = arith.constant 0.333333343 : f32
    %add3A_447 = vector.broadcast %add3A_446 : f32 to vector<16xf32>
    %add3A_448 = arith.addf %add3A_447, %mul3A_445 : vector<16xf32>
    %mul3A_449 = arith.mulf %mul3A_435, %add3A_448 : vector<16xf32>
    %add3A_450 = arith.constant 1.000000e+00 : f32
    %add3A_451 = vector.broadcast %add3A_450 : f32 to vector<16xf32>
    %add3A_452 = arith.addf %add3A_451, %mul3A_449 : vector<16xf32>
    %mul3A_453 = arith.mulf %mul3A_438, %add3A_452 : vector<16xf32>
    %convert_element_type3A = arith.sitofp %select_n3A_427 : vector<16xi32> to vector<16xf32>
    %mul3A_454 = arith.constant 0.693147182 : f32
    %mul3A_455 = vector.broadcast %mul3A_454 : f32 to vector<16xf32>
    %mul3A_456 = arith.mulf %convert_element_type3A, %mul3A_455 : vector<16xf32>
    %add3A_457 = arith.addf %mul3A_456, %mul3A_453 : vector<16xf32>
    %add3A_458 = arith.addf %scan3A_35#0, %add3A_457 : vector<16xf32>
    %sub3A_459 = arith.subf %select_n3A_403, %add3A_458 : vector<16xf32>
    %swap3A = arith.constant 0 : index
    %swap3A_460 = tpu.vector_load %arg15[%swap3A] {strides = array<i32>} : memref<16xf32, #tpu.memory_space<vmem>>, vector<16xf32>,
    tpu.vector_store %arg15[%swap3A], %sub3A_459 {strides = array<i32>} : memref<16xf32, #tpu.memory_space<vmem>>, vector<16xf32>,
    %mul3A_461 = arith.constant 16 : i32
    %mul3A_462 = arith.muli %add3A, %mul3A_461 : i32
    "tpu.region"() ({
      %run_scoped3A = tpu.sem_alloc : memref<!tpu.dma_semaphore, #tpu.memory_space<semaphore_mem>>
      %dma_start3A_463 = tpu.memref_slice %arg5[%mul3A_462] : memref<512xf32, #tpu.memory_space<hbm>> -> memref<16xf32, #tpu.memory_space<hbm>>
      %dma_start3A_464 = tpu.memref_slice %arg5[%mul3A_462] : memref<512xf32, #tpu.memory_space<hbm>> -> memref<16xf32, #tpu.memory_space<hbm>>
      tpu.enqueue_dma source(%arg15 : memref<16xf32, #tpu.memory_space<vmem>>) target(%dma_start3A_464 : memref<16xf32, #tpu.memory_space<hbm>>) target_semaphore(%run_scoped3A : memref<!tpu.dma_semaphore, #tpu.memory_space<semaphore_mem>>)
      %dma_wait3A = tpu.memref_slice %arg5[%mul3A_462] : memref<512xf32, #tpu.memory_space<hbm>> -> memref<16xf32, #tpu.memory_space<hbm>>
      %dma_wait3A_465 = tpu.memref_slice %arg5[%mul3A_462] : memref<512xf32, #tpu.memory_space<hbm>> -> memref<16xf32, #tpu.memory_space<hbm>>
      tpu.wait_dma2 semaphore(%run_scoped3A : memref<!tpu.dma_semaphore, #tpu.memory_space<semaphore_mem>>) src(%arg15 : memref<16xf32, #tpu.memory_space<vmem>>) dst(%dma_wait3A_465 : memref<16xf32, #tpu.memory_space<hbm>>)
      tpu.yield
    }) : () -> ()
    return
  }
}

</mosaic_0001>

<sc_bundles>
// kernel: kernel.3.cloned.1.call-start
scs
__scs_entry_jumppad:
0x0: {  	(pc) =	sbr.rel $0x88, $3  }
0x1: {  	(tag) =	ssettag $0x0;
	lr =	simm.s32 $0x1  }
0x2: {  	[smem:$0x3F9E] =	sst lr;
	_ =	strace $0xD0000000  }
0x3: {  	_ = 	snop  }
0x4: {  	_ = 	snop  }
0x5: {  	_ = 	snop  }
0x6: {  	_ = 	snop  }
0x7: {  	_ = 	snop  }
__scs_overlays_trampoline_lowered:
0x8: {  	[smem:$0x3FAD] =	sst s0  }
0x9: {  	[smem:$0x3FAE] =	sst s1  }
0xa: {  	[smem:$0x3FAF] =	sst s2  }
0xb: {  	[smem:$0x3FB0] =	sst s3  }
0xc: {  	[smem:$0x3FB1] =	sst s4  }
0xd: {  	[smem:$0x3FB2] =	sst s5  }
0xe: {  	[smem:$0x3FB3] =	sst s6  }
0xf: {  	[smem:$0x3FB4] =	sst s7  }
0x10: {  	[smem:$0x3FB5] =	sst s8  }
0x11: {  	[smem:$0x3FB6] =	sst s9;
	s0 =	simm.s32 @!p0 $0x0  }
0x12: {  	s1 =	sld [smem:$0x3F9C];
	s0 =	simm.s32 @p0 $0x1  }
0x13: {  	[smem:$0x3FB7] =	sst s0;
	s0 =	simm.s32 @!p1 $0x0  }
0x14: {  	s2 =	sld [smem:$0x3F9B];
	s0 =	simm.s32 @p1 $0x1  }
0x15: {  	[smem:$0x3FB8] =	sst s0;
	s0 =	simm.s32 @!p2 $0x0  }
0x16: {  	s3 =	sld [smem:$0x3FDB];
	s0 =	simm.s32 @p2 $0x1  }
0x17: {  	s4 =	simm.s32 $0x1BF5;
	[smem:$0x3FBA] =	sst s0  }
0x18: {  	s0 =	sld [smem:$0x3F9D];
	_ =	swait.ge [sflag:s4], $0x0  }
0x19: {  	s7 =	sld [smem:$0x3F9E]  }
0x1a: {  	s8 =	sadd.s32 $0xFFFFE003, lr  }
0x1b: {  	s9 =	sadd.s32 $0xFFFFFEF7, lr;
	s5 =	simm.s32 $0xFFFFFFFF;
	p2 =	slt.u32 s8, $0xFFFFF086  }
0x1c: {  	p1 =	slt.u32 s9, $0xF7A;
	s5 =	simm.s32 @!p2 $0x0  }
0x1d: {  	s5 =	simm.s32 @p1 $0x1;
	p0 =	seq.s32 s7, s2  }
0x1e: {  	s7 =	smul.u32 @!p0 $0xF7A, s2;
	p2 =	seq.s32 @!p0 s5, $0x0  }
0x1f: {  	s9 =	smul.u32 $0xF7A, s1;
	s8 =	simm.s32 @!p0 $0x1BF5;
	p2 =	por !p2, p0  }
0x20: {  	[sflag:s8] =	ssyncset.s32 @!p0 $0xFFFFF086;
	s6 =	sadd.s32 @!p0 s3, s7;
	s7 =	simm.s32 @!p0 $0x108  }
0x21: {  	s3 =	sadd.s32 s3, s9;
	s6 =	sadd.s32 @!p0 $0x88, s6;
	s7 =	simm.s32 @p2 $0x1082  }
0x22: {  	[simem:s7], [sflag:s8] =	dma.local @!p0 [hbm:s6], $0xF7A  }
0x23: {  	s9 =	sor.u32 $0xD0000000, s2;
	s6 =	simm.s32 $0x108;
	_ =	swait.ge @!p0 [sflag:s8], $0x0  }
0x24: {  	s3 =	sadd.s32 $0x88, s3;
	s6 =	simm.s32 @!p1 $0x1082;
	[sflag:s4] =	ssyncset.s32 $0xFFFFF086  }
0x25: {  	[simem:s6], [sflag:s4] =	dma.local [hbm:s3], $0xF7A  }
0x26: {  	[smem:$0x3F9E] =	sst s1;
	(tag) =	ssettag s2;
	_ =	strace s9  }
0x27: {  	s1 =	sld [smem:$0x3FAE]  }
0x28: {  	s2 =	sld [smem:$0x3FAF]  }
0x29: {  	s4 =	sld [smem:$0x3FB1]  }
0x2a: {  	p0 =	seq.s32 s5, $0x0;
	s5 =	sld [smem:$0x3FB2]  }
0x2b: {  	s6 =	sld [smem:$0x3FB3]  }
0x2c: {  	s7 =	sld [smem:$0x3FB4]  }
0x2d: {  	s3 =	simm.s32 $0x108;
	s8 =	sld [smem:$0x3FB5]  }
0x2e: {  	s3 =	simm.s32 @!p0 $0x1082;
	s9 =	sld [smem:$0x3FB6]  }
0x2f: {  	lr =	sadd.s32 s0, s3;
	s0 =	sld [smem:$0x3FAD]  }
0x30: {  	s3 =	sld [smem:$0x3FB0]  }
0x31: {  	[smem:$0x3FB9] =	sst s10  }
0x32: {  	s10 =	sld [smem:$0x3FB7];
	_ =	sdelay $0x3  }
0x33: {  	p0 =	seq.s32 s10, $0x1;
	s10 =	sld [smem:$0x3FB9];
	_ =	sdelay $0x3  }
0x34: {  	[smem:$0x3FB9] =	sst s10  }
0x35: {  	s10 =	sld [smem:$0x3FB8];
	_ =	sdelay $0x3  }
0x36: {  	p1 =	seq.s32 s10, $0x1;
	s10 =	sld [smem:$0x3FB9];
	_ =	sdelay $0x3  }
0x37: {  	[smem:$0x3FB9] =	sst s10  }
0x38: {  	s10 =	sld [smem:$0x3FBA]  }
0x39: {  	_ = 	snop;
	(pc) =	sbr.ind lr, $3  }
0x3a: {  	_ = 	snop  }
0x3b: {  	_ = 	snop  }
0x3c: {  	p2 =	seq.s32 s10, $0x1;
	s10 =	sld [smem:$0x3FB9]  }
0x3d: {  	_ =	shalt  }
0x3e: {  	_ =	shalt  }
0x3f: {  	_ =	shalt  }
0x40: {  	_ =	shalt  }
0x41: {  	_ =	shalt  }
0x42: {  	_ =	shalt  }
0x43: {  	_ =	shalt  }
0x44: {  	_ =	shalt  }
0x45: {  	_ =	shalt  }
0x46: {  	_ =	shalt  }
0x47: {  	_ =	shalt  }
0x48: {  	_ =	shalt  }
0x49: {  	_ =	shalt  }
0x4a: {  	_ =	shalt  }
0x4b: {  	_ =	shalt  }
0x4c: {  	_ =	shalt  }
0x4d: {  	_ =	shalt  }
0x4e: {  	_ =	shalt  }
0x4f: {  	_ =	shalt  }
0x50: {  	_ =	shalt  }
0x51: {  	_ =	shalt  }
0x52: {  	_ =	shalt  }
0x53: {  	_ =	shalt  }
0x54: {  	_ =	shalt  }
0x55: {  	_ =	shalt  }
0x56: {  	_ =	shalt  }
0x57: {  	_ =	shalt  }
0x58: {  	_ =	shalt  }
0x59: {  	_ =	shalt  }
0x5a: {  	_ =	shalt  }
0x5b: {  	_ =	shalt  }
0x5c: {  	_ =	shalt  }
0x5d: {  	_ =	shalt  }
0x5e: {  	_ =	shalt  }
0x5f: {  	_ =	shalt  }
0x60: {  	_ =	shalt  }
0x61: {  	_ =	shalt  }
0x62: {  	_ =	shalt  }
0x63: {  	_ =	shalt  }
0x64: {  	_ =	shalt  }
0x65: {  	_ =	shalt  }
0x66: {  	_ =	shalt  }
0x67: {  	_ =	shalt  }
0x68: {  	_ =	shalt  }
0x69: {  	_ =	shalt  }
0x6a: {  	_ =	shalt  }
0x6b: {  	_ =	shalt  }
0x6c: {  	_ =	shalt  }
0x6d: {  	_ =	shalt  }
0x6e: {  	_ =	shalt  }
0x6f: {  	_ =	shalt  }
0x70: {  	_ =	shalt  }
0x71: {  	_ =	shalt  }
0x72: {  	_ =	shalt  }
0x73: {  	_ =	shalt  }
0x74: {  	_ =	shalt  }
0x75: {  	_ =	shalt  }
0x76: {  	_ =	shalt  }
0x77: {  	_ =	shalt  }
0x78: {  	_ =	shalt  }
0x79: {  	_ =	shalt  }
0x7a: {  	_ =	shalt  }
0x7b: {  	_ =	shalt  }
0x7c: {  	_ =	shalt  }
0x7d: {  	_ =	shalt  }
0x7e: {  	_ =	shalt  }
0x7f: {  	_ =	shalt  }
0x80: {  	_ =	shalt  }
0x81: {  	_ =	shalt  }
0x82: {  	_ =	shalt  }
0x83: {  	_ =	shalt  }
0x84: {  	_ =	shalt  }
0x85: {  	_ =	shalt  }
0x86: {  	_ =	shalt  }
0x87: {  	_ =	shalt  }
.Lfunc_end0:
.L_simem_size_0:
called_computation_lowered:
.L_overlay_start_0:
0x88: {  	s2 =	sld [smem:$0x3FD9]  }
0x89: {  	s3 =	sld [smem:$0x3FFE];
	_ =	sdelay $0x1  }
0x8a: {  	s1 =	srdreg.scid  }
0x8b: {  	s0 =	sand.u32 $0x1, s1  }
0x8c: {  	s17 =	sshll.u32 s0, $0xA;
	s2 =	sadd.s32 s3, s2  }
0x8d: {  	s2 =	sadd.s32 s2, s17  }
0x8e: {  	[smem:$0x3FC5] =	sst s2  }
0x8f: {  	_ = 	snop  }
0x90: {  	s2 =	sld [smem:$0x3FC7];
	(tm) =	ssettm $0x1  }
0x91: {  	s18 =	sld [smem:$0x3FFB];
	_ =	sdelay $0x3  }
0x92: {  	_ =	strace s18  }
0x93: {  	s3 =	sld [smem:$0x3FFC];
	_ =	sdelay $0x3  }
0x94: {  	_ =	strace s3  }
0x95: {  	s3 =	sld [smem:$0x3FFD];
	_ =	sdelay $0x3  }
0x96: {  	_ =	strace s3  }
0x97: {  	_ =	strace $0x8FFFFFFF  }
0x98: {  	s19 =	sld [smem:$0x3FDB];
	_ =	sdelay $0x1  }
0x99: {  	s4 =	simm.s32 $_scs_section_size  }
0x9a: {  	s5 =	simm.s32 $_size__tile_overlayer_lowered;
	s6 =	simm.s32 $_tile_overlayer_lowered  }
0x9b: {  	s22 =	simm.s32 $0x1BFF;
	s21 =	sshll.u32 s6, $0x1;
	s3 =	sadd.s32 s4, s19  }
0x9c: {  	s7 =	simm.s32 $0x0;
	s20 =	sshll.u32 s5, $0x1;
	s5 =	sadd.s32 s21, s3  }
0x9d: {  	[timem:s7], [sflag:s22] =	dma.local [hbm:s5], s20  }
0x9e: {  	_ =	swait.ge [sflag:s22], s20  }
0x9f: {  	s4 =	ssub.s32 $0x0, s20;
	[sflag:s22] =	ssyncset.done $0x0  }
0xa0: {  	[sflag:s22] =	ssyncadd.s32 s4;
	_ =	sdelay $0x1  }
0xa1: {  	s23 =	simm.s32 $0x1B8B  }
0xa2: {  	_ =	swait.ge [sflag:s23], $0x1  }
0xa3: {  	[sflag:s23] =	ssyncset.done $0x0  }
0xa4: {  	s25 =	simm.s32 $0x1B8E;
	s24 =	sld [smem:$0x3FFE];
	[sflag:s23] =	ssyncadd.s32 $0xFFFFFFFF  }
0xa5: {  	s26 =	simm.s32 $execute0_lowered;
	[smem:$0x3FD2] =	sst s25  }
0xa6: {  	s5 =	sshll.u32 s26, $0x1;
	_ =	strace $0x80000046;
	[dreg:$0x1] =	wrdreg $0xFFFFFFFF  }
0xa7: {  	s28 =	simm.s32 $_size_execute0_lowered;
	s3 =	sadd.s32 s3, s5;
	[dreg:$0x0] =	wrdreg $0x0  }
0xa8: {  	s5 =	sshll.u32 s28, $0x1;
	[dreg:$0x2] =	wrdreg s3  }
0xa9: {  	[dreg:$0x3] =	wrdreg s5  }
0xaa: {  	[dreg:$0x4] =	wrdreg $0xC0  }
0xab: {  	_ =	task [dreg:s7], $0x5FFFF  }
0xac: {  	[dreg:$0x1] =	wrdreg $0xFFFFFFFF  }
0xad: {  	[dreg:$0x0] =	wrdreg $0x60  }
0xae: {  	[dreg:$0x2] =	wrdreg s24  }
0xaf: {  	[dreg:$0x3] =	wrdreg s2  }
0xb0: {  	[dreg:$0x4] =	wrdreg $0x9  }
0xb1: {  	_ =	task.clear_ibuf [dreg:s7], $0x5FFFF;
	_ =	strace $0x90000046  }
0xb2: {  	s29 =	simm.s32 $0x9;
	_ =	strace $0x80000048  }
0xb3: {  	_ =	swait.ge [sflag:s29], $0x1  }
0xb4: {  	[sflag:s29] =	ssyncadd.s32 $0xFFFFFFFF  }
0xb5: {  	_ =	strace $0x90000048  }
0xb6: {  	_ =	sfence  }
0xb7: {  	s30 =	sld [smem:$0x0];
	_ =	sdelay $0x2  }
0xb8: {  	s31 =	sshll.u32 s1, $0xD;
	s1 =	sshrl.u32 s1, $0x2  }
0xb9: {  	s3 =	sand.u32 $0x4000, s31;
	s1 =	sadd.s32 s1, s30  }
0xba: {  	s0 =	sor.u32 s3, s0;
	s1 =	sshll.u32 s1, $0x11  }
0xbb: {  	s0 =	sor.u32 s1, s0  }
0xbc: {  	s0 =	sadd.s32 $0x8F2B, s0  }
0xbd: {  	[sflag:s0] =	ssyncadd.remote.s32 $0x1  }
0xbe: {  	_ =	sfence.sel $0xFFFF  }
0xbf: {  	[dreg:$0x0] =	wrdreg $0xFFFFFFFF;
	(pc) =	sbr.abs _section_cstart, $3  }
0xc0: {  	[dreg:$0x1] =	wrdreg $0xFFFFFFFF  }
0xc1: {  	_ =	task.clear_ibuf [dreg:s7], $0x2FFFF;
	_ =	strace $0x9FFFFFFF  }
0xc2: {  	(tm) =	ssettm $0x7FFFFFFF  }
0xc3: {  	_ =	shalt  }
tec
execute0_lowered:
.L_overlay_start_1:
0x0: {  	(tag) =	ssettag $0x1  }
0x1: {  	s0 =	rddreg [dreg:$0x0]  }
0x2: {  	s2 =	simm.s32 $0x0;
	s1 =	srdreg.scid;
	s6 =	stileid.u32  }
0x3: {  	s17 =	simm.s32 $0x80;
	s18 =	simm.s32 $0x400;
	s20 =	simm.s32 $0x2380  }
0x4: {  	s21 =	simm.s32 $0x6A80;
	s28 =	simm.s32 $0x5;
	s29 =	simm.s32 $0x8E80  }
0x5: {  	s30 =	simm.s32 $0x8F00;
	[smem:$0x7FF] =	sst s2;
	s4 =	sadd.s32 $0x30DE00, s0  }
0x6: {  	s5 =	sadd.s32 $0x186E00, s0;
	s1 =	sand.u32 $0x1, s1;
	s3 =	sshll.u32 s6, $0x1  }
0x7: {  	s6 =	smul.u32 $0xC3800, s6;
	_ =	strace $0x80000047;
	s3 =	sor.u32 s1, s3  }
0x8: {  	s7 =	ssub.s32 $0x2, s1;
	s1 =	sshll.u32 s1, $0x9;
	s8 =	sshll.u32 s3, $0x1  }
0x9: {  	s9 =	sshrl.u32 s7, $0x1;
	s6 =	sor.u32 s1, s6;
	s0 =	sadd.s32 s8, s0  }
0xa: {  	s22 =	ssub.s32 s7, s9;
	s23 =	sadd.s32 $0x11C00, s6;
	s7 =	sshll.u32 s3, $0x2  }
0xb: {  	s24 =	sshrl.u32 s6, $0x3;
	s12 =	sor.u32 $0x80, s6;
	s13 =	sor.u32 $0x100, s6  }
0xc: {  	s14 =	sor.u32 $0x180, s6;
	s8 =	sshrl.u32 s23, $0x3;
	s25 =	sadd.s32 s4, s24  }
.Ltmp0:
0xd: {  	v0 =	vimm.s32 $0x3020100;
	vm0 =	vcmask $0xF00;
	s3 =	sadd.s32 s5, s24;
	s15 =	sadd.s32 $0x400, s0;
	(pc) =	sbr.rel .LBB2_1-.Ltmp0, $4  }
0xe: {  	v1 =	vlaneseq.u32;
	vm1 =	vmmov $0x1;
	v0 =	vunpack.c.0.s8.s32 v0;
	s16 =	smax.u32 s22, $0x1;
	s22 =	simm.s32 $0x1;
	[dreg:$0x3] =	wrdreg s25  }
0xf: {  	vm2 =	vcmask $0x308;
	vm3 =	vcmask $0x310;
	vm4 =	vcmask $0x70C;
	s23 =	simm.s32 $0x3;
	[dreg:$0x4] =	wrdreg s3;
	s26 =	sadd.s32 s4, s8  }
0x10: {  	vm5 =	vcmask $0x710;
	vm6 =	vcmask $0xB10;
	v0 =	vnsel vm0, $0x3, v0;
	s24 =	simm.s32 $0x2;
	s31 =	sadd.s32 s5, s8;
	[dreg:$0x5] =	wrdreg s26  }
0x11: {  	v2 =	vimm.s32 $0xFFFFFF81;
	vm0 =	vmxor vm0, vm0;
	v0 =	vor.u32 s7, v0;
	s0 =	simm.s32 $0x0;
	s25 =	simm.s32 $0x4;
	[dreg:$0x6] =	wrdreg s31  }
.LBB2_20:
0x12: {  	s1 =	rddreg [dreg:$0x1];
	s3 =	simm.s32 $0x8E00  }
0x13: {  	[tilespmem:s3], [sflag:$0x5] =	stream.linear.gather [hbm4b:s1+s2], $0x80, $0x38;
	[tilespmem:$0x9100] =	vst v63  }
0x14: {  	_ =	swait.ge [sflag:s28], $0x80  }
0x15: {  	[sflag:s28] =	ssyncset.done $0x0  }
0x16: {  	[sflag:s28] =	ssyncadd.s32 $0xFFFFFF80  }
0x17: {  	v6 =	vld.idx.msk [tilespmem:v0+s3+$0x0], $0xffff;
	_ =	sdelay $0x4  }
0x18: {  	v3 =	vnsel vm1, $0x0, v6  }
0x19: {  	v3 =	vxor.u32 $0x80000000, v3  }
0x1a: {  	(xrf0) =	vmax.scan.msk.u32 $0xffff, v3;
	_ =	sdelay $0x5  }
0x1b: {  	v3, _, _ =	vpop (xrf0)  }
0x1c: {  	(v2sf) =	vpush v3, $0xF;
	_ =	sdelay $0xe  }
0x1d: {  	s1 =	spop (v2sf)  }
0x1e: {  	s11 =	sxor.u32 $0x80000000, s1  }
0x1f: {  	p1 =	sgt.s32 s1, $0xFFFFFFFF;
	s8 =	sand.u32 $0x7F, s1;
	p0 =	slt.s32 s11, $0x1  }
0x20: {  	s9 =	sshra.s32 s11, $0x1F;
	p4 =	sne.s32 s8, $0x0;
	p0 =	por p1, p0  }
0x21: {  	s19 =	sshrl.u32 s9, $0x19;
	p0 =	por !p4, !p0  }
0x22: {  	s9 =	simm.s32 $0x1;
	s8 =	sadd.s32 s19, s11;
	p0 =	por !p0, !p0  }
0x23: {  	s8 =	sshra.s32 s8, $0x7;
	s9 =	simm.s32 @!p0 $0x0  }
0x24: {  	s3 =	simm.s32 $0x1;
	s1 =	sand.u32 $0xF, s1;
	s8 =	ssub.s32 s8, s9  }
0x25: {  	p6 =	sne.s32 s1, $0x0;
	s9 =	sshll.u32 s8, $0xA;
	s8 =	sshll.u32 s8, $0x7  }
0x26: {  	s9 =	sadd.s32 s6, s9;
	s26 =	ssub.s32 s11, s8;
	p0 =	sne.s32 s11, s8  }
0x27: {  	s9 =	sshrl.u32 s9, $0x3;
	s31 =	sshra.s32 s26, $0x1F;
	s3 =	simm.s32 @!p0 $0x0  }
0x28: {  	s10 =	sadd.s32 s4, s9;
	s9 =	sadd.s32 s5, s9;
	s3 =	sor.u32 s3, s31  }
0x29: {  	[tilespmem:s29], [sflag:$0x5] =	stream.linear.gather [hbm4b:s10+s2], $0x80, $0x38;
	[tilespmem:$0x9100] =	vst v63  }
0x2a: {  	p5 =	sne.s32 s3, $0x1;
	s10 =	sshrl.u32 s31, $0x1C;
	_ =	swait.ge [sflag:s28], $0x80  }
0x2b: {  	s3 =	simm.s32 $0x1;
	p0 =	por !p6, !p5;
	[sflag:s28] =	ssyncset.done $0x0  }
0x2c: {  	s1 =	sadd.s32 s10, s26;
	p0 =	por !p0, !p0;
	[sflag:s28] =	ssyncadd.s32 $0xFFFFFF80  }
0x2d: {  	[tilespmem:s30], [sflag:$0x5] =	stream.linear.gather [hbm4b:s9+s2], $0x80, $0x38;
	[tilespmem:$0x9100] =	vst v63  }
0x2e: {  	s1 =	sshrl.u32 s1, $0x4;
	s3 =	simm.s32 @!p0 $0x0;
	_ =	swait.ge [sflag:s28], $0x80  }
0x2f: {  	s1 =	ssub.s32 s1, s3;
	[sflag:s28] =	ssyncset.done $0x0  }
0x30: {  	s1 =	sshll.u32 s1, $0x4;
	[sflag:s28] =	ssyncadd.s32 $0xFFFFFF80  }
0x31: {  	v3 =	vld [tilespmem:s1+$0x8F00];
	_ =	sdelay $0x1  }
0x32: {  	v7 =	vld [tilespmem:s1+$0x8E80]  }
0x33: {  	s1 =	ssub.s32 s26, s1  }
0x34: {  	v8 =	vmov s1  }
0x35: {  	vm7 =	veq.s32 v8, v1;
	vm8 =	vne.s32 v3, $0x0  }
0x36: {  	vm7 =	vmand vm8, vm7  }
0x37: {  	v41 =	vsel vm2, $0x0, v6;
	v3 =	vnsel vm7, $0xCE6E6B28, v7  }
0x38: {  	(xrf0) =	vmax.scan.msk.f32 $0xffff, v3;
	v3 =	vxor.u32 $0x80000000, v41  }
0x39: {  	(xrf0) =	vmax.scan.msk.u32 $0xffff, v3;
	_ =	sdelay $0x4  }
0x3a: {  	v3, _, _ =	vpop (xrf0)  }
0x3b: {  	v42, _, _ =	vpop (xrf0)  }
0x3c: {  	(v2sf) =	vpush v42, $0xF;
	_ =	sdelay $0xe  }
0x3d: {  	s1 =	spop (v2sf)  }
0x3e: {  	s3 =	sxor.u32 $0x80000000, s1  }
0x3f: {  	p3 =	sgt.s32 s1, $0xFFFFFFFF;
	s11 =	sand.u32 $0x7F, s1;
	p2 =	slt.s32 s3, $0x1  }
0x40: {  	s19 =	sshra.s32 s3, $0x1F;
	p4 =	sne.s32 s11, $0x0;
	p0 =	por p3, p2  }
0x41: {  	s26 =	sshrl.u32 s19, $0x19;
	p0 =	por !p4, !p0  }
0x42: {  	s9 =	simm.s32 $0x1;
	s8 =	sadd.s32 s26, s3;
	p0 =	por !p0, !p0  }
0x43: {  	s8 =	sshra.s32 s8, $0x7;
	s9 =	simm.s32 @!p0 $0x0  }
0x44: {  	s8 =	ssub.s32 s8, s9  }
0x45: {  	s1 =	sand.u32 $0xF, s1;
	s9 =	sshll.u32 s8, $0xA  }
0x46: {  	p6 =	sne.s32 s1, $0x0;
	s8 =	sshll.u32 s8, $0x7;
	s9 =	sadd.s32 s12, s9  }
0x47: {  	s11 =	ssub.s32 s3, s8;
	p0 =	sne.s32 s3, s8;
	s3 =	simm.s32 $0x1  }
0x48: {  	s9 =	sshrl.u32 s9, $0x3;
	s19 =	sshra.s32 s11, $0x1F;
	s3 =	simm.s32 @!p0 $0x0  }
0x49: {  	s31 =	sadd.s32 s4, s9;
	s9 =	sadd.s32 s5, s9;
	s3 =	sor.u32 s3, s19  }
0x4a: {  	[tilespmem:s29], [sflag:$0x5] =	stream.linear.gather [hbm4b:s31+s2], $0x80, $0x38;
	[tilespmem:$0x9100] =	vst v63  }
0x4b: {  	s26 =	sshrl.u32 s19, $0x1C;
	p5 =	sne.s32 s3, $0x1;
	_ =	swait.ge [sflag:s28], $0x80  }
0x4c: {  	s1 =	sadd.s32 s26, s11;
	p0 =	por !p6, !p5;
	[sflag:s28] =	ssyncset.done $0x0  }
0x4d: {  	s3 =	simm.s32 $0x1;
	p0 =	por !p0, !p0;
	[sflag:s28] =	ssyncadd.s32 $0xFFFFFF80  }
0x4e: {  	[tilespmem:s30], [sflag:$0x5] =	stream.linear.gather [hbm4b:s9+s2], $0x80, $0x38;
	[tilespmem:$0x9100] =	vst v63  }
0x4f: {  	s1 =	sshrl.u32 s1, $0x4;
	s3 =	simm.s32 @!p0 $0x0;
	_ =	swait.ge [sflag:s28], $0x80  }
0x50: {  	s1 =	ssub.s32 s1, s3;
	[sflag:s28] =	ssyncset.done $0x0  }
0x51: {  	s1 =	sshll.u32 s1, $0x4;
	[sflag:s28] =	ssyncadd.s32 $0xFFFFFF80  }
0x52: {  	v43 =	vld [tilespmem:s1+$0x8F00];
	_ =	sdelay $0x1  }
0x53: {  	v44 =	vld [tilespmem:s1+$0x8E80]  }
0x54: {  	s1 =	ssub.s32 s11, s1  }
0x55: {  	v9 =	vmov s1  }
0x56: {  	vm7 =	veq.s32 v9, v1;
	vm8 =	vne.s32 v43, $0x0  }
0x57: {  	vm7 =	vmand vm7, vm8  }
0x58: {  	v46 =	vsel vm4, $0x0, v6;
	v45 =	vnsel vm7, $0xCE6E6B28, v44  }
0x59: {  	v47 =	vxor.u32 $0x80000000, v46;
	(xrf0) =	vmax.scan.msk.f32 $0xffff, v45  }
0x5a: {  	(xrf0) =	vmax.scan.msk.u32 $0xffff, v47;
	_ =	sdelay $0x4  }
0x5b: {  	v48, _, _ =	vpop (xrf0)  }
0x5c: {  	v49, _, _ =	vpop (xrf0)  }
0x5d: {  	(v2sf) =	vpush v49, $0xF;
	_ =	sdelay $0xe  }
0x5e: {  	s1 =	spop (v2sf)  }
0x5f: {  	s31 =	sxor.u32 $0x80000000, s1  }
0x60: {  	p3 =	sgt.s32 s1, $0xFFFFFFFF;
	s9 =	sand.u32 $0x7F, s1;
	p2 =	slt.s32 s31, $0x1  }
0x61: {  	s10 =	sshra.s32 s31, $0x1F;
	p4 =	sne.s32 s9, $0x0;
	p0 =	por p3, p2  }
0x62: {  	s11 =	sshrl.u32 s10, $0x19;
	p0 =	por !p4, !p0  }
0x63: {  	s9 =	simm.s32 $0x1;
	s8 =	sadd.s32 s11, s31;
	p0 =	por !p0, !p0  }
0x64: {  	s8 =	sshra.s32 s8, $0x7;
	s9 =	simm.s32 @!p0 $0x0  }
0x65: {  	s3 =	simm.s32 $0x1;
	s1 =	sand.u32 $0xF, s1;
	s8 =	ssub.s32 s8, s9  }
0x66: {  	p6 =	sne.s32 s1, $0x0;
	s9 =	sshll.u32 s8, $0xA;
	s8 =	sshll.u32 s8, $0x7  }
0x67: {  	s9 =	sadd.s32 s13, s9;
	s26 =	ssub.s32 s31, s8;
	p0 =	sne.s32 s31, s8  }
0x68: {  	s9 =	sshrl.u32 s9, $0x3;
	s31 =	sshra.s32 s26, $0x1F;
	s3 =	simm.s32 @!p0 $0x0  }
0x69: {  	s19 =	sadd.s32 s4, s9;
	s9 =	sadd.s32 s5, s9;
	s3 =	sor.u32 s3, s31  }
0x6a: {  	[tilespmem:s29], [sflag:$0x5] =	stream.linear.gather [hbm4b:s19+s2], $0x80, $0x38;
	[tilespmem:$0x9100] =	vst v63  }
0x6b: {  	s10 =	sshrl.u32 s31, $0x1C;
	p5 =	sne.s32 s3, $0x1;
	_ =	swait.ge [sflag:s28], $0x80  }
0x6c: {  	s1 =	sadd.s32 s10, s26;
	p0 =	por !p6, !p5;
	[sflag:s28] =	ssyncset.done $0x0  }
0x6d: {  	s3 =	simm.s32 $0x1;
	p0 =	por !p0, !p0;
	[sflag:s28] =	ssyncadd.s32 $0xFFFFFF80  }
0x6e: {  	[tilespmem:s30], [sflag:$0x5] =	stream.linear.gather [hbm4b:s9+s2], $0x80, $0x38;
	[tilespmem:$0x9100] =	vst v63  }
0x6f: {  	s1 =	sshrl.u32 s1, $0x4;
	s3 =	simm.s32 @!p0 $0x0;
	_ =	swait.ge [sflag:s28], $0x80  }
0x70: {  	s1 =	ssub.s32 s1, s3;
	[sflag:s28] =	ssyncset.done $0x0  }
0x71: {  	s1 =	sshll.u32 s1, $0x4;
	[sflag:s28] =	ssyncadd.s32 $0xFFFFFF80  }
0x72: {  	v50 =	vld [tilespmem:s1+$0x8F00];
	_ =	sdelay $0x1  }
0x73: {  	v51 =	vld [tilespmem:s1+$0x8E80]  }
0x74: {  	s1 =	ssub.s32 s26, s1  }
0x75: {  	v10 =	vmov s1  }
0x76: {  	vm7 =	veq.s32 v10, v1;
	vm8 =	vne.s32 v50, $0x0  }
0x77: {  	vm7 =	vmand vm7, vm8  }
0x78: {  	v6 =	vsel vm6, $0x0, v6;
	v52 =	vnsel vm7, $0xCE6E6B28, v51  }
0x79: {  	v6 =	vxor.u32 $0x80000000, v6;
	(xrf0) =	vmax.scan.msk.f32 $0xffff, v52  }
0x7a: {  	(xrf0) =	vmax.scan.msk.u32 $0xffff, v6;
	_ =	sdelay $0x4  }
0x7b: {  	v53, _, _ =	vpop (xrf0)  }
0x7c: {  	v54, _, _ =	vpop (xrf0)  }
0x7d: {  	(v2sf) =	vpush v54, $0xF;
	_ =	sdelay $0xe  }
0x7e: {  	s1 =	spop (v2sf)  }
0x7f: {  	s3 =	sxor.u32 $0x80000000, s1  }
0x80: {  	p3 =	sgt.s32 s1, $0xFFFFFFFF;
	s11 =	sand.u32 $0x7F, s1;
	p2 =	slt.s32 s3, $0x1  }
0x81: {  	s19 =	sshra.s32 s3, $0x1F;
	p4 =	sne.s32 s11, $0x0;
	p0 =	por p3, p2  }
0x82: {  	s26 =	sshrl.u32 s19, $0x19;
	p0 =	por !p4, !p0  }
0x83: {  	s9 =	simm.s32 $0x1;
	s8 =	sadd.s32 s26, s3;
	p0 =	por !p0, !p0  }
0x84: {  	s8 =	sshra.s32 s8, $0x7;
	s9 =	simm.s32 @!p0 $0x0  }
0x85: {  	s8 =	ssub.s32 s8, s9  }
0x86: {  	s9 =	sshll.u32 s8, $0xA  }
0x87: {  	s9 =	sadd.s32 s14, s9  }
0x88: {  	s9 =	sshrl.u32 s9, $0x3  }
0x89: {  	v55 =	vand.u32 $0x7FFFFF, v5;
	s31 =	sadd.s32 s4, s9  }
0x8a: {  	v8 =	vor.u32 $0x3F800000, v55;
	[tilespmem:s29], [sflag:$0x5] =	stream.linear.gather [hbm4b:s31+s2], $0x80, $0x38;
	[tilespmem:$0x9100] =	vst v63  }
0x8b: {  	v56 =	vmul.f32 $5.000000000e-01, v8;
	_ =	swait.ge [sflag:s28], $0x80  }
0x8c: {  	vm7 =	vgt.f32 v8, $1.414213540e+00;
	[sflag:s28] =	ssyncset.done $0x0  }
0x8d: {  	v8 =	vsel vm7, v56, v8;
	s9 =	sadd.s32 s5, s9;
	[sflag:s28] =	ssyncadd.s32 $0xFFFFFF80  }
0x8e: {  	v9 =	vadd.f32 $1.000000000e+00, v8;
	[tilespmem:s30], [sflag:$0x5] =	stream.linear.gather [hbm4b:s9+s2], $0x80, $0x38;
	[tilespmem:$0x9100] =	vst v63  }
0x8f: {  	_ =	swait.ge [sflag:s28], $0x80  }
0x90: {  	(erf) = vrcp.f32 v9;
	_ =	sdelay $0x3  }
0x91: {  	s8 =	sshll.u32 s8, $0x7  }
0x92: {  	s11 =	ssub.s32 s3, s8;
	p0 =	sne.s32 s3, s8;
	s3 =	simm.s32 $0x1  }
0x93: {  	s19 =	sshra.s32 s11, $0x1F;
	s3 =	simm.s32 @!p0 $0x0  }
0x94: {  	s1 =	sand.u32 $0xF, s1;
	s3 =	sor.u32 s3, s19  }
0x95: {  	v8 =	vadd.f32 $-1.000000000e+00, v8;
	p6 =	sne.s32 s1, $0x0;
	p5 =	sne.s32 s3, $0x1  }
0x96: {  	s26 =	sshrl.u32 s19, $0x1C;
	p0 =	por !p6, !p5;
	v9 =	vpop (erf)  }
0x97: {  	s1 =	sadd.s32 s26, s11;
	s3 =	simm.s32 $0x1;
	p0 =	por !p0, !p0;
	v8 =	vmul.f32 v9, v8  }
0x98: {  	s1 =	sshrl.u32 s1, $0x4;
	s3 =	simm.s32 @!p0 $0x0  }
0x99: {  	s1 =	ssub.s32 s1, s3;
	[sflag:s28] =	ssyncset.done $0x0;
	v9 =	vmul.f32 v8, v8  }
0x9a: {  	s1 =	sshll.u32 s1, $0x4;
	[sflag:s28] =	ssyncadd.s32 $0xFFFFFF80  }
0x9b: {  	v57 =	vld [tilespmem:s1+$0x8F00];
	v11 =	vmul.f32 $1.428571490e-01, v9;
	_ =	sdelay $0x1  }
0x9c: {  	v12 =	vld [tilespmem:s1+$0x8E80];
	v11 =	vadd.f32 $2.000000030e-01, v11  }
0x9d: {  	s1 =	ssub.s32 s11, s1  }
0x9e: {  	v13 =	vmov s1;
	v11 =	vmul.f32 v11, v9  }
0x9f: {  	vm8 =	veq.s32 v13, v1;
	vm9 =	vne.s32 v57, $0x0  }
0xa0: {  	vm8 =	vmand vm8, vm9;
	v58 =	vadd.f32 $3.333333430e-01, v11  }
0xa1: {  	v60 =	vshrl.u32 v5, $0x17;
	v59 =	vnsel vm8, $0xCE6E6B28, v12  }
0xa2: {  	v5 =	vand.u32 $0xFF, v60;
	v61 =	vsel vm7, $0xFFFFFF82, v2;
	(xrf0) =	vmax.scan.msk.f32 $0xffff, v59;
	v9 =	vmul.f32 v58, v9  }
0xa3: {  	v5 =	vadd.s32 v5, v61  }
0xa4: {  	v5 =	vcvt.s32.f32 v5;
	v8 =	vadd.f32 v8, v8;
	v9 =	vadd.f32 $1.000000000e+00, v9  }
0xa5: {  	v3 =	vbroadcast v3, $0xF  }
0xa6: {  	v5 =	vmul.f32 $6.931471820e-01, v5;
	v8 =	vmul.f32 v9, v8  }
0xa7: {  	v7 =	vbroadcast v48, $0xF  }
0xa8: {  	v3 =	vnsel vm1, $0xCE6E6B28, v3;
	v6 =	vbroadcast v53, $0xF;
	v62, _, _ =	vpop (xrf0);
	v5 =	vadd.f32 v8, v5  }
0xa9: {  	v3 =	vsel vm3, v3, v7;
	v63 =	vbroadcast v62, $0xF  }
0xaa: {  	v3 =	vsel vm5, v3, v6;
	v4 =	vadd.f32 v5, v4  }
0xab: {  	v3 =	vsel vm6, v3, v63  }
0xac: {  	s0 =	sadd.s32 $0x1, s0;
	v3 =	vsub.f32 v3, v4  }
0xad: {  	p0 =	sne.s32 s0, s16  }
.Ltmp1:
0xae: {  	s31 =	simm.s32 $0x9080;
	[tilespmem:$0x9080] =	vst v3;
	(pc) =	sbr.rel @!p0 .LBB2_21-.Ltmp1, $4  }
0xaf: {  	[hbm4b:s15+s2] =	stream.linear.scatter [tilespmem:s31], [sflag:$0x5], $0x10, $0x38;
	[tilespmem:$0x9100] =	vst v63  }
0xb0: {  	_ =	swait.ge [sflag:s28], $0x10  }
0xb1: {  	[sflag:s28] =	ssyncset.done $0x0  }
0xb2: {  	[sflag:s28] =	ssyncadd.s32 $0xFFFFFFF0  }
.LBB2_1:
0xb3: {  	s1 =	rddreg [dreg:$0x3]  }
0xb4: {  	[tilespmem:s2], [sflag:$0x1] =	stream.strided.gather [hbm4b:s1+s17], $0x2380, s18, s17, $0x38;
	[tilespmem:$0x9100] =	vst v63  }
0xb5: {  	s19 =	rddreg [dreg:$0x4];
	s3 =	simm.s32 $0x4700  }
0xb6: {  	[tilespmem:s3], [sflag:$0x3] =	stream.strided.gather [hbm4b:s19+s17], $0x2380, s18, s17, $0x38;
	[tilespmem:$0x9100] =	vst v63  }
0xb7: {  	s26 =	rddreg [dreg:$0x5]  }
0xb8: {  	[tilespmem:s20], [sflag:$0x2] =	stream.strided.gather [hbm4b:s26+s17], $0x2380, s18, s17, $0x38;
	[tilespmem:$0x9100] =	vst v63  }
0xb9: {  	s31 =	rddreg [dreg:$0x6];
	v5 =	vimm.f32 $1.000000000e+00;
	v3 =	vimm.f32 $-1.000000000e+09;
	s3 =	simm.s32 $0x0  }
0xba: {  	v9 =	vimm.f32 $0.0e+00;
	v6 =	vimm.f32 $-1.000000000e+09;
	v4 =	vimm.f32 $0.0e+00;
	[tilespmem:s21], [sflag:$0x4] =	stream.strided.gather [hbm4b:s31+s17], $0x2380, s18, s17, $0x38;
	[tilespmem:$0x9100] =	vst v63  }
.LBB2_2:
0xbb: {  	_ =	swait.ge [sflag:s22], $0x2380  }
0xbc: {  	[sflag:s22] =	ssyncset.done $0x0  }
0xbd: {  	[sflag:s22] =	ssyncadd.s32 $0xFFFFDC80  }
0xbe: {  	_ =	swait.ge [sflag:s23], $0x2380  }
0xbf: {  	[sflag:s23] =	ssyncset.done $0x0  }
0xc0: {  	s8 =	simm.s32 $0x100;
	[sflag:s23] =	ssyncadd.s32 $0xFFFFDC80  }
0xc1: {  	v10 =	vld [tilespmem:s8+$0xC0]  }
0xc2: {  	v7 =	vld [tilespmem:s8+$0xD0]  }
0xc3: {  	v11 =	vld [tilespmem:s8+$0xE0]  }
0xc4: {  	v19 =	vld [tilespmem:s8+$0x80]  }
0xc5: {  	v8 =	vld [tilespmem:s8+$0x90]  }
0xc6: {  	v12 =	vld [tilespmem:s8+$0xA0]  }
0xc7: {  	v20 =	vld [tilespmem:s8+$0x40]  }
0xc8: {  	v13 =	vld [tilespmem:s8+$0x50]  }
0xc9: {  	v14 =	vld [tilespmem:s8+$0x60]  }
0xca: {  	v21 =	vld [tilespmem:s8+$0x0]  }
0xcb: {  	v15 =	vld [tilespmem:s8+$0x10]  }
0xcc: {  	v16 =	vld [tilespmem:s8+$0x20]  }
0xcd: {  	v22 =	vld [tilespmem:s8+$0xFFFFFFC0]  }
0xce: {  	v17 =	vld [tilespmem:s8+$0xFFFFFFD0]  }
0xcf: {  	v18 =	vld [tilespmem:s8+$0xFFFFFFE0]  }
0xd0: {  	v23 =	vld [tilespmem:s8+$0xFFFFFF80]  }
0xd1: {  	v24 =	vld [tilespmem:s8+$0xFFFFFF00]  }
0xd2: {  	v25 =	vld [tilespmem:s8+$0xFFFFFF40]  }
0xd3: {  	v26 =	vld [tilespmem:s8+$0xFFFFFF90]  }
0xd4: {  	v27 =	vld [tilespmem:s8+$0xFFFFFFA0]  }
0xd5: {  	v28 =	vld [tilespmem:s8+$0xFFFFFF50]  }
0xd6: {  	v29 =	vld [tilespmem:s8+$0xFFFFFF60]  }
0xd7: {  	v30 =	vld [tilespmem:s8+$0xFFFFFF10];
	v24 =	vmax.f32 v3, v24  }
0xd8: {  	v24 =	vmax.f32 v24, v25;
	v25 =	vld [tilespmem:s8+$0xFFFFFF20]  }
0xd9: {  	v23 =	vmax.f32 v24, v23;
	v24 =	vld [tilespmem:s8+$0xFFFFFF30]  }
0xda: {  	v22 =	vmax.f32 v23, v22;
	v23 =	vld [tilespmem:s8+$0xFFFFFF70]  }
0xdb: {  	v31 =	vld [tilespmem:s8+$0xFFFFFFB0];
	v21 =	vmax.f32 v22, v21  }
0xdc: {  	v21 =	vmax.f32 v21, v20;
	v20 =	vld [tilespmem:s8+$0xFFFFFFF0]  }
0xdd: {  	v22 =	vmax.f32 v3, v30;
	v21 =	vmax.f32 v21, v19;
	v19 =	vld [tilespmem:s8+$0x30]  }
0xde: {  	v25 =	vmax.f32 v3, v25;
	v10 =	vmax.f32 v21, v10;
	v24 =	vmax.f32 v3, v24;
	v21 =	vld [tilespmem:s8+$0x70]  }
0xdf: {  	v28 =	vmax.f32 v22, v28;
	v22 =	vld [tilespmem:s8+$0xB0];
	v25 =	vmax.f32 v25, v29;
	v23 =	vmax.f32 v24, v23  }
0xe0: {  	s1 =	simm.s32 $0x0;
	s10 =	simm.s32 $0x300;
	v24 =	vmax.f32 v28, v26;
	v25 =	vmax.f32 v25, v27;
	v26 =	vmax.f32 v23, v31;
	v23 =	vld [tilespmem:s8+$0xF0]  }
.LBB2_3:
0xe1: {  	v27 =	vld [tilespmem:s10+$0xC0];
	v17 =	vmax.f32 v24, v17;
	v18 =	vmax.f32 v25, v18;
	v20 =	vmax.f32 v26, v20  }
0xe2: {  	v24 =	vld [tilespmem:s10+$0xD0];
	v15 =	vmax.f32 v17, v15;
	v16 =	vmax.f32 v18, v16;
	v17 =	vmax.f32 v20, v19  }
0xe3: {  	v18 =	vld [tilespmem:s10+$0xE0];
	v13 =	vmax.f32 v15, v13;
	v14 =	vmax.f32 v16, v14;
	v15 =	vmax.f32 v17, v21  }
0xe4: {  	v19 =	vld [tilespmem:s10+$0x80];
	v13 =	vmax.f32 v13, v8;
	v12 =	vmax.f32 v14, v12;
	v14 =	vmax.f32 v15, v22  }
0xe5: {  	s8 =	simm.s32 $0x21C;
	s9 =	simm.s32 $0x2230;
	v8 =	vld [tilespmem:s10+$0x90];
	v21 =	vmax.f32 v13, v7;
	v22 =	vmax.f32 v12, v11;
	v23 =	vmax.f32 v14, v23  }
0xe6: {  	v12 =	vld [tilespmem:s10+$0xA0]  }
0xe7: {  	v20 =	vld [tilespmem:s10+$0x40];
	v7 =	vmov v24  }
0xe8: {  	v13 =	vld [tilespmem:s10+$0x50];
	v11 =	vmov v18  }
0xe9: {  	v14 =	vld [tilespmem:s10+$0x60]  }
0xea: {  	v24 =	vld [tilespmem:s10+$0x0]  }
0xeb: {  	v15 =	vld [tilespmem:s10+$0x10]  }
0xec: {  	v16 =	vld [tilespmem:s10+$0x20]  }
0xed: {  	v25 =	vld [tilespmem:s10+$0xFFFFFFC0]  }
0xee: {  	v17 =	vld [tilespmem:s10+$0xFFFFFFD0]  }
0xef: {  	v18 =	vld [tilespmem:s10+$0xFFFFFFE0]  }
0xf0: {  	v26 =	vld [tilespmem:s10+$0xFFFFFF80]  }
0xf1: {  	v28 =	vld [tilespmem:s10+$0xFFFFFF00]  }
0xf2: {  	v29 =	vld [tilespmem:s10+$0xFFFFFF40]  }
0xf3: {  	v30 =	vld [tilespmem:s10+$0xFFFFFF90]  }
0xf4: {  	v31 =	vld [tilespmem:s10+$0xFFFFFFA0]  }
0xf5: {  	v32 =	vld [tilespmem:s10+$0xFFFFFF50]  }
0xf6: {  	v10 =	vmax.f32 v10, v28;
	v28 =	vld [tilespmem:s10+$0xFFFFFF60]  }
0xf7: {  	v33 =	vld [tilespmem:s10+$0xFFFFFF10];
	v10 =	vmax.f32 v10, v29  }
0xf8: {  	v29 =	vld [tilespmem:s10+$0xFFFFFF20];
	v10 =	vmax.f32 v10, v26  }
0xf9: {  	s1 =	sadd.s32 $0x20, s1;
	v26 =	vld [tilespmem:s10+$0xFFFFFF30];
	v10 =	vmax.f32 v10, v25  }
0xfa: {  	p0 =	slt.u32 s1, $0x200;
	v25 =	vld [tilespmem:s10+$0xFFFFFF70];
	v10 =	vmax.f32 v10, v24  }
0xfb: {  	v34 =	vld [tilespmem:s10+$0xFFFFFFB0];
	v10 =	vmax.f32 v10, v20  }
.Ltmp2:
0xfc: {  	v20 =	vld [tilespmem:s10+$0xFFFFFFF0];
	v10 =	vmax.f32 v10, v19;
	(pc) =	sbr.rel @p0 .LBB2_3-.Ltmp2, $4  }
0xfd: {  	v19 =	vld [tilespmem:s10+$0x30];
	v10 =	vmax.f32 v10, v27  }
0xfe: {  	v24 =	vmax.f32 v21, v33;
	v22 =	vmax.f32 v22, v29;
	v23 =	vmax.f32 v23, v26;
	v21 =	vld [tilespmem:s10+$0x70]  }
0xff: {  	v24 =	vmax.f32 v24, v32;
	v26 =	vmax.f32 v22, v28;
	v23 =	vmax.f32 v23, v25;
	v22 =	vld [tilespmem:s10+$0xB0]  }
0x100: {  	v24 =	vmax.f32 v24, v30;
	v25 =	vmax.f32 v26, v31;
	v26 =	vmax.f32 v23, v34;
	v23 =	vld [tilespmem:s10+$0xF0];
	s10 =	sadd.s32 $0x200, s10  }
0x101: {  	v17 =	vmax.f32 v24, v17;
	v18 =	vmax.f32 v25, v18;
	v20 =	vmax.f32 v26, v20  }
0x102: {  	v15 =	vmax.f32 v17, v15;
	v16 =	vmax.f32 v18, v16;
	v63 =	vmax.f32 v20, v19  }
0x103: {  	v13 =	vmax.f32 v15, v13;
	v14 =	vmax.f32 v16, v14;
	v15 =	vmax.f32 v63, v21  }
0x104: {  	v8 =	vmax.f32 v13, v8;
	v13 =	vmax.f32 v14, v12;
	v14 =	vmax.f32 v15, v22  }
0x105: {  	v12 =	vmax.f32 v8, v7;
	v11 =	vmax.f32 v13, v11;
	v13 =	vmax.f32 v14, v23  }
.LBB2_5:
0x106: {  	v7 =	vld [tilespmem:s9+$0xFFFFFFD0]  }
0x107: {  	v8 =	vld [tilespmem:s9+$0xFFFFFFE0]  }
0x108: {  	v14 =	vld [tilespmem:s9+$0xFFFFFFF0];
	s8 =	sadd.s32 $0x4, s8  }
0x109: {  	v15 =	vld [tilespmem:s9+$0x0];
	p0 =	slt.u32 s8, $0x234  }
.Ltmp3:
0x10a: {  	_ = 	snop;
	(pc) =	sbr.rel @p0 .LBB2_5-.Ltmp3, $3  }
0x10b: {  	_ =	sdelay $0x1  }
0x10c: {  	v10 =	vmax.f32 v10, v7  }
0x10d: {  	s9 =	sadd.s32 $0x40, s9;
	v12 =	vmax.f32 v12, v8;
	v11 =	vmax.f32 v11, v14;
	v13 =	vmax.f32 v13, v15  }
0x10e: {  	s8 =	smul.u32 $0xEA, s3;
	_ =	sdelay $0x1  }
0x10f: {  	s1 =	sshll.u32 s3, $0x1;
	s8 =	sshrl.u32 s8, $0x8  }
0x110: {  	s9 =	ssub.s32 s1, s8  }
0x111: {  	s9 =	sand.u32 $0xFE, s9  }
0x112: {  	s9 =	sshrl.u32 s9, $0x1  }
0x113: {  	s8 =	sadd.s32 s8, s9  }
0x114: {  	s8 =	sand.u32 $0xF8, s8  }
0x115: {  	s19 =	sshrl.u32 s8, $0x3  }
0x116: {  	s8 =	smul.u32 $0xB, s19;
	_ =	sdelay $0x1  }
0x117: {  	s8 =	ssub.s32 s1, s8  }
0x118: {  	s9 =	sand.u32 $0xFF, s8  }
0x119: {  	p0 =	sne.s32 s9, $0xA  }
0x11a: {  	s8 =	sadd.s32 @!p0 s19, s7  }
0x11b: {  	s10 =	sshrl.u32 @!p0 s8, $0x3  }
0x11c: {  	s8 =	sshll.u32 @!p0 s8, $0x7;
	s10 =	smul.u32 @!p0 $0xC3800, s10  }
0x11d: {  	s8 =	sand.u32 @!p0 $0x380, s8  }
0x11e: {  	s8 =	sor.u32 @!p0 s8, s10  }
0x11f: {  	s8 =	sadd.s32 @!p0 $0xC3400, s8  }
0x120: {  	s8 =	sshrl.u32 @!p0 s8, $0x3  }
0x121: {  	s11 =	simm.s32 @!p0 $0x0;
	s26 =	simm.s32 @!p0 $0x8F80;
	s10 =	sadd.s32 @!p0 s4, s8  }
0x122: {  	[tilespmem:s26], [sflag:$0x5] =	stream.linear.gather @!p0 [hbm4b:s10+s11], $0x20, $0x38;
	[tilespmem:$0x9100] =	vst v63  }
0x123: {  	s10 =	simm.s32 @!p0 $0x5  }
0x124: {  	_ =	swait.ge @!p0 [sflag:s10], $0x20  }
0x125: {  	[sflag:s10] =	ssyncset.done @!p0 $0x0  }
0x126: {  	s8 =	sadd.s32 @!p0 s5, s8;
	s26 =	simm.s32 @!p0 $0x9000;
	[sflag:s10] =	ssyncadd.s32 @!p0 $0xFFFFFFE0  }
0x127: {  	[tilespmem:s26], [sflag:$0x5] =	stream.linear.gather @!p0 [hbm4b:s8+s11], $0x20, $0x38;
	[tilespmem:$0x9100] =	vst v63  }
0x128: {  	_ =	swait.ge @!p0 [sflag:s10], $0x20  }
0x129: {  	[sflag:s10] =	ssyncset.done @!p0 $0x0  }
0x12a: {  	[sflag:s10] =	ssyncadd.s32 @!p0 $0xFFFFFFE0  }
0x12b: {  	v8 =	vld [tilespmem:$0x8F80]  }
0x12c: {  	s11 =	simm.s32 $0x4780;
	v7 =	vld [tilespmem:$0x8F90]  }
0x12d: {  	v14 =	vld [tilespmem:s11+$0xFFFFFFF0]  }
0x12e: {  	s26 =	simm.s32 $0x80;
	v15 =	vld [tilespmem:s11+$0x10]  }
0x12f: {  	v16 =	vld [tilespmem:s26+$0xFFFFFFE0]  }
0x130: {  	v17 =	vld [tilespmem:s26+$0x10]  }
0x131: {  	v18 =	vld [tilespmem:s11+$0xFFFFFFE0]  }
0x132: {  	v19 =	vld [tilespmem:s26+$0xFFFFFFC0]  }
0x133: {  	v20 =	vld [tilespmem:s26+$0xFFFFFFD0]  }
0x134: {  	v21 =	vld [tilespmem:s11+$0xFFFFFFC0]  }
0x135: {  	v22 =	vld [tilespmem:s11+$0xFFFFFFD0]  }
0x136: {  	v23 =	vld [tilespmem:s26+$0xFFFFFF80]  }
0x137: {  	v24 =	vld [tilespmem:s26+$0xFFFFFFA0]  }
0x138: {  	v25 =	vld [tilespmem:s11+$0xFFFFFF80]  }
0x139: {  	v26 =	vld [tilespmem:s26+$0xFFFFFF90]  }
0x13a: {  	v27 =	vld [tilespmem:s11+$0xFFFFFF90]  }
0x13b: {  	v28 =	vld [tilespmem:s11+$0xFFFFFFA0]  }
0x13c: {  	v29 =	vld [tilespmem:s11+$0xFFFFFFB0]  }
0x13d: {  	v30 =	vld [tilespmem:s11+$0x0]  }
0x13e: {  	v31 =	vld [tilespmem:s26+$0xFFFFFFF0]  }
0x13f: {  	v10 =	vmax.f32 v10, v12;
	v11 =	vmax.f32 v11, v13;
	v12 =	vld [tilespmem:s11+$0x20]  }
0x140: {  	v11 =	vmax.f32 v10, v11;
	p6 =	seq.s32 s9, $0x0;
	v32 =	vld [tilespmem:s26+$0x0]  }
0x141: {  	v10 =	vpsel p6, $0xCE6E6B28, v6;
	v9 =	vpsel p6, $0x0, v9;
	v33 =	vld [tilespmem:s26+$0x60];
	v13 =	vmax.f32 v8, v7  }
0x142: {  	s8 =	simm.s32 $0x180;
	v54 =	vld [tilespmem:s11+$0x60];
	vm7 =	veq.s32 v21, $0x0;
	vm8 =	veq.s32 v25, $0x0;
	vm9 =	veq.s32 v18, $0x0  }
0x143: {  	v36 =	vld [tilespmem:s8+$0x10];
	vm10 =	veq.s32 v22, $0x0;
	vm15 =	veq.s32 v29, $0x0;
	vm12 =	veq.s32 v15, $0x0  }
0x144: {  	v55 =	vld [tilespmem:s8+$0xFFFFFFD0];
	v6 =	vmax.f32 v11, v13;
	v19 =	vsel vm7, $0xCE6E6B28, v19;
	vm7 =	veq.s32 v14, $0x0  }
0x145: {  	p1 =	seq.s32 s9, $0xA;
	v56 =	vld [tilespmem:s8+$0xFFFFFF80];
	v18 =	vsel vm8, $0xCE6E6B28, v23;
	v16 =	vsel vm9, $0xCE6E6B28, v16;
	v20 =	vsel vm10, $0xCE6E6B28, v20  }
0x146: {  	v57 =	vld [tilespmem:s8+$0x0];
	vm8 =	veq.s32 v28, $0x0;
	v17 =	vsel vm12, $0xCE6E6B28, v17;
	v6 =	vpsel p1, v6, v11  }
0x147: {  	v13 =	vld [tilespmem:s26+$0xFFFFFFB0];
	v11 =	vimm.f32 $0.0e+00;
	v24 =	vsel vm8, $0xCE6E6B28, v24;
	v6 =	vmax.f32 v10, v6  }
0x148: {  	v14 =	vld [tilespmem:s26+$0x20];
	vm8 =	veq.s32 v30, $0x0;
	v29 =	vsel vm7, $0xCE6E6B28, v31;
	v18 =	vsub.f32 v18, v6  }
0x149: {  	v21 =	vld [tilespmem:s26+$0x50];
	vm7 =	veq.s32 v12, $0x0;
	v16 =	vsub.f32 v16, v6;
	v19 =	vsub.f32 v19, v6  }
0x14a: {  	v25 =	vld [tilespmem:s26+$0x30];
	v30 =	vsel vm8, $0xCE6E6B28, v32;
	v20 =	vsub.f32 v20, v6;
	v24 =	vsub.f32 v24, v6  }
0x14b: {  	v28 =	vld [tilespmem:s11+$0x40];
	vm8 =	veq.s32 v27, $0x0;
	v29 =	vsub.f32 v29, v6;
	v30 =	vsub.f32 v30, v6  }
0x14c: {  	v15 =	vld [tilespmem:s26+$0x40];
	v12 =	vsub.f32 v17, v6;
	v18 =	vmul.f32 $1.442695020e+00, v18;
	v16 =	vmul.f32 $1.442695020e+00, v16  }
0x14d: {  	v31 =	vld [tilespmem:s11+$0x30];
	v13 =	vsel vm15, $0xCE6E6B28, v13;
	v29 =	vmul.f32 $1.442695020e+00, v29;
	v14 =	vsel vm7, $0xCE6E6B28, v14  }
0x14e: {  	v23 =	vld [tilespmem:s11+$0x70];
	v30 =	vmul.f32 $1.442695020e+00, v30;
	v19 =	vmul.f32 $1.442695020e+00, v19;
	v14 =	vsub.f32 v14, v6  }
0x14f: {  	v17 =	vld [tilespmem:s11+$0x50];
	s11 =	simm.s32 $0x4880;
	v12 =	vmul.f32 $1.442695020e+00, v12;
	v20 =	vmul.f32 $1.442695020e+00, v20;
	v13 =	vsub.f32 v13, v6  }
0x150: {  	v35 =	vld [tilespmem:s11+$0x10];
	vm7 =	veq.s32 v28, $0x0;
	(erf) = vpow2.f32 v19;
	v27 =	vmul.f32 $1.442695020e+00, v14  }
0x151: {  	v59 =	vld [tilespmem:s8+$0x20];
	v14 =	vsel vm7, $0xCE6E6B28, v15;
	v15 =	vsel vm8, $0xCE6E6B28, v26;
	v13 =	vmul.f32 $1.442695020e+00, v13  }
0x152: {  	v22 =	vld [tilespmem:s26+$0x70];
	vm7 =	veq.s32 v31, $0x0;
	vm8 =	veq.s32 v54, $0x0;
	(erf) = vpow2.f32 v12  }
0x153: {  	v19 =	vld [tilespmem:s8+$0xFFFFFFC0];
	v14 =	vsub.f32 v14, v6;
	v25 =	vsel vm7, $0xCE6E6B28, v25;
	v31 =	vsel vm8, $0xCE6E6B28, v33  }
0x154: {  	vm7 =	veq.s32 v17, $0x0;
	v17 =	vmul.f32 $1.442695020e+00, v24;
	v24 =	vld [tilespmem:s11+$0xFFFFFFC0];
	v15 =	vsub.f32 v15, v6  }
0x155: {  	v26 =	vld [tilespmem:s11+$0xFFFFFFE0];
	(erf) = vpow2.f32 v16;
	vm15 =	veq.s32 v35, $0x0;
	v21 =	vsel vm7, $0xCE6E6B28, v21  }
0x156: {  	vm7 =	veq.s32 v23, $0x0;
	v23 =	vsub.f32 v31, v6;
	v31 =	vld [tilespmem:s11+$0xFFFFFFD0];
	v14 =	vmul.f32 $1.442695020e+00, v14  }
0x157: {  	v37 =	vld [tilespmem:s11+$0xFFFFFF80];
	v25 =	vsub.f32 v25, v6;
	v21 =	vsub.f32 v21, v6;
	v22 =	vsel vm7, $0xCE6E6B28, v22  }
0x158: {  	v28 =	vld [tilespmem:s8+$0xFFFFFFE0];
	v12 =	vmul.f32 $1.442695020e+00, v23;
	v22 =	vsub.f32 v22, v6;
	(erf) = vpow2.f32 v14  }
0x159: {  	v41 =	vld [tilespmem:s8+$0x40];
	v14 =	vmul.f32 $1.442695020e+00, v15;
	vm7 =	veq.s32 v24, $0x0;
	(erf) = vpow2.f32 v20  }
0x15a: {  	v34 =	vld [tilespmem:s11+$0xFFFFFFF0];
	vm13 =	veq.s32 v26, $0x0;
	v15 =	vsel vm7, $0xCE6E6B28, v19;
	(erf) = vpow2.f32 v29  }
0x15b: {  	v19 =	vld [tilespmem:s11+$0xFFFFFFA0];
	vm8 =	veq.s32 v31, $0x0;
	v31 =	vsub.f32 v15, v6;
	(erf) = vpow2.f32 v18  }
0x15c: {  	v23 =	vld [tilespmem:s8+$0xFFFFFFA0];
	v15 =	vsel vm8, $0xCE6E6B28, v55;
	vm8 =	veq.s32 v37, $0x0;
	(erf) = vpow2.f32 v17  }
0x15d: {  	v20 =	vld [tilespmem:s11+$0xFFFFFFB0];
	v32 =	vsub.f32 v15, v6;
	v15 =	vsel vm13, $0xCE6E6B28, v28;
	(erf) = vpow2.f32 v14  }
0x15e: {  	v25 =	vmul.f32 $1.442695020e+00, v25;
	v26 =	vld [tilespmem:s8+$0xFFFFFFF0];
	v29 =	vpop (erf);
	v17 =	vsel vm8, $0xCE6E6B28, v56;
	(erf) = vpow2.f32 v13  }
0x15f: {  	v22 =	vmul.f32 $1.442695020e+00, v22;
	v18 =	vld [tilespmem:s11+$0x0];
	v17 =	vsub.f32 v17, v6;
	v14 =	vpop (erf);
	(erf) = vpow2.f32 v27  }
0x160: {  	v44 =	vld [tilespmem:s11+$0xFFFFFF90];
	vm8 =	veq.s32 v19, $0x0;
	v19 =	vsub.f32 v15, v6;
	v15 =	vpop (erf);
	(erf) = vpow2.f32 v12  }
0x161: {  	v38 =	vld [tilespmem:s11+$0x40];
	v21 =	vmul.f32 $1.442695020e+00, v21;
	vm7 =	veq.s32 v34, $0x0;
	v12 =	vpop (erf);
	(erf) = vpow2.f32 v30  }
0x162: {  	v28 =	vld [tilespmem:s11+$0x20];
	vm14 =	veq.s32 v20, $0x0;
	v13 =	vmul.f32 $1.442695020e+00, v17;
	v58 =	vpop (erf);
	(erf) = vpow2.f32 v22  }
0x163: {  	v27 =	vld [tilespmem:s8+$0xFFFFFFB0];
	v17 =	vsel vm8, $0xCE6E6B28, v23;
	(erf) = vpow2.f32 v25;
	v25 =	vsel vm7, $0xCE6E6B28, v26  }
0x164: {  	v39 =	vld [tilespmem:s11+$0x30];
	vm8 =	veq.s32 v18, $0x0;
	v20 =	vpop (erf);
	(erf) = vpow2.f32 v21;
	v21 =	vsub.f32 v25, v6  }
0x165: {  	v40 =	vld [tilespmem:s11+$0x60];
	v24 =	vsub.f32 v17, v6;
	v17 =	vsel vm15, $0xCE6E6B28, v36;
	v26 =	vsel vm8, $0xCE6E6B28, v57;
	v60 =	vpop (erf)  }
0x166: {  	v16 =	vld [tilespmem:s8+$0xFFFFFF90];
	v62 =	vsub.f32 v26, v6;
	v61 =	vpop (erf);
	v26 =	vmul.f32 $1.442695020e+00, v21;
	v21 =	vsub.f32 v17, v6  }
0x167: {  	v34 =	vld [tilespmem:s8+$0x30];
	v42 =	vmul.f32 $1.442695020e+00, v31;
	v32 =	vmul.f32 $1.442695020e+00, v32;
	v25 =	vadd.f32 v60, v11;
	v63 =	vpop (erf)  }
0x168: {  	v37 =	vld [tilespmem:s11+$0x50];
	v19 =	vmul.f32 $1.442695020e+00, v19;
	vm7 =	veq.s32 v28, $0x0;
	v27 =	vsel vm14, $0xCE6E6B28, v27;
	v33 =	vpop (erf)  }
0x169: {  	v18 =	vld [tilespmem:s8+$0x50];
	v35 =	vsel vm7, $0xCE6E6B28, v59;
	vm7 =	veq.s32 v44, $0x0;
	v46 =	vadd.f32 v29, v25;
	v29 =	vpop (erf)  }
0x16a: {  	v23 =	vld [tilespmem:s8+$0x60];
	v45 =	vadd.f32 v63, v11;
	v25 =	vsub.f32 v35, v6;
	v36 =	vmul.f32 $1.442695020e+00, v21;
	v21 =	vpop (erf)  }
0x16b: {  	s31 =	simm.s32 $0x2330;
	s9 =	simm.s32 $0x6A30;
	v30 =	vld [tilespmem:s11+$0x70];
	v43 =	vsub.f32 v27, v6;
	v28 =	vadd.f32 v61, v11;
	v17 =	vmul.f32 $1.442695020e+00, v62;
	v27 =	vpop (erf)  }
0x16c: {  	s10 =	simm.s32 $0x10;
	s26 =	simm.s32 $0x22C;
	s11 =	simm.s32 $0x4980;
	v22 =	vld [tilespmem:s8+$0x70];
	v35 =	vadd.f32 v58, v45;
	v25 =	vmul.f32 $1.442695020e+00, v25;
	v31 =	vadd.f32 v27, v46;
	v27 =	vpop (erf)  }
.LBB2_7:
0x16d: {  	v44 =	vld [tilespmem:s11+$0xFFFFFFF0];
	s10 =	sadd.s32 $0x10, s10;
	v16 =	vsel vm7, $0xCE6E6B28, v16;
	v43 =	vmul.f32 $1.442695020e+00, v43;
	vm7 =	veq.s32 v38, $0x0;
	s8 =	sadd.s32 $0x100, s8;
	v38 =	vpop (erf)  }
0x16e: {  	v11 =	vadd.f32 v33, v11;
	v45 =	vld [tilespmem:s11+$0x10];
	p0 =	slt.u32 s10, $0x220;
	v41 =	vsel vm7, $0xCE6E6B28, v41;
	(erf) = vpow2.f32 v42;
	v33 =	vpop (erf)  }
0x16f: {  	v14 =	vadd.f32 v14, v35;
	v42 =	vld [tilespmem:s8+$0xFFFFFFE0];
	vm7 =	veq.s32 v39, $0x0;
	v39 =	vsub.f32 v41, v6  }
0x170: {  	v11 =	vadd.f32 v20, v11;
	v35 =	vld [tilespmem:s8+$0x10];
	v34 =	vsel vm7, $0xCE6E6B28, v34;
	vm7 =	veq.s32 v40, $0x0  }
0x171: {  	v40 =	vsub.f32 v16, v6;
	v20 =	vld [tilespmem:s11+$0xFFFFFFE0];
	v16 =	vmul.f32 $1.442695020e+00, v39;
	v23 =	vsel vm7, $0xCE6E6B28, v23  }
0x172: {  	v15 =	vadd.f32 v15, v28;
	v34 =	vsub.f32 v34, v6;
	vm7 =	veq.s32 v37, $0x0;
	v39 =	vld [tilespmem:s8+$0xFFFFFFC0]  }
0x173: {  	v24 =	vmul.f32 $1.442695020e+00, v24;
	v18 =	vsel vm7, $0xCE6E6B28, v18;
	vm7 =	veq.s32 v30, $0x0;
	v28 =	vld [tilespmem:s8+$0xFFFFFFD0]  }
0x174: {  	v23 =	vsub.f32 v23, v6;
	v34 =	vmul.f32 $1.442695020e+00, v34;
	v30 =	vld [tilespmem:s11+$0xFFFFFFC0];
	(erf) = vpow2.f32 v36  }
0x175: {  	v15 =	vadd.f32 v29, v15;
	v18 =	vsub.f32 v18, v6;
	v22 =	vsel vm7, $0xCE6E6B28, v22;
	v36 =	vld [tilespmem:s11+$0xFFFFFFD0]  }
0x176: {  	v33 =	vadd.f32 v33, v14;
	v23 =	vmul.f32 $1.442695020e+00, v23;
	v22 =	vsub.f32 v22, v6;
	v29 =	vld [tilespmem:s8+$0xFFFFFF80]  }
0x177: {  	v31 =	vadd.f32 v12, v31;
	v41 =	vmul.f32 $1.442695020e+00, v18;
	v37 =	vld [tilespmem:s8+$0xFFFFFFA0];
	v46 =	vpop (erf);
	(erf) = vpow2.f32 v19  }
0x178: {  	v11 =	vadd.f32 v38, v11;
	v22 =	vmul.f32 $1.442695020e+00, v22;
	v12 =	vld [tilespmem:s11+$0xFFFFFF80];
	(erf) = vpow2.f32 v16  }
0x179: {  	v18 =	vmul.f32 $1.442695020e+00, v40;
	v16 =	vld [tilespmem:s8+$0xFFFFFF90];
	vm7 =	veq.s32 v30, $0x0;
	(erf) = vpow2.f32 v32  }
0x17a: {  	v47 =	vld [tilespmem:s11+$0xFFFFFF90];
	v14 =	vsel vm7, $0xCE6E6B28, v39;
	vm7 =	veq.s32 v44, $0x0;
	(erf) = vpow2.f32 v26  }
0x17b: {  	v21 =	vadd.f32 v21, v15;
	vm8 =	veq.s32 v36, $0x0;
	v19 =	vld [tilespmem:s11+$0xFFFFFFA0];
	v32 =	vsub.f32 v14, v6  }
0x17c: {  	v11 =	vadd.f32 v27, v11;
	v15 =	vsel vm8, $0xCE6E6B28, v28;
	v26 =	vld [tilespmem:s11+$0xFFFFFFB0];
	(erf) = vpow2.f32 v13  }
0x17d: {  	vm9 =	veq.s32 v20, $0x0;
	vm8 =	veq.s32 v12, $0x0;
	v20 =	vld [tilespmem:s11+$0x0];
	(erf) = vpow2.f32 v24;
	v14 =	vpop (erf)  }
0x17e: {  	v27 =	vsub.f32 v15, v6;
	v12 =	vsel vm8, $0xCE6E6B28, v29;
	v28 =	vld [tilespmem:s8+$0xFFFFFFF0];
	(erf) = vpow2.f32 v18  }
0x17f: {  	v13 =	vsel vm9, $0xCE6E6B28, v42;
	v36 =	vsub.f32 v12, v6;
	v29 =	vld [tilespmem:s11+$0x20];
	(erf) = vpow2.f32 v43  }
0x180: {  	v18 =	vsub.f32 v13, v6;
	vm8 =	veq.s32 v19, $0x0;
	v30 =	vld [tilespmem:s8+$0x0];
	v15 =	vpop (erf);
	(erf) = vpow2.f32 v25  }
0x181: {  	v13 =	vmul.f32 $1.442695020e+00, v36;
	v24 =	vsel vm8, $0xCE6E6B28, v37;
	v25 =	vld [tilespmem:s8+$0xFFFFFFB0];
	v12 =	vpop (erf);
	(erf) = vpow2.f32 v23  }
0x182: {  	v19 =	vmul.f32 $1.442695020e+00, v18;
	vm8 =	veq.s32 v20, $0x0;
	v18 =	vld [tilespmem:s8+$0x50];
	v37 =	vpop (erf);
	(erf) = vpow2.f32 v17  }
0x183: {  	vm10 =	veq.s32 v45, $0x0;
	vm9 =	veq.s32 v26, $0x0;
	v23 =	vld [tilespmem:s8+$0x60];
	v20 =	vpop (erf);
	(erf) = vpow2.f32 v22  }
0x184: {  	v24 =	vsub.f32 v24, v6;
	v17 =	vsel vm10, $0xCE6E6B28, v35;
	v35 =	vld [tilespmem:s8+$0x20];
	(erf) = vpow2.f32 v34  }
0x185: {  	v26 =	vsel vm7, $0xCE6E6B28, v28;
	v28 =	vsel vm8, $0xCE6E6B28, v30;
	v22 =	vld [tilespmem:s8+$0x70];
	v34 =	vpop (erf);
	(erf) = vpow2.f32 v41  }
0x186: {  	v26 =	vsub.f32 v26, v6;
	v25 =	vsel vm9, $0xCE6E6B28, v25;
	v30 =	vld [tilespmem:s11+$0x70];
	v31 =	vadd.f32 v34, v31;
	v36 =	vpop (erf)  }
0x187: {  	vm7 =	veq.s32 v29, $0x0;
	v39 =	vsub.f32 v28, v6;
	v34 =	vld [tilespmem:s8+$0x30];
	v28 =	vadd.f32 v36, v21;
	v21 =	vpop (erf)  }
.Ltmp4:
0x188: {  	v26 =	vmul.f32 $1.442695020e+00, v26;
	v36 =	vsub.f32 v17, v6;
	v38 =	vld [tilespmem:s11+$0x40];
	v44 =	vadd.f32 v21, v33;
	v33 =	vpop (erf);
	(pc) =	sbr.rel @p0 .LBB2_7-.Ltmp4, $4  }
0x189: {  	v17 =	vmul.f32 $1.442695020e+00, v39;
	v31 =	vadd.f32 v46, v31;
	v35 =	vsel vm7, $0xCE6E6B28, v35;
	v41 =	vld [tilespmem:s8+$0x40];
	v29 =	vpop (erf)  }
0x18a: {  	v42 =	vmul.f32 $1.442695020e+00, v32;
	v36 =	vmul.f32 $1.442695020e+00, v36;
	v45 =	vsub.f32 v35, v6;
	v39 =	vld [tilespmem:s11+$0x30];
	v21 =	vpop (erf)  }
0x18b: {  	v32 =	vmul.f32 $1.442695020e+00, v27;
	v43 =	vsub.f32 v25, v6;
	v35 =	vadd.f32 v37, v44;
	v40 =	vld [tilespmem:s11+$0x60];
	v27 =	vpop (erf)  }
0x18c: {  	vm7 =	veq.s32 v47, $0x0;
	v25 =	vmul.f32 $1.442695020e+00, v45;
	v37 =	vld [tilespmem:s11+$0x50];
	s11 =	sadd.s32 $0x100, s11;
	v31 =	vadd.f32 v27, v31;
	v27 =	vpop (erf)  }
0x18d: {  	vm8 =	veq.s32 v38, $0x0  }
0x18e: {  	v38 =	vsel vm8, $0xCE6E6B28, v41  }
0x18f: {  	v38 =	vsub.f32 v38, v6  }
0x190: {  	(erf) = vpow2.f32 v42  }
0x191: {  	(erf) = vpow2.f32 v36;
	v38 =	vmul.f32 $1.442695020e+00, v38  }
0x192: {  	v16 =	vsel vm7, $0xCE6E6B28, v16;
	v44 =	vmul.f32 $1.442695020e+00, v43;
	(erf) = vpow2.f32 v19  }
0x193: {  	v24 =	vmul.f32 $1.442695020e+00, v24;
	v11 =	vadd.f32 v33, v11;
	(erf) = vpow2.f32 v38  }
0x194: {  	v16 =	vsub.f32 v16, v6;
	vm7 =	veq.s32 v39, $0x0;
	(erf) = vpow2.f32 v32  }
0x195: {  	v34 =	vsel vm7, $0xCE6E6B28, v34;
	vm7 =	veq.s32 v40, $0x0;
	(erf) = vpow2.f32 v26  }
0x196: {  	v16 =	vmul.f32 $1.442695020e+00, v16;
	v23 =	vsel vm7, $0xCE6E6B28, v23;
	(erf) = vpow2.f32 v13  }
0x197: {  	vm7 =	veq.s32 v30, $0x0;
	v23 =	vsub.f32 v23, v6;
	v13 =	vpop (erf);
	(erf) = vpow2.f32 v24  }
0x198: {  	v15 =	vadd.f32 v15, v28;
	v22 =	vsel vm7, $0xCE6E6B28, v22;
	v45 =	vpop (erf);
	(erf) = vpow2.f32 v16  }
0x199: {  	v22 =	vsub.f32 v22, v6;
	v46 =	vmul.f32 $1.442695020e+00, v23;
	v47 =	vpop (erf);
	(erf) = vpow2.f32 v44  }
0x19a: {  	v48 =	vsub.f32 v34, v6;
	vm7 =	veq.s32 v37, $0x0;
	v49 =	vpop (erf);
	(erf) = vpow2.f32 v25  }
0x19b: {  	v18 =	vsel vm7, $0xCE6E6B28, v18;
	v22 =	vmul.f32 $1.442695020e+00, v22;
	v50 =	vpop (erf);
	(erf) = vpow2.f32 v46  }
0x19c: {  	v51 =	vmul.f32 $1.442695020e+00, v48;
	v18 =	vsub.f32 v18, v6;
	v52 =	vpop (erf);
	(erf) = vpow2.f32 v17  }
0x19d: {  	v11 =	vadd.f32 v20, v11;
	v54 =	vpop (erf);
	(erf) = vpow2.f32 v22  }
0x19e: {  	v15 =	vadd.f32 v29, v15;
	v53 =	vmul.f32 $1.442695020e+00, v18;
	v55 =	vpop (erf);
	(erf) = vpow2.f32 v51  }
0x19f: {  	v14 =	vadd.f32 v14, v35;
	v56 =	vpop (erf)  }
0x1a0: {  	v15 =	vadd.f32 v21, v15;
	v11 =	vadd.f32 v13, v11;
	(erf) = vpow2.f32 v53;
	v13 =	vpop (erf)  }
0x1a1: {  	v12 =	vadd.f32 v12, v31;
	v57 =	vpop (erf)  }
0x1a2: {  	v14 =	vadd.f32 v45, v14;
	v11 =	vadd.f32 v27, v11;
	v58 =	vpop (erf)  }
0x1a3: {  	v12 =	vadd.f32 v56, v12;
	v13 =	vadd.f32 v13, v15;
	v59 =	vpop (erf)  }
0x1a4: {  	v14 =	vadd.f32 v57, v14;
	v11 =	vadd.f32 v58, v11;
	v15 =	vpop (erf)  }
0x1a5: {  	v12 =	vadd.f32 v47, v12;
	v13 =	vadd.f32 v50, v13;
	v60 =	vpop (erf)  }
0x1a6: {  	v14 =	vadd.f32 v54, v14;
	v11 =	vadd.f32 v55, v11;
	v61 =	vpop (erf)  }
0x1a7: {  	v16 =	vadd.f32 v59, v13;
	v12 =	vadd.f32 v60, v12;
	v62 =	vpop (erf)  }
0x1a8: {  	v14 =	vadd.f32 v49, v14;
	v17 =	vadd.f32 v62, v11  }
0x1a9: {  	v63 =	vpop (erf);
	v13 =	vadd.f32 v52, v12;
	v12 =	vadd.f32 v15, v16  }
0x1aa: {  	v11 =	vadd.f32 v63, v14;
	v14 =	vadd.f32 v61, v17  }
.LBB2_9:
0x1ab: {  	v15 =	vld [tilespmem:s31+$0xFFFFFFD0]  }
0x1ac: {  	v16 =	vld [tilespmem:s9+$0xFFFFFFD0]  }
0x1ad: {  	v17 =	vld [tilespmem:s31+$0xFFFFFFE0]  }
0x1ae: {  	v18 =	vld [tilespmem:s9+$0xFFFFFFE0]  }
0x1af: {  	v19 =	vld [tilespmem:s31+$0xFFFFFFF0]  }
0x1b0: {  	v20 =	vld [tilespmem:s9+$0xFFFFFFF0]  }
0x1b1: {  	v21 =	vld [tilespmem:s9+$0x0]  }
0x1b2: {  	v22 =	vld [tilespmem:s31+$0x0]  }
0x1b3: {  	vm7 =	veq.s32 v16, $0x0  }
0x1b4: {  	v15 =	vsel vm7, $0xCE6E6B28, v15;
	vm7 =	veq.s32 v18, $0x0  }
0x1b5: {  	v58 =	vsel vm7, $0xCE6E6B28, v17;
	vm7 =	veq.s32 v20, $0x0;
	v15 =	vsub.f32 v15, v6  }
0x1b6: {  	v59 =	vsel vm7, $0xCE6E6B28, v19;
	vm7 =	veq.s32 v21, $0x0;
	v16 =	vsub.f32 v58, v6  }
0x1b7: {  	v60 =	vsel vm7, $0xCE6E6B28, v22;
	v15 =	vmul.f32 $1.442695020e+00, v15;
	v17 =	vsub.f32 v59, v6  }
0x1b8: {  	v16 =	vmul.f32 $1.442695020e+00, v16;
	v18 =	vsub.f32 v60, v6  }
0x1b9: {  	(erf) = vpow2.f32 v15;
	v15 =	vmul.f32 $1.442695020e+00, v17  }
0x1ba: {  	(erf) = vpow2.f32 v16;
	v61 =	vmul.f32 $1.442695020e+00, v18  }
0x1bb: {  	(erf) = vpow2.f32 v15  }
0x1bc: {  	(erf) = vpow2.f32 v61;
	_ =	sdelay $0x3  }
0x1bd: {  	s26 =	sadd.s32 $0x4, s26  }
0x1be: {  	p0 =	slt.u32 s26, $0x234  }
.Ltmp5:
0x1bf: {  	v15 =	vpop (erf);
	(pc) =	sbr.rel @p0 .LBB2_9-.Ltmp5, $4  }
0x1c0: {  	v62 =	vpop (erf)  }
0x1c1: {  	v63 =	vpop (erf)  }
0x1c2: {  	v13 =	vadd.f32 v15, v13;
	v11 =	vadd.f32 v62, v11;
	v15 =	vpop (erf)  }
0x1c3: {  	s9 =	sadd.s32 $0x40, s9;
	s31 =	sadd.s32 $0x40, s31;
	v12 =	vadd.f32 v63, v12;
	v14 =	vadd.f32 v15, v14  }
0x1c4: {  	v15 =	vld [tilespmem:$0x9000]  }
0x1c5: {  	v16 =	vld [tilespmem:$0x9010];
	_ =	sdelay $0x2  }
0x1c6: {  	(xrf0) =	vmax.scan.msk.f32 $0xffff, v6;
	v10 =	vsub.f32 v10, v6  }
0x1c7: {  	vm7 =	veq.s32 v15, $0x0  }
0x1c8: {  	v10 =	vmul.f32 $1.442695020e+00, v10;
	v8 =	vsel vm7, $0xCE6E6B28, v8;
	vm7 =	veq.s32 v16, $0x0  }
0x1c9: {  	v8 =	vsub.f32 v8, v6;
	v7 =	vsel vm7, $0xCE6E6B28, v7  }
0x1ca: {  	v7 =	vsub.f32 v7, v6  }
0x1cb: {  	v8 =	vmul.f32 $1.442695020e+00, v8  }
0x1cc: {  	(erf) = vpow2.f32 v10;
	v10, _, _ =	vpop (xrf0);
	v7 =	vmul.f32 $1.442695020e+00, v7  }
0x1cd: {  	v10 =	vbroadcast v10, $0xF;
	(erf) = vpow2.f32 v8  }
0x1ce: {  	(erf) = vpow2.f32 v7  }
0x1cf: {  	v7 =	vsub.f32 v6, v10;
	_ =	sdelay $0x1  }
0x1d0: {  	v7 =	vmul.f32 $1.442695020e+00, v7;
	_ =	sdelay $0x1  }
0x1d1: {  	(erf) = vpow2.f32 v7  }
0x1d2: {  	v8 =	vadd.f32 v11, v13;
	v11 =	vadd.f32 v14, v12  }
0x1d3: {  	v7 =	vpop (erf)  }
0x1d4: {  	v8 =	vadd.f32 v11, v8;
	v7 =	vmul.f32 v7, v9;
	v12 =	vpop (erf)  }
0x1d5: {  	v13 =	vpop (erf)  }
0x1d6: {  	v7 =	vadd.f32 v8, v7;
	v9 =	vadd.f32 v13, v12  }
0x1d7: {  	p0 =	seq.s32 s3, $0x15  }
0x1d8: {  	s8 =	sadd.s32 @!p0 $0x2, s1;
	v8 =	vpsel !p1, $0x0, v9  }
0x1d9: {  	s9 =	smulhi.u32 @!p0 $0x2E8BA2E9, s8;
	v9 =	vadd.f32 v8, v7  }
0x1da: {  	v7 =	vpop (erf)  }
0x1db: {  	s9 =	sshrl.u32 @!p0 s9, $0x1;
	v7 =	vmul.f32 v9, v7  }
0x1dc: {  	s10 =	sadd.s32 @!p0 s7, s9;
	s9 =	smul.u32 @!p0 $0xB, s9  }
0x1dd: {  	s11 =	sshrl.u32 @!p0 s10, $0x3;
	(xrf2) =	vadd.scan.msk.f32 $0xffff, v7  }
0x1de: {  	s11 =	smul.u32 @!p0 $0xC3800, s11;
	s8 =	ssub.s32 @!p0 s8, s9  }
0x1df: {  	s8 =	smul.u32 @!p0 $0x11C00, s8  }
0x1e0: {  	s9 =	sshll.u32 @!p0 s10, $0x7  }
0x1e1: {  	s9 =	sand.u32 @!p0 $0x380, s9;
	s8 =	sadd.s32 @!p0 s8, s11  }
0x1e2: {  	s8 =	sor.u32 @!p0 s9, s8  }
0x1e3: {  	s26 =	simm.s32 @!p0 $0x0;
	s8 =	sshrl.u32 @!p0 s8, $0x3  }
0x1e4: {  	s10 =	simm.s32 @!p0 $0x80;
	s11 =	simm.s32 @!p0 $0x400;
	s9 =	sadd.s32 @!p0 s4, s8  }
0x1e5: {  	[tilespmem:s26], [sflag:$0x1] =	stream.strided.gather @!p0 [hbm4b:s9+s10], $0x2380, s11, s10, $0x38;
	[tilespmem:$0x9100] =	vst v63  }
0x1e6: {  	s8 =	sadd.s32 @!p0 s5, s8;
	s9 =	simm.s32 @!p0 $0x4700  }
0x1e7: {  	[tilespmem:s9], [sflag:$0x3] =	stream.strided.gather @!p0 [hbm4b:s8+s10], $0x2380, s11, s10, $0x38;
	v19, _, _ =	vpop (xrf2);
	[tilespmem:$0x9100] =	vst v63  }
0x1e8: {  	_ =	swait.ge [sflag:s24], $0x2380  }
0x1e9: {  	[sflag:s24] =	ssyncset.done $0x0  }
0x1ea: {  	[sflag:s24] =	ssyncadd.s32 $0xFFFFDC80  }
0x1eb: {  	_ =	swait.ge [sflag:s25], $0x2380  }
0x1ec: {  	[sflag:s25] =	ssyncset.done $0x0  }
0x1ed: {  	s31 =	simm.s32 $0x2480;
	[sflag:s25] =	ssyncadd.s32 $0xFFFFDC80  }
0x1ee: {  	v21 =	vld [tilespmem:s31+$0xC0]  }
0x1ef: {  	v7 =	vld [tilespmem:s31+$0xD0]  }
0x1f0: {  	v8 =	vld [tilespmem:s31+$0xE0]  }
0x1f1: {  	v20 =	vld [tilespmem:s31+$0x80]  }
0x1f2: {  	v11 =	vld [tilespmem:s31+$0x90]  }
0x1f3: {  	v12 =	vld [tilespmem:s31+$0xA0]  }
0x1f4: {  	v22 =	vld [tilespmem:s31+$0x40]  }
0x1f5: {  	v13 =	vld [tilespmem:s31+$0x50]  }
0x1f6: {  	v14 =	vld [tilespmem:s31+$0x60]  }
0x1f7: {  	v23 =	vld [tilespmem:s31+$0x0]  }
0x1f8: {  	v15 =	vld [tilespmem:s31+$0x10]  }
0x1f9: {  	v16 =	vld [tilespmem:s31+$0x20]  }
0x1fa: {  	v24 =	vld [tilespmem:s31+$0xFFFFFFC0]  }
0x1fb: {  	v17 =	vld [tilespmem:s31+$0xFFFFFFD0]  }
0x1fc: {  	v18 =	vld [tilespmem:s31+$0xFFFFFFE0]  }
0x1fd: {  	v25 =	vld [tilespmem:s31+$0xFFFFFF80]  }
0x1fe: {  	v26 =	vld [tilespmem:s31+$0xFFFFFF00]  }
0x1ff: {  	v27 =	vld [tilespmem:s31+$0xFFFFFF40]  }
0x200: {  	v28 =	vld [tilespmem:s31+$0xFFFFFF90]  }
0x201: {  	v29 =	vld [tilespmem:s31+$0xFFFFFFA0]  }
0x202: {  	v30 =	vimm.f32 $-1.000000000e+09;
	v31 =	vld [tilespmem:s31+$0xFFFFFF50]  }
0x203: {  	v32 =	vld [tilespmem:s31+$0xFFFFFF60];
	v26 =	vmax.f32 v30, v26  }
0x204: {  	v33 =	vld [tilespmem:s31+$0xFFFFFF10];
	v26 =	vmax.f32 v26, v27  }
0x205: {  	v27 =	vld [tilespmem:s31+$0xFFFFFF20];
	v25 =	vmax.f32 v26, v25  }
0x206: {  	vm7 =	vmmov vm0;
	v26 =	vld [tilespmem:s31+$0xFFFFFF30];
	v24 =	vmax.f32 v25, v24  }
0x207: {  	vm7 =	vmneg @p1 vm7;
	v25 =	vmov s19;
	v23 =	vmax.f32 v24, v23;
	v24 =	vld [tilespmem:s31+$0xFFFFFF70]  }
0x208: {  	v19 =	vbroadcast v19, $0xF;
	vm8 =	veq.s32 v25, v1;
	v22 =	vmax.f32 v23, v22;
	v23 =	vld [tilespmem:s31+$0xFFFFFFB0]  }
0x209: {  	vm7 =	vmand vm7, vm8;
	v22 =	vmax.f32 v22, v20;
	v20 =	vld [tilespmem:s31+$0xFFFFFFF0]  }
0x20a: {  	v4 =	vsel vm7, v10, v4;
	v5 =	vsel vm7, v19, v5;
	v19 =	vld [tilespmem:s31+$0x30];
	v25 =	vmax.f32 v30, v27  }
0x20b: {  	v10 =	vmax.f32 v22, v21;
	v22 =	vmax.f32 v30, v33;
	v26 =	vmax.f32 v30, v26;
	v21 =	vld [tilespmem:s31+$0x70]  }
0x20c: {  	v25 =	vmax.f32 v25, v32;
	v27 =	vmax.f32 v22, v31;
	v22 =	vld [tilespmem:s31+$0xB0];
	v26 =	vmax.f32 v26, v24  }
0x20d: {  	s8 =	simm.s32 $0x0;
	s10 =	simm.s32 $0x2680;
	v25 =	vmax.f32 v25, v29;
	v24 =	vmax.f32 v27, v28;
	v26 =	vmax.f32 v26, v23;
	v23 =	vld [tilespmem:s31+$0xF0]  }
.LBB2_11:
0x20e: {  	v27 =	vld [tilespmem:s10+$0xC0];
	v17 =	vmax.f32 v24, v17;
	v18 =	vmax.f32 v25, v18;
	v20 =	vmax.f32 v26, v20  }
0x20f: {  	v24 =	vld [tilespmem:s10+$0xD0];
	v15 =	vmax.f32 v17, v15;
	v16 =	vmax.f32 v18, v16;
	v17 =	vmax.f32 v20, v19  }
0x210: {  	v18 =	vld [tilespmem:s10+$0xE0];
	v13 =	vmax.f32 v15, v13;
	v14 =	vmax.f32 v16, v14;
	v15 =	vmax.f32 v17, v21  }
0x211: {  	v19 =	vld [tilespmem:s10+$0x80];
	v13 =	vmax.f32 v13, v11;
	v12 =	vmax.f32 v14, v12;
	v14 =	vmax.f32 v15, v22  }
0x212: {  	s9 =	simm.s32 $0x45B0;
	v11 =	vld [tilespmem:s10+$0x90];
	v21 =	vmax.f32 v13, v7;
	v22 =	vmax.f32 v12, v8;
	v23 =	vmax.f32 v14, v23  }
0x213: {  	v12 =	vld [tilespmem:s10+$0xA0]  }
0x214: {  	v20 =	vld [tilespmem:s10+$0x40];
	v7 =	vmov v24  }
0x215: {  	v13 =	vld [tilespmem:s10+$0x50];
	v8 =	vmov v18  }
0x216: {  	v14 =	vld [tilespmem:s10+$0x60]  }
0x217: {  	v24 =	vld [tilespmem:s10+$0x0]  }
0x218: {  	v15 =	vld [tilespmem:s10+$0x10]  }
0x219: {  	v16 =	vld [tilespmem:s10+$0x20]  }
0x21a: {  	v25 =	vld [tilespmem:s10+$0xFFFFFFC0]  }
0x21b: {  	v17 =	vld [tilespmem:s10+$0xFFFFFFD0]  }
0x21c: {  	v18 =	vld [tilespmem:s10+$0xFFFFFFE0]  }
0x21d: {  	v26 =	vld [tilespmem:s10+$0xFFFFFF80]  }
0x21e: {  	v28 =	vld [tilespmem:s10+$0xFFFFFF00]  }
0x21f: {  	v29 =	vld [tilespmem:s10+$0xFFFFFF40]  }
0x220: {  	v30 =	vld [tilespmem:s10+$0xFFFFFF90]  }
0x221: {  	v31 =	vld [tilespmem:s10+$0xFFFFFFA0]  }
0x222: {  	v32 =	vld [tilespmem:s10+$0xFFFFFF50]  }
0x223: {  	v10 =	vmax.f32 v10, v28;
	v28 =	vld [tilespmem:s10+$0xFFFFFF60]  }
0x224: {  	v33 =	vld [tilespmem:s10+$0xFFFFFF10];
	v10 =	vmax.f32 v10, v29  }
0x225: {  	v29 =	vld [tilespmem:s10+$0xFFFFFF20];
	v10 =	vmax.f32 v10, v26  }
0x226: {  	s8 =	sadd.s32 $0x20, s8;
	v26 =	vld [tilespmem:s10+$0xFFFFFF30];
	v10 =	vmax.f32 v10, v25  }
0x227: {  	p1 =	slt.u32 s8, $0x200;
	v25 =	vld [tilespmem:s10+$0xFFFFFF70];
	v10 =	vmax.f32 v10, v24  }
0x228: {  	v34 =	vld [tilespmem:s10+$0xFFFFFFB0];
	v10 =	vmax.f32 v10, v20  }
.Ltmp6:
0x229: {  	v20 =	vld [tilespmem:s10+$0xFFFFFFF0];
	v10 =	vmax.f32 v10, v19;
	(pc) =	sbr.rel @p1 .LBB2_11-.Ltmp6, $4  }
0x22a: {  	v19 =	vld [tilespmem:s10+$0x30];
	v10 =	vmax.f32 v10, v27  }
0x22b: {  	v24 =	vmax.f32 v21, v33;
	v22 =	vmax.f32 v22, v29;
	v23 =	vmax.f32 v23, v26;
	v21 =	vld [tilespmem:s10+$0x70]  }
0x22c: {  	v24 =	vmax.f32 v24, v32;
	v26 =	vmax.f32 v22, v28;
	v23 =	vmax.f32 v23, v25;
	v22 =	vld [tilespmem:s10+$0xB0]  }
0x22d: {  	v24 =	vmax.f32 v24, v30;
	v25 =	vmax.f32 v26, v31;
	v26 =	vmax.f32 v23, v34;
	v23 =	vld [tilespmem:s10+$0xF0];
	s10 =	sadd.s32 $0x200, s10  }
0x22e: {  	v17 =	vmax.f32 v24, v17;
	v18 =	vmax.f32 v25, v18;
	v20 =	vmax.f32 v26, v20  }
0x22f: {  	v15 =	vmax.f32 v17, v15;
	v16 =	vmax.f32 v18, v16;
	v63 =	vmax.f32 v20, v19  }
0x230: {  	v13 =	vmax.f32 v15, v13;
	v14 =	vmax.f32 v16, v14;
	v15 =	vmax.f32 v63, v21  }
0x231: {  	v11 =	vmax.f32 v13, v11;
	v13 =	vmax.f32 v14, v12;
	v14 =	vmax.f32 v15, v22  }
0x232: {  	s8 =	simm.s32 $0x21C;
	v12 =	vmax.f32 v11, v7;
	v11 =	vmax.f32 v13, v8;
	v13 =	vmax.f32 v14, v23  }
.LBB2_13:
0x233: {  	v7 =	vld [tilespmem:s9+$0xFFFFFFD0]  }
0x234: {  	v8 =	vld [tilespmem:s9+$0xFFFFFFE0]  }
0x235: {  	v14 =	vld [tilespmem:s9+$0xFFFFFFF0];
	s8 =	sadd.s32 $0x4, s8  }
0x236: {  	v15 =	vld [tilespmem:s9+$0x0];
	p1 =	slt.u32 s8, $0x234  }
.Ltmp7:
0x237: {  	_ = 	snop;
	(pc) =	sbr.rel @p1 .LBB2_13-.Ltmp7, $3  }
0x238: {  	_ =	sdelay $0x1  }
0x239: {  	v10 =	vmax.f32 v10, v7  }
0x23a: {  	s9 =	sadd.s32 $0x40, s9;
	v12 =	vmax.f32 v12, v8;
	v11 =	vmax.f32 v11, v14;
	v13 =	vmax.f32 v13, v15  }
0x23b: {  	s8 =	sor.u32 $0x1, s1  }
0x23c: {  	s9 =	smulhi.u32 $0x2E8BA2E9, s8;
	_ =	sdelay $0x1  }
0x23d: {  	s19 =	sshrl.u32 s9, $0x1  }
0x23e: {  	s9 =	smul.u32 $0xB, s19;
	_ =	sdelay $0x1  }
0x23f: {  	s9 =	ssub.s32 s8, s9  }
0x240: {  	p1 =	sne.s32 s9, $0xA  }
0x241: {  	s8 =	sadd.s32 @!p1 s7, s19  }
0x242: {  	s10 =	sshrl.u32 @!p1 s8, $0x3  }
0x243: {  	s8 =	sshll.u32 @!p1 s8, $0x7;
	s10 =	smul.u32 @!p1 $0xC3800, s10  }
0x244: {  	s8 =	sand.u32 @!p1 $0x380, s8  }
0x245: {  	s8 =	sor.u32 @!p1 s8, s10  }
0x246: {  	s8 =	sadd.s32 @!p1 $0xC3400, s8  }
0x247: {  	s8 =	sshrl.u32 @!p1 s8, $0x3  }
0x248: {  	s11 =	simm.s32 @!p1 $0x0;
	s26 =	simm.s32 @!p1 $0x8F80;
	s10 =	sadd.s32 @!p1 s4, s8  }
0x249: {  	[tilespmem:s26], [sflag:$0x5] =	stream.linear.gather @!p1 [hbm4b:s10+s11], $0x20, $0x38;
	[tilespmem:$0x9100] =	vst v63  }
0x24a: {  	s10 =	simm.s32 @!p1 $0x5  }
0x24b: {  	_ =	swait.ge @!p1 [sflag:s10], $0x20  }
0x24c: {  	[sflag:s10] =	ssyncset.done @!p1 $0x0  }
0x24d: {  	s8 =	sadd.s32 @!p1 s5, s8;
	s26 =	simm.s32 @!p1 $0x9000;
	[sflag:s10] =	ssyncadd.s32 @!p1 $0xFFFFFFE0  }
0x24e: {  	[tilespmem:s26], [sflag:$0x5] =	stream.linear.gather @!p1 [hbm4b:s8+s11], $0x20, $0x38;
	[tilespmem:$0x9100] =	vst v63  }
0x24f: {  	_ =	swait.ge @!p1 [sflag:s10], $0x20  }
0x250: {  	[sflag:s10] =	ssyncset.done @!p1 $0x0  }
0x251: {  	[sflag:s10] =	ssyncadd.s32 @!p1 $0xFFFFFFE0  }
0x252: {  	v8 =	vld [tilespmem:$0x8F80]  }
0x253: {  	s11 =	simm.s32 $0x6B00;
	v7 =	vld [tilespmem:$0x8F90]  }
0x254: {  	v14 =	vld [tilespmem:s11+$0xFFFFFFF0]  }
0x255: {  	s26 =	simm.s32 $0x2400;
	v15 =	vld [tilespmem:s11+$0x10]  }
0x256: {  	v16 =	vld [tilespmem:s26+$0xFFFFFFE0]  }
0x257: {  	v17 =	vld [tilespmem:s26+$0x10]  }
0x258: {  	v18 =	vld [tilespmem:s11+$0xFFFFFFE0]  }
0x259: {  	v19 =	vld [tilespmem:s26+$0xFFFFFFC0]  }
0x25a: {  	v20 =	vld [tilespmem:s26+$0xFFFFFFD0]  }
0x25b: {  	v21 =	vld [tilespmem:s11+$0xFFFFFFC0]  }
0x25c: {  	v22 =	vld [tilespmem:s11+$0xFFFFFFD0]  }
0x25d: {  	v23 =	vld [tilespmem:s26+$0xFFFFFF80]  }
0x25e: {  	v24 =	vld [tilespmem:s26+$0xFFFFFFA0]  }
0x25f: {  	v25 =	vld [tilespmem:s11+$0xFFFFFF80]  }
0x260: {  	v26 =	vld [tilespmem:s26+$0xFFFFFF90]  }
0x261: {  	v27 =	vld [tilespmem:s11+$0xFFFFFF90]  }
0x262: {  	v28 =	vld [tilespmem:s11+$0xFFFFFFA0]  }
0x263: {  	v29 =	vld [tilespmem:s11+$0xFFFFFFB0]  }
0x264: {  	v30 =	vld [tilespmem:s11+$0x0]  }
0x265: {  	v31 =	vld [tilespmem:s26+$0xFFFFFFF0]  }
0x266: {  	v10 =	vmax.f32 v10, v12;
	v11 =	vmax.f32 v11, v13;
	v12 =	vld [tilespmem:s11+$0x20]  }
0x267: {  	v11 =	vmax.f32 v10, v11;
	p2 =	seq.s32 s9, $0x0;
	v32 =	vld [tilespmem:s26+$0x0]  }
0x268: {  	v10 =	vpsel p2, $0xCE6E6B28, v6;
	v9 =	vpsel p2, $0x0, v9;
	v33 =	vld [tilespmem:s26+$0x60];
	v13 =	vmax.f32 v8, v7  }
0x269: {  	s8 =	simm.s32 $0x2500;
	v54 =	vld [tilespmem:s11+$0x60];
	vm7 =	veq.s32 v21, $0x0;
	vm8 =	veq.s32 v25, $0x0;
	vm9 =	veq.s32 v18, $0x0  }
0x26a: {  	v36 =	vld [tilespmem:s8+$0x10];
	vm10 =	veq.s32 v22, $0x0;
	vm15 =	veq.s32 v29, $0x0;
	vm12 =	veq.s32 v15, $0x0  }
0x26b: {  	v55 =	vld [tilespmem:s8+$0xFFFFFFD0];
	v6 =	vmax.f32 v11, v13;
	v19 =	vsel vm7, $0xCE6E6B28, v19;
	vm7 =	veq.s32 v14, $0x0  }
0x26c: {  	p1 =	seq.s32 s9, $0xA;
	v56 =	vld [tilespmem:s8+$0xFFFFFF80];
	v18 =	vsel vm8, $0xCE6E6B28, v23;
	v16 =	vsel vm9, $0xCE6E6B28, v16;
	v20 =	vsel vm10, $0xCE6E6B28, v20  }
0x26d: {  	v57 =	vld [tilespmem:s8+$0x0];
	vm8 =	veq.s32 v28, $0x0;
	v17 =	vsel vm12, $0xCE6E6B28, v17;
	v6 =	vpsel p1, v6, v11  }
0x26e: {  	v13 =	vld [tilespmem:s26+$0xFFFFFFB0];
	v11 =	vimm.f32 $0.0e+00;
	v24 =	vsel vm8, $0xCE6E6B28, v24;
	v6 =	vmax.f32 v10, v6  }
0x26f: {  	v14 =	vld [tilespmem:s26+$0x20];
	vm8 =	veq.s32 v30, $0x0;
	v29 =	vsel vm7, $0xCE6E6B28, v31;
	v18 =	vsub.f32 v18, v6  }
0x270: {  	v21 =	vld [tilespmem:s26+$0x50];
	vm7 =	veq.s32 v12, $0x0;
	v16 =	vsub.f32 v16, v6;
	v19 =	vsub.f32 v19, v6  }
0x271: {  	v25 =	vld [tilespmem:s26+$0x30];
	v30 =	vsel vm8, $0xCE6E6B28, v32;
	v20 =	vsub.f32 v20, v6;
	v24 =	vsub.f32 v24, v6  }
0x272: {  	v28 =	vld [tilespmem:s11+$0x40];
	vm8 =	veq.s32 v27, $0x0;
	v29 =	vsub.f32 v29, v6;
	v30 =	vsub.f32 v30, v6  }
0x273: {  	v15 =	vld [tilespmem:s26+$0x40];
	v12 =	vsub.f32 v17, v6;
	v18 =	vmul.f32 $1.442695020e+00, v18;
	v16 =	vmul.f32 $1.442695020e+00, v16  }
0x274: {  	v31 =	vld [tilespmem:s11+$0x30];
	v13 =	vsel vm15, $0xCE6E6B28, v13;
	v29 =	vmul.f32 $1.442695020e+00, v29;
	v14 =	vsel vm7, $0xCE6E6B28, v14  }
0x275: {  	v23 =	vld [tilespmem:s11+$0x70];
	v30 =	vmul.f32 $1.442695020e+00, v30;
	v19 =	vmul.f32 $1.442695020e+00, v19;
	v14 =	vsub.f32 v14, v6  }
0x276: {  	v17 =	vld [tilespmem:s11+$0x50];
	s11 =	simm.s32 $0x6C00;
	v12 =	vmul.f32 $1.442695020e+00, v12;
	v20 =	vmul.f32 $1.442695020e+00, v20;
	v13 =	vsub.f32 v13, v6  }
0x277: {  	v35 =	vld [tilespmem:s11+$0x10];
	vm7 =	veq.s32 v28, $0x0;
	(erf) = vpow2.f32 v19;
	v27 =	vmul.f32 $1.442695020e+00, v14  }
0x278: {  	v59 =	vld [tilespmem:s8+$0x20];
	v14 =	vsel vm7, $0xCE6E6B28, v15;
	v15 =	vsel vm8, $0xCE6E6B28, v26;
	v13 =	vmul.f32 $1.442695020e+00, v13  }
0x279: {  	v22 =	vld [tilespmem:s26+$0x70];
	vm7 =	veq.s32 v31, $0x0;
	vm8 =	veq.s32 v54, $0x0;
	(erf) = vpow2.f32 v12  }
0x27a: {  	v19 =	vld [tilespmem:s8+$0xFFFFFFC0];
	v14 =	vsub.f32 v14, v6;
	v25 =	vsel vm7, $0xCE6E6B28, v25;
	v31 =	vsel vm8, $0xCE6E6B28, v33  }
0x27b: {  	vm7 =	veq.s32 v17, $0x0;
	v17 =	vmul.f32 $1.442695020e+00, v24;
	v24 =	vld [tilespmem:s11+$0xFFFFFFC0];
	v15 =	vsub.f32 v15, v6  }
0x27c: {  	v26 =	vld [tilespmem:s11+$0xFFFFFFE0];
	(erf) = vpow2.f32 v16;
	vm15 =	veq.s32 v35, $0x0;
	v21 =	vsel vm7, $0xCE6E6B28, v21  }
0x27d: {  	vm7 =	veq.s32 v23, $0x0;
	v23 =	vsub.f32 v31, v6;
	v31 =	vld [tilespmem:s11+$0xFFFFFFD0];
	v14 =	vmul.f32 $1.442695020e+00, v14  }
0x27e: {  	v37 =	vld [tilespmem:s11+$0xFFFFFF80];
	v25 =	vsub.f32 v25, v6;
	v21 =	vsub.f32 v21, v6;
	v22 =	vsel vm7, $0xCE6E6B28, v22  }
0x27f: {  	v28 =	vld [tilespmem:s8+$0xFFFFFFE0];
	v12 =	vmul.f32 $1.442695020e+00, v23;
	v22 =	vsub.f32 v22, v6;
	(erf) = vpow2.f32 v14  }
0x280: {  	v41 =	vld [tilespmem:s8+$0x40];
	v14 =	vmul.f32 $1.442695020e+00, v15;
	vm7 =	veq.s32 v24, $0x0;
	(erf) = vpow2.f32 v20  }
0x281: {  	v34 =	vld [tilespmem:s11+$0xFFFFFFF0];
	vm13 =	veq.s32 v26, $0x0;
	v15 =	vsel vm7, $0xCE6E6B28, v19;
	(erf) = vpow2.f32 v29  }
0x282: {  	v19 =	vld [tilespmem:s11+$0xFFFFFFA0];
	vm8 =	veq.s32 v31, $0x0;
	v31 =	vsub.f32 v15, v6;
	(erf) = vpow2.f32 v18  }
0x283: {  	v23 =	vld [tilespmem:s8+$0xFFFFFFA0];
	v15 =	vsel vm8, $0xCE6E6B28, v55;
	vm8 =	veq.s32 v37, $0x0;
	(erf) = vpow2.f32 v17  }
0x284: {  	v20 =	vld [tilespmem:s11+$0xFFFFFFB0];
	v32 =	vsub.f32 v15, v6;
	v15 =	vsel vm13, $0xCE6E6B28, v28;
	(erf) = vpow2.f32 v14  }
0x285: {  	v25 =	vmul.f32 $1.442695020e+00, v25;
	v26 =	vld [tilespmem:s8+$0xFFFFFFF0];
	v29 =	vpop (erf);
	v17 =	vsel vm8, $0xCE6E6B28, v56;
	(erf) = vpow2.f32 v13  }
0x286: {  	v22 =	vmul.f32 $1.442695020e+00, v22;
	v18 =	vld [tilespmem:s11+$0x0];
	v17 =	vsub.f32 v17, v6;
	v14 =	vpop (erf);
	(erf) = vpow2.f32 v27  }
0x287: {  	v44 =	vld [tilespmem:s11+$0xFFFFFF90];
	vm8 =	veq.s32 v19, $0x0;
	v19 =	vsub.f32 v15, v6;
	v15 =	vpop (erf);
	(erf) = vpow2.f32 v12  }
0x288: {  	v38 =	vld [tilespmem:s11+$0x40];
	v21 =	vmul.f32 $1.442695020e+00, v21;
	vm7 =	veq.s32 v34, $0x0;
	v12 =	vpop (erf);
	(erf) = vpow2.f32 v30  }
0x289: {  	v28 =	vld [tilespmem:s11+$0x20];
	vm14 =	veq.s32 v20, $0x0;
	v13 =	vmul.f32 $1.442695020e+00, v17;
	v58 =	vpop (erf);
	(erf) = vpow2.f32 v22  }
0x28a: {  	v27 =	vld [tilespmem:s8+$0xFFFFFFB0];
	v17 =	vsel vm8, $0xCE6E6B28, v23;
	(erf) = vpow2.f32 v25;
	v25 =	vsel vm7, $0xCE6E6B28, v26  }
0x28b: {  	v40 =	vld [tilespmem:s11+$0x30];
	vm8 =	veq.s32 v18, $0x0;
	v20 =	vpop (erf);
	(erf) = vpow2.f32 v21;
	v21 =	vsub.f32 v25, v6  }
0x28c: {  	v39 =	vld [tilespmem:s11+$0x60];
	v24 =	vsub.f32 v17, v6;
	v17 =	vsel vm15, $0xCE6E6B28, v36;
	v26 =	vsel vm8, $0xCE6E6B28, v57;
	v60 =	vpop (erf)  }
0x28d: {  	v16 =	vld [tilespmem:s8+$0xFFFFFF90];
	v62 =	vsub.f32 v26, v6;
	v61 =	vpop (erf);
	v26 =	vmul.f32 $1.442695020e+00, v21;
	v21 =	vsub.f32 v17, v6  }
0x28e: {  	v34 =	vld [tilespmem:s8+$0x30];
	v42 =	vmul.f32 $1.442695020e+00, v31;
	v32 =	vmul.f32 $1.442695020e+00, v32;
	v25 =	vadd.f32 v60, v11;
	v63 =	vpop (erf)  }
0x28f: {  	v37 =	vld [tilespmem:s11+$0x50];
	v19 =	vmul.f32 $1.442695020e+00, v19;
	vm7 =	veq.s32 v28, $0x0;
	v27 =	vsel vm14, $0xCE6E6B28, v27;
	v33 =	vpop (erf)  }
0x290: {  	v18 =	vld [tilespmem:s8+$0x50];
	v35 =	vsel vm7, $0xCE6E6B28, v59;
	vm7 =	veq.s32 v44, $0x0;
	v46 =	vadd.f32 v29, v25;
	v29 =	vpop (erf)  }
0x291: {  	v23 =	vld [tilespmem:s8+$0x60];
	v45 =	vadd.f32 v63, v11;
	v25 =	vsub.f32 v35, v6;
	v36 =	vmul.f32 $1.442695020e+00, v21;
	v21 =	vpop (erf)  }
0x292: {  	s31 =	simm.s32 $0x46B0;
	v30 =	vld [tilespmem:s11+$0x70];
	v43 =	vsub.f32 v27, v6;
	v28 =	vadd.f32 v61, v11;
	v17 =	vmul.f32 $1.442695020e+00, v62;
	v27 =	vpop (erf)  }
0x293: {  	s9 =	simm.s32 $0x10;
	s10 =	simm.s32 $0x6D00;
	s26 =	simm.s32 $0x8DB0;
	v22 =	vld [tilespmem:s8+$0x70];
	v35 =	vadd.f32 v58, v45;
	v25 =	vmul.f32 $1.442695020e+00, v25;
	v31 =	vadd.f32 v27, v46;
	v27 =	vpop (erf)  }
.LBB2_15:
0x294: {  	v44 =	vld [tilespmem:s10+$0xFFFFFFF0];
	s9 =	sadd.s32 $0x10, s9;
	v16 =	vsel vm7, $0xCE6E6B28, v16;
	v43 =	vmul.f32 $1.442695020e+00, v43;
	vm7 =	veq.s32 v38, $0x0;
	s8 =	sadd.s32 $0x100, s8;
	v38 =	vpop (erf)  }
0x295: {  	v11 =	vadd.f32 v33, v11;
	v45 =	vld [tilespmem:s10+$0x10];
	p2 =	slt.u32 s9, $0x220;
	v41 =	vsel vm7, $0xCE6E6B28, v41;
	(erf) = vpow2.f32 v42;
	v33 =	vpop (erf)  }
0x296: {  	v14 =	vadd.f32 v14, v35;
	v42 =	vld [tilespmem:s8+$0xFFFFFFE0];
	vm7 =	veq.s32 v40, $0x0;
	v40 =	vsub.f32 v41, v6  }
0x297: {  	v11 =	vadd.f32 v20, v11;
	v35 =	vld [tilespmem:s8+$0x10];
	v34 =	vsel vm7, $0xCE6E6B28, v34;
	vm7 =	veq.s32 v39, $0x0  }
0x298: {  	v39 =	vsub.f32 v16, v6;
	v20 =	vld [tilespmem:s10+$0xFFFFFFE0];
	v16 =	vmul.f32 $1.442695020e+00, v40;
	v23 =	vsel vm7, $0xCE6E6B28, v23  }
0x299: {  	v15 =	vadd.f32 v15, v28;
	v34 =	vsub.f32 v34, v6;
	vm7 =	veq.s32 v37, $0x0;
	v40 =	vld [tilespmem:s8+$0xFFFFFFC0]  }
0x29a: {  	v24 =	vmul.f32 $1.442695020e+00, v24;
	v18 =	vsel vm7, $0xCE6E6B28, v18;
	vm7 =	veq.s32 v30, $0x0;
	v28 =	vld [tilespmem:s8+$0xFFFFFFD0]  }
0x29b: {  	v23 =	vsub.f32 v23, v6;
	v34 =	vmul.f32 $1.442695020e+00, v34;
	v30 =	vld [tilespmem:s10+$0xFFFFFFC0];
	(erf) = vpow2.f32 v36  }
0x29c: {  	v15 =	vadd.f32 v29, v15;
	v18 =	vsub.f32 v18, v6;
	v22 =	vsel vm7, $0xCE6E6B28, v22;
	v36 =	vld [tilespmem:s10+$0xFFFFFFD0]  }
0x29d: {  	v33 =	vadd.f32 v33, v14;
	v23 =	vmul.f32 $1.442695020e+00, v23;
	v22 =	vsub.f32 v22, v6;
	v29 =	vld [tilespmem:s8+$0xFFFFFF80]  }
0x29e: {  	v31 =	vadd.f32 v12, v31;
	v41 =	vmul.f32 $1.442695020e+00, v18;
	v37 =	vld [tilespmem:s8+$0xFFFFFFA0];
	v46 =	vpop (erf);
	(erf) = vpow2.f32 v19  }
0x29f: {  	v11 =	vadd.f32 v38, v11;
	v22 =	vmul.f32 $1.442695020e+00, v22;
	v12 =	vld [tilespmem:s10+$0xFFFFFF80];
	(erf) = vpow2.f32 v16  }
0x2a0: {  	v18 =	vmul.f32 $1.442695020e+00, v39;
	v16 =	vld [tilespmem:s8+$0xFFFFFF90];
	vm7 =	veq.s32 v30, $0x0;
	(erf) = vpow2.f32 v32  }
0x2a1: {  	v47 =	vld [tilespmem:s10+$0xFFFFFF90];
	v14 =	vsel vm7, $0xCE6E6B28, v40;
	vm7 =	veq.s32 v44, $0x0;
	(erf) = vpow2.f32 v26  }
0x2a2: {  	v21 =	vadd.f32 v21, v15;
	vm8 =	veq.s32 v36, $0x0;
	v19 =	vld [tilespmem:s10+$0xFFFFFFA0];
	v32 =	vsub.f32 v14, v6  }
0x2a3: {  	v11 =	vadd.f32 v27, v11;
	v15 =	vsel vm8, $0xCE6E6B28, v28;
	v26 =	vld [tilespmem:s10+$0xFFFFFFB0];
	(erf) = vpow2.f32 v13  }
0x2a4: {  	vm9 =	veq.s32 v20, $0x0;
	vm8 =	veq.s32 v12, $0x0;
	v20 =	vld [tilespmem:s10+$0x0];
	(erf) = vpow2.f32 v24;
	v14 =	vpop (erf)  }
0x2a5: {  	v27 =	vsub.f32 v15, v6;
	v12 =	vsel vm8, $0xCE6E6B28, v29;
	v28 =	vld [tilespmem:s8+$0xFFFFFFF0];
	(erf) = vpow2.f32 v18  }
0x2a6: {  	v13 =	vsel vm9, $0xCE6E6B28, v42;
	v36 =	vsub.f32 v12, v6;
	v29 =	vld [tilespmem:s10+$0x20];
	(erf) = vpow2.f32 v43  }
0x2a7: {  	v18 =	vsub.f32 v13, v6;
	vm8 =	veq.s32 v19, $0x0;
	v30 =	vld [tilespmem:s8+$0x0];
	v15 =	vpop (erf);
	(erf) = vpow2.f32 v25  }
0x2a8: {  	v13 =	vmul.f32 $1.442695020e+00, v36;
	v24 =	vsel vm8, $0xCE6E6B28, v37;
	v25 =	vld [tilespmem:s8+$0xFFFFFFB0];
	v12 =	vpop (erf);
	(erf) = vpow2.f32 v23  }
0x2a9: {  	v19 =	vmul.f32 $1.442695020e+00, v18;
	vm8 =	veq.s32 v20, $0x0;
	v18 =	vld [tilespmem:s8+$0x50];
	v37 =	vpop (erf);
	(erf) = vpow2.f32 v17  }
0x2aa: {  	vm10 =	veq.s32 v45, $0x0;
	vm9 =	veq.s32 v26, $0x0;
	v23 =	vld [tilespmem:s8+$0x60];
	v20 =	vpop (erf);
	(erf) = vpow2.f32 v22  }
0x2ab: {  	v24 =	vsub.f32 v24, v6;
	v17 =	vsel vm10, $0xCE6E6B28, v35;
	v35 =	vld [tilespmem:s8+$0x20];
	(erf) = vpow2.f32 v34  }
0x2ac: {  	v26 =	vsel vm7, $0xCE6E6B28, v28;
	v28 =	vsel vm8, $0xCE6E6B28, v30;
	v22 =	vld [tilespmem:s8+$0x70];
	v34 =	vpop (erf);
	(erf) = vpow2.f32 v41  }
0x2ad: {  	v26 =	vsub.f32 v26, v6;
	v25 =	vsel vm9, $0xCE6E6B28, v25;
	v30 =	vld [tilespmem:s10+$0x70];
	v31 =	vadd.f32 v34, v31;
	v36 =	vpop (erf)  }
0x2ae: {  	vm7 =	veq.s32 v29, $0x0;
	v39 =	vsub.f32 v28, v6;
	v34 =	vld [tilespmem:s8+$0x30];
	v28 =	vadd.f32 v36, v21;
	v21 =	vpop (erf)  }
.Ltmp8:
0x2af: {  	v26 =	vmul.f32 $1.442695020e+00, v26;
	v36 =	vsub.f32 v17, v6;
	v38 =	vld [tilespmem:s10+$0x40];
	v44 =	vadd.f32 v21, v33;
	v33 =	vpop (erf);
	(pc) =	sbr.rel @p2 .LBB2_15-.Ltmp8, $4  }
0x2b0: {  	v17 =	vmul.f32 $1.442695020e+00, v39;
	v31 =	vadd.f32 v46, v31;
	v35 =	vsel vm7, $0xCE6E6B28, v35;
	v41 =	vld [tilespmem:s8+$0x40];
	v29 =	vpop (erf)  }
0x2b1: {  	v42 =	vmul.f32 $1.442695020e+00, v32;
	v36 =	vmul.f32 $1.442695020e+00, v36;
	v45 =	vsub.f32 v35, v6;
	v40 =	vld [tilespmem:s10+$0x30];
	v21 =	vpop (erf)  }
0x2b2: {  	v32 =	vmul.f32 $1.442695020e+00, v27;
	v43 =	vsub.f32 v25, v6;
	v35 =	vadd.f32 v37, v44;
	v39 =	vld [tilespmem:s10+$0x60];
	v27 =	vpop (erf)  }
0x2b3: {  	s11 =	simm.s32 $0x22C;
	vm7 =	veq.s32 v47, $0x0;
	v25 =	vmul.f32 $1.442695020e+00, v45;
	v37 =	vld [tilespmem:s10+$0x50];
	s10 =	sadd.s32 $0x100, s10;
	v31 =	vadd.f32 v27, v31;
	v27 =	vpop (erf)  }
0x2b4: {  	vm8 =	veq.s32 v38, $0x0  }
0x2b5: {  	v38 =	vsel vm8, $0xCE6E6B28, v41  }
0x2b6: {  	v38 =	vsub.f32 v38, v6  }
0x2b7: {  	(erf) = vpow2.f32 v42  }
0x2b8: {  	(erf) = vpow2.f32 v36;
	v38 =	vmul.f32 $1.442695020e+00, v38  }
0x2b9: {  	v16 =	vsel vm7, $0xCE6E6B28, v16;
	v44 =	vmul.f32 $1.442695020e+00, v43;
	(erf) = vpow2.f32 v19  }
0x2ba: {  	v24 =	vmul.f32 $1.442695020e+00, v24;
	v11 =	vadd.f32 v33, v11;
	(erf) = vpow2.f32 v38  }
0x2bb: {  	v16 =	vsub.f32 v16, v6;
	vm7 =	veq.s32 v40, $0x0;
	(erf) = vpow2.f32 v32  }
0x2bc: {  	v34 =	vsel vm7, $0xCE6E6B28, v34;
	vm7 =	veq.s32 v39, $0x0;
	(erf) = vpow2.f32 v26  }
0x2bd: {  	v16 =	vmul.f32 $1.442695020e+00, v16;
	v23 =	vsel vm7, $0xCE6E6B28, v23;
	(erf) = vpow2.f32 v13  }
0x2be: {  	vm7 =	veq.s32 v30, $0x0;
	v23 =	vsub.f32 v23, v6;
	v13 =	vpop (erf);
	(erf) = vpow2.f32 v24  }
0x2bf: {  	v15 =	vadd.f32 v15, v28;
	v22 =	vsel vm7, $0xCE6E6B28, v22;
	v45 =	vpop (erf);
	(erf) = vpow2.f32 v16  }
0x2c0: {  	v22 =	vsub.f32 v22, v6;
	v46 =	vmul.f32 $1.442695020e+00, v23;
	v47 =	vpop (erf);
	(erf) = vpow2.f32 v44  }
0x2c1: {  	v48 =	vsub.f32 v34, v6;
	vm7 =	veq.s32 v37, $0x0;
	v49 =	vpop (erf);
	(erf) = vpow2.f32 v25  }
0x2c2: {  	v18 =	vsel vm7, $0xCE6E6B28, v18;
	v22 =	vmul.f32 $1.442695020e+00, v22;
	v50 =	vpop (erf);
	(erf) = vpow2.f32 v46  }
0x2c3: {  	v51 =	vmul.f32 $1.442695020e+00, v48;
	v18 =	vsub.f32 v18, v6;
	v52 =	vpop (erf);
	(erf) = vpow2.f32 v17  }
0x2c4: {  	v11 =	vadd.f32 v20, v11;
	v54 =	vpop (erf);
	(erf) = vpow2.f32 v22  }
0x2c5: {  	v15 =	vadd.f32 v29, v15;
	v53 =	vmul.f32 $1.442695020e+00, v18;
	v55 =	vpop (erf);
	(erf) = vpow2.f32 v51  }
0x2c6: {  	v14 =	vadd.f32 v14, v35;
	v56 =	vpop (erf)  }
0x2c7: {  	v15 =	vadd.f32 v21, v15;
	v11 =	vadd.f32 v13, v11;
	(erf) = vpow2.f32 v53;
	v13 =	vpop (erf)  }
0x2c8: {  	v12 =	vadd.f32 v12, v31;
	v57 =	vpop (erf)  }
0x2c9: {  	v14 =	vadd.f32 v45, v14;
	v11 =	vadd.f32 v27, v11;
	v58 =	vpop (erf)  }
0x2ca: {  	v12 =	vadd.f32 v56, v12;
	v13 =	vadd.f32 v13, v15;
	v59 =	vpop (erf)  }
0x2cb: {  	v14 =	vadd.f32 v57, v14;
	v11 =	vadd.f32 v58, v11;
	v15 =	vpop (erf)  }
0x2cc: {  	v12 =	vadd.f32 v47, v12;
	v13 =	vadd.f32 v50, v13;
	v60 =	vpop (erf)  }
0x2cd: {  	v14 =	vadd.f32 v54, v14;
	v11 =	vadd.f32 v55, v11;
	v61 =	vpop (erf)  }
0x2ce: {  	v16 =	vadd.f32 v59, v13;
	v12 =	vadd.f32 v60, v12;
	v62 =	vpop (erf)  }
0x2cf: {  	v14 =	vadd.f32 v49, v14;
	v17 =	vadd.f32 v62, v11  }
0x2d0: {  	v63 =	vpop (erf);
	v13 =	vadd.f32 v52, v12;
	v12 =	vadd.f32 v15, v16  }
0x2d1: {  	v11 =	vadd.f32 v63, v14;
	v14 =	vadd.f32 v61, v17  }
.LBB2_17:
0x2d2: {  	v15 =	vld [tilespmem:s31+$0xFFFFFFD0]  }
0x2d3: {  	v16 =	vld [tilespmem:s26+$0xFFFFFFD0]  }
0x2d4: {  	v17 =	vld [tilespmem:s31+$0xFFFFFFE0]  }
0x2d5: {  	v18 =	vld [tilespmem:s26+$0xFFFFFFE0]  }
0x2d6: {  	v19 =	vld [tilespmem:s31+$0xFFFFFFF0]  }
0x2d7: {  	v20 =	vld [tilespmem:s26+$0xFFFFFFF0]  }
0x2d8: {  	v21 =	vld [tilespmem:s26+$0x0]  }
0x2d9: {  	v22 =	vld [tilespmem:s31+$0x0]  }
0x2da: {  	vm7 =	veq.s32 v16, $0x0  }
0x2db: {  	v15 =	vsel vm7, $0xCE6E6B28, v15;
	vm7 =	veq.s32 v18, $0x0  }
0x2dc: {  	v58 =	vsel vm7, $0xCE6E6B28, v17;
	vm7 =	veq.s32 v20, $0x0;
	v15 =	vsub.f32 v15, v6  }
0x2dd: {  	v59 =	vsel vm7, $0xCE6E6B28, v19;
	vm7 =	veq.s32 v21, $0x0;
	v16 =	vsub.f32 v58, v6  }
0x2de: {  	v60 =	vsel vm7, $0xCE6E6B28, v22;
	v15 =	vmul.f32 $1.442695020e+00, v15;
	v17 =	vsub.f32 v59, v6  }
0x2df: {  	v16 =	vmul.f32 $1.442695020e+00, v16;
	v18 =	vsub.f32 v60, v6  }
0x2e0: {  	(erf) = vpow2.f32 v15;
	v15 =	vmul.f32 $1.442695020e+00, v17  }
0x2e1: {  	(erf) = vpow2.f32 v16;
	v61 =	vmul.f32 $1.442695020e+00, v18  }
0x2e2: {  	(erf) = vpow2.f32 v15  }
0x2e3: {  	(erf) = vpow2.f32 v61;
	_ =	sdelay $0x3  }
0x2e4: {  	s11 =	sadd.s32 $0x4, s11  }
0x2e5: {  	p2 =	slt.u32 s11, $0x234  }
.Ltmp9:
0x2e6: {  	v15 =	vpop (erf);
	(pc) =	sbr.rel @p2 .LBB2_17-.Ltmp9, $4  }
0x2e7: {  	v62 =	vpop (erf)  }
0x2e8: {  	v63 =	vpop (erf)  }
0x2e9: {  	v13 =	vadd.f32 v15, v13;
	v11 =	vadd.f32 v62, v11;
	v15 =	vpop (erf)  }
0x2ea: {  	s26 =	sadd.s32 $0x40, s26;
	s31 =	sadd.s32 $0x40, s31;
	v12 =	vadd.f32 v63, v12;
	v14 =	vadd.f32 v15, v14  }
0x2eb: {  	v15 =	vld [tilespmem:$0x9000]  }
0x2ec: {  	v16 =	vld [tilespmem:$0x9010];
	_ =	sdelay $0x2  }
0x2ed: {  	(xrf0) =	vmax.scan.msk.f32 $0xffff, v6;
	v10 =	vsub.f32 v10, v6  }
0x2ee: {  	vm7 =	veq.s32 v15, $0x0  }
0x2ef: {  	v10 =	vmul.f32 $1.442695020e+00, v10;
	vm8 =	veq.s32 v16, $0x0;
	v8 =	vsel vm7, $0xCE6E6B28, v8  }
0x2f0: {  	v7 =	vsel vm8, $0xCE6E6B28, v7;
	v8 =	vsub.f32 v8, v6  }
0x2f1: {  	v7 =	vsub.f32 v7, v6  }
0x2f2: {  	v8 =	vmul.f32 $1.442695020e+00, v8  }
0x2f3: {  	(erf) = vpow2.f32 v10;
	v10, _, _ =	vpop (xrf0);
	v7 =	vmul.f32 $1.442695020e+00, v7  }
0x2f4: {  	(erf) = vpow2.f32 v8;
	v8 =	vbroadcast v10, $0xF  }
0x2f5: {  	(erf) = vpow2.f32 v7  }
0x2f6: {  	v7 =	vsub.f32 v6, v8;
	_ =	sdelay $0x1  }
0x2f7: {  	v7 =	vmul.f32 $1.442695020e+00, v7;
	_ =	sdelay $0x1  }
0x2f8: {  	(erf) = vpow2.f32 v7  }
0x2f9: {  	v10 =	vadd.f32 v11, v13;
	v11 =	vadd.f32 v14, v12  }
0x2fa: {  	v7 =	vpop (erf)  }
0x2fb: {  	v62 =	vpop (erf);
	v7 =	vmul.f32 v7, v9;
	v9 =	vadd.f32 v11, v10  }
0x2fc: {  	v63 =	vpop (erf)  }
0x2fd: {  	v10 =	vadd.f32 v63, v62;
	v7 =	vadd.f32 v9, v7;
	_ =	sdelay $0x1  }
0x2fe: {  	v9 =	vpsel !p1, $0x0, v10  }
0x2ff: {  	v9 =	vadd.f32 v9, v7  }
0x300: {  	v7 =	vpop (erf)  }
0x301: {  	v7 =	vmul.f32 v9, v7;
	_ =	sdelay $0x1  }
0x302: {  	(xrf2) =	vadd.scan.msk.f32 $0xffff, v7;
	_ =	sdelay $0x8  }
.Ltmp10:
0x303: {  	_ = 	snop;
	(pc) =	sbr.rel @p0 .LBB2_20-.Ltmp10, $4  }
0x304: {  	vm7 =	vmmov vm0;
	v10 =	vmov s19;
	v7, _, _ =	vpop (xrf2)  }
0x305: {  	vm7 =	vmneg @p1 vm7;
	vm8 =	veq.s32 v10, v1;
	v7 =	vbroadcast v7, $0xF  }
0x306: {  	vm7 =	vmand vm7, vm8  }
0x307: {  	v4 =	vsel vm7, v8, v4;
	v5 =	vsel vm7, v7, v5  }
0x308: {  	s1 =	sadd.s32 $0x3, s1  }
0x309: {  	s8 =	smulhi.u32 $0x2E8BA2E9, s1;
	_ =	sdelay $0x1  }
0x30a: {  	s8 =	sshrl.u32 s8, $0x1  }
0x30b: {  	s9 =	sadd.s32 s7, s8;
	s8 =	smul.u32 $0xB, s8  }
0x30c: {  	s10 =	sshrl.u32 s9, $0x3  }
0x30d: {  	s10 =	smul.u32 $0xC3800, s10;
	s1 =	ssub.s32 s1, s8  }
0x30e: {  	s1 =	smul.u32 $0x11C00, s1  }
0x30f: {  	s26 =	sshll.u32 s9, $0x7  }
0x310: {  	s8 =	sand.u32 $0x380, s26;
	s1 =	sadd.s32 s1, s10  }
0x311: {  	s1 =	sor.u32 s8, s1  }
.Ltmp11:
0x312: {  	s1 =	sshrl.u32 s1, $0x3;
	(pc) =	sbr.rel .LBB2_2-.Ltmp11, $4  }
0x313: {  	s31 =	sadd.s32 s4, s1  }
0x314: {  	[tilespmem:s20], [sflag:$0x2] =	stream.strided.gather [hbm4b:s31+s17], $0x2380, s18, s17, $0x38;
	[tilespmem:$0x9100] =	vst v63  }
0x315: {  	s3 =	sadd.s32 $0x1, s3;
	s1 =	sadd.s32 s5, s1  }
0x316: {  	[tilespmem:s21], [sflag:$0x4] =	stream.strided.gather [hbm4b:s1+s17], $0x2380, s18, s17, $0x38;
	[tilespmem:$0x9100] =	vst v63  }
.LBB2_21:
0x317: {  	_ =	sfence.sel $0x180000  }
0x318: {  	[bflag:$0x0] =	sbarrier.arrive $0xFFFF  }
0x319: {  	_ =	strace $0x90000047  }
0x31a: {  	s0 =	stileid.u32;
	[bflag:$0x2] =	sbarrier.arrive $0xFFFF  }
0x31b: {  	p0 =	sne.s32 s0, $0x0;
	s0 =	rddreg [dreg:$0x2]  }
0x31c: {  	s0 =	sadd.s32 @!p0 $0x100000, s0  }
0x31d: {  	[sflag:s0] =	ssyncadd.tile.s32 @!p0 $0x1;
	_ =	shalt  }
.Lfunc_end2:
_tile_overlayer_lowered:
.L_overlay_start_2:
0x31e: {  	(tag) =	ssettag $0x2  }
0x31f: {  	s0 =	rddreg [dreg:$0x0];
	s2 =	stileid.u32  }
0x320: {  	s1 =	rddreg [dreg:$0x1];
	p0 =	sne.s32 s2, $0x0  }
0x321: {  	s3 =	rddreg [dreg:$0x2];
	[bflag:$0x3] =	sbarrier.arrive $0xFFFF;
	s2 =	simm.s32 @!p0 $0x1C05  }
0x322: {  	[timem:s3], [sflag:s2] =	dma.local @!p0 [hbm:s0], s1  }
0x323: {  	s0 =	simm.s32 @!p0 $0x5  }
0x324: {  	_ =	swait.ge @!p0 [sflag:s0], s1  }
0x325: {  	s1 =	ssub.s32 @!p0 $0x0, s1;
	[sflag:s0] =	ssyncset.done @!p0 $0x0  }
0x326: {  	[sflag:s0] =	ssyncadd.s32 @!p0 s1  }
0x327: {  	[bflag:$0x3] =	sbarrier.arrive $0xFFFF  }
0x328: {  	_ =	shalt  }

</sc_bundles>
